<compile_context>
chip_gen: v7x
topology: tpu7x:2x2x1
jax: 0.10.2.dev20260603
libtpu: 0.0.44.dev20260713+nightly
codegen_flags: <defaults>
</compile_context>

<pallas_src>
import jax
import jax.numpy as jnp
from jax import lax
from jax.experimental import pallas as pl
from jax.experimental.pallas import tpu as pltpu
from jax.experimental.pallas import tpu_sc as plsc

D = 64
NC = 2
NS = 16
NW = NC * NS
BW = 128
LG = 8
BC = 8
CPOS = LG * BC
NCH = BW // BC


def _sc_body(seq_hbm, ids_hbm, table_hbm, out_hbm,
             slab_v,
             idx1_0, idx1_1, idx2_0, idx2_1, w1_0, w1_1, w2_0, w2_1,
             rows1_0, rows1_1, rows2_0, rows2_1,
             seq_0, seq_1, outb_0, outb_1,
             sem_g0, sem_g1, sem_s0, sem_s1, sem_o0, sem_o1):
    idx1_v = (idx1_0, idx1_1)
    idx2_v = (idx2_0, idx2_1)
    w1_v = (w1_0, w1_1)
    w2_v = (w2_0, w2_1)
    rows1_v = (rows1_0, rows1_1)
    rows2_v = (rows2_0, rows2_1)
    seq_v = (seq_0, seq_1)
    out_v = (outb_0, outb_1)
    sem_g = (sem_g0, sem_g1)
    sem_s = (sem_s0, sem_s1)
    sem_o = (sem_o0, sem_o1)

    wid = lax.axis_index("s") * NC + lax.axis_index("c")
    wb = wid * BW
    ngroups = ids_hbm.shape[0] // LG

    iota = lax.iota(jnp.int32, 16)
    zeros16 = iota * 0
    ones16 = zeros16 + 1
    li_lo = lax.shift_right_logical(iota, 3)
    bi16 = lax.bitwise_and(iota, zeros16 + 7)

    def stage_slab(g):
        pltpu.sync_copy(ids_hbm.at[pl.ds(g * LG, LG), :, :, pl.ds(wb, BW)],
                        slab_v)

    def prefetch(g, k, b):
        for v in range(CPOS // 16):
            li = li_lo + 2 * v
            bv = bi16 + k * BC
            sl = pl.ds(v * 16, 16)
            idx1_v[b][sl] = plsc.load_gather(slab_v, [li, zeros16, zeros16, bv])
            w1_v[b][sl] = plsc.load_gather(slab_v, [li, zeros16, ones16, bv])
            idx2_v[b][sl] = plsc.load_gather(slab_v, [li, ones16, zeros16, bv])
            w2_v[b][sl] = plsc.load_gather(slab_v, [li, ones16, ones16, bv])
        pltpu.async_copy(table_hbm.at[idx1_v[b]], rows1_v[b], sem_g[b])
        pltpu.async_copy(table_hbm.at[idx2_v[b]], rows2_v[b], sem_g[b])
        b0 = wb + k * BC
        l0 = g * LG
        pltpu.async_copy(seq_hbm.at[pl.ds(b0, BC), pl.ds(l0, LG)], seq_v[b],
                         sem_s[b])

    def wait_in(b):
        pltpu.make_async_copy(table_hbm.at[idx1_v[b]], rows1_v[b], sem_g[b]).wait()
        pltpu.make_async_copy(table_hbm.at[idx2_v[b]], rows2_v[b], sem_g[b]).wait()
        pltpu.make_async_copy(seq_hbm.at[pl.ds(0, BC), pl.ds(0, LG)], seq_v[b],
                              sem_s[b]).wait()

    def wait_out(b):
        pltpu.make_async_copy(out_v[b], out_hbm.at[pl.ds(0, BC), pl.ds(0, LG)],
                              sem_o[b]).wait()

    def compute(g, k, b):
        wait_in(b)

        @pl.when(g * NCH + k >= 2)
        def _():
            wait_out(b)

        r1, r2, sq, ob = rows1_v[b], rows2_v[b], seq_v[b], out_v[b]
        wv1, wv2 = w1_v[b], w2_v[b]

        @plsc.parallel_loop(0, CPOS, unroll=4)
        def pos(p):
            bi = lax.bitwise_and(p, BC - 1)
            li = lax.shift_right_logical(p, 3)
            ws1 = plsc.load_gather(wv1, [zeros16 + p]).astype(jnp.float32)
            ws2 = plsc.load_gather(wv2, [zeros16 + p]).astype(jnp.float32)
            for d in range(D // 16):
                sl = pl.ds(d * 16, 16)
                ob[bi, li, sl] = (sq[bi, li, sl] + r1[p, sl] * ws1
                                  + r2[p, sl] * ws2)

        b0 = wb + k * BC
        l0 = g * LG
        pltpu.async_copy(ob, out_hbm.at[pl.ds(b0, BC), pl.ds(l0, LG)], sem_o[b])

    def body(g, _):
        stage_slab(g)
        prefetch(g, 0, 0)
        prefetch(g, 1, 1)

        def inner(k2, _):
            k = k2 * 2
            compute(g, k, 0)
            prefetch(g, k + 2, 0)
            compute(g, k + 1, 1)
            prefetch(g, k + 3, 1)
            return 0

        lax.fori_loop(0, NCH // 2 - 1, inner, 0)
        compute(g, NCH - 2, 0)
        compute(g, NCH - 1, 1)
        return 0

    lax.fori_loop(0, ngroups, body, 0)

    wait_out(0)
    wait_out(1)


def kernel(sequence, id, player_embeddings):
    b, l, d = sequence.shape
    ids_t = jnp.transpose(id.astype(jnp.int32), (1, 2, 3, 0))
    table2 = jnp.pad(player_embeddings, ((0, 0), (0, 128 - d)))
    mesh = plsc.VectorSubcoreMesh(core_axis_name="c", subcore_axis_name="s")
    run = pl.kernel(
        _sc_body,
        out_type=jax.ShapeDtypeStruct((b, l, d), jnp.float32),
        mesh=mesh,
        compiler_params=pltpu.CompilerParams(needs_layout_passes=False),
        scratch_types=[
            pltpu.VMEM((LG, 2, 2, BW), jnp.int32),
            pltpu.VMEM((CPOS,), jnp.int32),
            pltpu.VMEM((CPOS,), jnp.int32),
            pltpu.VMEM((CPOS,), jnp.int32),
            pltpu.VMEM((CPOS,), jnp.int32),
            pltpu.VMEM((CPOS,), jnp.int32),
            pltpu.VMEM((CPOS,), jnp.int32),
            pltpu.VMEM((CPOS,), jnp.int32),
            pltpu.VMEM((CPOS,), jnp.int32),
            pltpu.VMEM((CPOS, 128), jnp.float32),
            pltpu.VMEM((CPOS, 128), jnp.float32),
            pltpu.VMEM((CPOS, 128), jnp.float32),
            pltpu.VMEM((CPOS, 128), jnp.float32),
            pltpu.VMEM((BC, LG, D), jnp.float32),
            pltpu.VMEM((BC, LG, D), jnp.float32),
            pltpu.VMEM((BC, LG, D), jnp.float32),
            pltpu.VMEM((BC, LG, D), jnp.float32),
            pltpu.SemaphoreType.DMA,
            pltpu.SemaphoreType.DMA,
            pltpu.SemaphoreType.DMA,
            pltpu.SemaphoreType.DMA,
            pltpu.SemaphoreType.DMA,
            pltpu.SemaphoreType.DMA,
        ],
    )
    return run(sequence, ids_t, table2)

# --- scband reference (transcript-rebuilt; emitter-appended) ---
"""Pipeline reference for scband-alternating-embedding-adder-27616639713589 (READ-ONLY COPY).

The authoritative reference and input builder live on the scoring server;
editing this copy changes nothing except your own understanding.
"""

import jax, jax.numpy as jnp
import numpy as np

VOCAB = 100000
D = 64
B = 4096
L = 200

def setup_inputs(seed: int = 0) -> dict:
    key = jax.random.key(seed)
    k1, k2, k3 = jax.random.split(key, 3)
    sequence = jax.random.normal(k1, (B, L, D), dtype=jnp.float32)
    ids = jax.random.randint(k2, (B, L, 2, 2), 0, VOCAB, dtype=jnp.int64 if jax.config.jax_enable_x64 else jnp.int32)
    table = jax.random.normal(k3, (VOCAB, D), dtype=jnp.float32)
    # padding_idx=0: torch initializes the padding row to zeros
    table = table.at[0].set(0.0)
    return {"sequence": sequence, "id": ids, "player_embeddings": table}

def reference(sequence, id, player_embeddings):
    # player1 = Embedding(id[:, :, 0, 0]); player2 = Embedding(id[:, :, 1, 0])
    player1 = jnp.take(player_embeddings, id[:, :, 0, 0], axis=0)
    player2 = jnp.take(player_embeddings, id[:, :, 1, 0], axis=0)
    w1 = id[:, :, 0, 1][..., None].astype(sequence.dtype)
    w2 = id[:, :, 1, 1][..., None].astype(sequence.dtype)
    id_embedding = player1 * w1 + player2 * w2
    return sequence + id_embedding

if __name__ == "__main__":
    import jax
    _d = setup_inputs()
    print(jax.jit(kernel)(*tuple(_d.values())))

</pallas_src>

<mosaic_0001>
#map = affine_map<(d0, d1) -> (0, 0, 0)>
#map1 = affine_map<(d0, d1) -> (0, 0, 0, 0)>
#map2 = affine_map<(d0, d1) -> (0, 0)>
module attributes {stable_mosaic.version = 14 : i64} {
  func.func @_sc_body(%arg0: i32, %arg1: i32, %arg2: memref<4096x200x64xf32, #tpu.memory_space<hbm>>, %arg3: memref<200x2x2x4096xi32, #tpu.memory_space<hbm>>, %arg4: memref<100000x128xf32, #tpu.memory_space<hbm>>, %arg5: memref<4096x200x64xf32, #tpu.memory_space<hbm>>, %arg6: memref<8x2x2x128xi32, #tpu.memory_space<vmem>>, %arg7: memref<64xi32, #tpu.memory_space<vmem>>, %arg8: memref<64xi32, #tpu.memory_space<vmem>>, %arg9: memref<64xi32, #tpu.memory_space<vmem>>, %arg10: memref<64xi32, #tpu.memory_space<vmem>>, %arg11: memref<64xi32, #tpu.memory_space<vmem>>, %arg12: memref<64xi32, #tpu.memory_space<vmem>>, %arg13: memref<64xi32, #tpu.memory_space<vmem>>, %arg14: memref<64xi32, #tpu.memory_space<vmem>>, %arg15: memref<64x128xf32, #tpu.memory_space<vmem>>, %arg16: memref<64x128xf32, #tpu.memory_space<vmem>>, %arg17: memref<64x128xf32, #tpu.memory_space<vmem>>, %arg18: memref<64x128xf32, #tpu.memory_space<vmem>>, %arg19: memref<8x8x64xf32, #tpu.memory_space<vmem>>, %arg20: memref<8x8x64xf32, #tpu.memory_space<vmem>>, %arg21: memref<8x8x64xf32, #tpu.memory_space<vmem>>, %arg22: memref<8x8x64xf32, #tpu.memory_space<vmem>>, %arg23: memref<!tpu.dma_semaphore, #tpu.memory_space<semaphore_mem>>, %arg24: memref<!tpu.dma_semaphore, #tpu.memory_space<semaphore_mem>>, %arg25: memref<!tpu.dma_semaphore, #tpu.memory_space<semaphore_mem>>, %arg26: memref<!tpu.dma_semaphore, #tpu.memory_space<semaphore_mem>>, %arg27: memref<!tpu.dma_semaphore, #tpu.memory_space<semaphore_mem>>, %arg28: memref<!tpu.dma_semaphore, #tpu.memory_space<semaphore_mem>>) attributes {dimension_semantics = [#tpu.dimension_semantics<core_parallel>, #tpu.dimension_semantics<subcore_parallel>], iteration_bounds = array<i64: 2, 16>, scalar_prefetch = 0 : i64, scratch_operands = 23 : i64, tpu.core_type = #tpu.core_type<sc_vector_subcore>, window_params = [{transform_indices = #map}, {transform_indices = #map1}, {transform_indices = #map2}, {transform_indices = #map}]} {
    %mul3A = arith.constant 2 : i32
    %mul3A_0 = arith.muli %arg1, %mul3A : i32
    %add3A = arith.addi %mul3A_0, %arg0 : i32
    %mul3A_1 = arith.constant 128 : i32
    %mul3A_2 = arith.muli %add3A, %mul3A_1 : i32
    %iota3A = tpu.iota {dimensions = array<i32: 0>} : vector<16xi32>
    %mul3A_3 = arith.constant 0 : i32
    %mul3A_4 = vector.broadcast %mul3A_3 : i32 to vector<16xi32>
    %mul3A_5 = arith.muli %iota3A, %mul3A_4 : vector<16xi32>
    %add3A_6 = arith.constant 1 : i32
    %add3A_7 = vector.broadcast %add3A_6 : i32 to vector<16xi32>
    %add3A_8 = arith.addi %mul3A_5, %add3A_7 : vector<16xi32>
    %shift_right_logical3A = arith.constant 3 : i32
    %shift_right_logical3A_9 = vector.broadcast %shift_right_logical3A : i32 to vector<16xi32>
    %shift_right_logical3A_10 = arith.shrui %iota3A, %shift_right_logical3A_9 : vector<16xi32>
    %add3A_11 = arith.constant 7 : i32
    %add3A_12 = vector.broadcast %add3A_11 : i32 to vector<16xi32>
    %add3A_13 = arith.addi %mul3A_5, %add3A_12 : vector<16xi32>
    %and3A = arith.andi %iota3A, %add3A_13 : vector<16xi32>
    %scan3A = arith.constant 0 : i32
    %scan3A_14 = arith.constant 0 : i32
    %scan3A_15 = arith.constant 25 : i32
    %scan3A_16 = arith.addi %scan3A_14, %scan3A_15 : i32
    %scan3A_17 = arith.constant 1 : i32
    %scan3A_18 = scf.for %scan3A_35 = %scan3A_14 to %scan3A_16 step %scan3A_17 iter_args(%scan3A_36 = %scan3A) -> (i32)  : i32 {
      %mul3A_37 = arith.constant 8 : i32
      %mul3A_38 = arith.muli %scan3A_35, %mul3A_37 : i32
      "tpu.region"() ({
        %run_scoped3A = tpu.sem_alloc : memref<!tpu.dma_semaphore, #tpu.memory_space<semaphore_mem>>
        %dma_start3A_280 = arith.constant 0 : i32
        %dma_start3A_281 = arith.constant 0 : i32
        %dma_start3A_282 = tpu.memref_slice %arg3[%mul3A_38, %dma_start3A_280, %dma_start3A_281, %mul3A_2] : memref<200x2x2x4096xi32, #tpu.memory_space<hbm>> -> memref<8x2x2x128xi32, #tpu.memory_space<hbm>>
        %dma_start3A_283 = arith.constant 0 : i32
        %dma_start3A_284 = arith.constant 0 : i32
        %dma_start3A_285 = tpu.memref_slice %arg3[%mul3A_38, %dma_start3A_283, %dma_start3A_284, %mul3A_2] : memref<200x2x2x4096xi32, #tpu.memory_space<hbm>> -> memref<8x2x2x128xi32, #tpu.memory_space<hbm>>
        tpu.enqueue_dma source(%dma_start3A_285 : memref<8x2x2x128xi32, #tpu.memory_space<hbm>>) target(%arg6 : memref<8x2x2x128xi32, #tpu.memory_space<vmem>>) target_semaphore(%run_scoped3A : memref<!tpu.dma_semaphore, #tpu.memory_space<semaphore_mem>>)
        %dma_wait3A_286 = arith.constant 0 : i32
        %dma_wait3A_287 = arith.constant 0 : i32
        %dma_wait3A_288 = tpu.memref_slice %arg3[%mul3A_38, %dma_wait3A_286, %dma_wait3A_287, %mul3A_2] : memref<200x2x2x4096xi32, #tpu.memory_space<hbm>> -> memref<8x2x2x128xi32, #tpu.memory_space<hbm>>
        %dma_wait3A_289 = arith.constant 0 : i32
        %dma_wait3A_290 = arith.constant 0 : i32
        %dma_wait3A_291 = tpu.memref_slice %arg3[%mul3A_38, %dma_wait3A_289, %dma_wait3A_290, %mul3A_2] : memref<200x2x2x4096xi32, #tpu.memory_space<hbm>> -> memref<8x2x2x128xi32, #tpu.memory_space<hbm>>
        tpu.wait_dma2 semaphore(%run_scoped3A : memref<!tpu.dma_semaphore, #tpu.memory_space<semaphore_mem>>) src(%dma_wait3A_291 : memref<8x2x2x128xi32, #tpu.memory_space<hbm>>) dst(%arg6 : memref<8x2x2x128xi32, #tpu.memory_space<vmem>>)
        tpu.yield
      }) : () -> ()
      %add3A_39 = arith.constant 0 : i32
      %add3A_40 = vector.broadcast %add3A_39 : i32 to vector<16xi32>
      %add3A_41 = arith.addi %shift_right_logical3A_10, %add3A_40 : vector<16xi32>
      %add3A_42 = arith.constant 0 : i32
      %add3A_43 = vector.broadcast %add3A_42 : i32 to vector<16xi32>
      %add3A_44 = arith.addi %and3A, %add3A_43 : vector<16xi32>
      %gather3A = tpu.vector_load_idx %arg6[%add3A_41, %mul3A_5, %mul3A_5, %add3A_44] : memref<8x2x2x128xi32, #tpu.memory_space<vmem>>[vector<16xi32>, vector<16xi32>, vector<16xi32>, vector<16xi32>], vector<16xi32>,
      %swap3A = arith.constant 0 : index
      %swap3A_45 = tpu.vector_load %arg7[%swap3A] {strides = array<i32>} : memref<64xi32, #tpu.memory_space<vmem>>, vector<16xi32>,
      tpu.vector_store %arg7[%swap3A], %gather3A {strides = array<i32>} : memref<64xi32, #tpu.memory_space<vmem>>, vector<16xi32>,
      %gather3A_46 = tpu.vector_load_idx %arg6[%add3A_41, %mul3A_5, %add3A_8, %add3A_44] : memref<8x2x2x128xi32, #tpu.memory_space<vmem>>[vector<16xi32>, vector<16xi32>, vector<16xi32>, vector<16xi32>], vector<16xi32>,
      %swap3A_47 = arith.constant 0 : index
      %swap3A_48 = tpu.vector_load %arg11[%swap3A_47] {strides = array<i32>} : memref<64xi32, #tpu.memory_space<vmem>>, vector<16xi32>,
      tpu.vector_store %arg11[%swap3A_47], %gather3A_46 {strides = array<i32>} : memref<64xi32, #tpu.memory_space<vmem>>, vector<16xi32>,
      %gather3A_49 = tpu.vector_load_idx %arg6[%add3A_41, %add3A_8, %mul3A_5, %add3A_44] : memref<8x2x2x128xi32, #tpu.memory_space<vmem>>[vector<16xi32>, vector<16xi32>, vector<16xi32>, vector<16xi32>], vector<16xi32>,
      %swap3A_50 = arith.constant 0 : index
      %swap3A_51 = tpu.vector_load %arg9[%swap3A_50] {strides = array<i32>} : memref<64xi32, #tpu.memory_space<vmem>>, vector<16xi32>,
      tpu.vector_store %arg9[%swap3A_50], %gather3A_49 {strides = array<i32>} : memref<64xi32, #tpu.memory_space<vmem>>, vector<16xi32>,
      %gather3A_52 = tpu.vector_load_idx %arg6[%add3A_41, %add3A_8, %add3A_8, %add3A_44] : memref<8x2x2x128xi32, #tpu.memory_space<vmem>>[vector<16xi32>, vector<16xi32>, vector<16xi32>, vector<16xi32>], vector<16xi32>,
      %swap3A_53 = arith.constant 0 : index
      %swap3A_54 = tpu.vector_load %arg13[%swap3A_53] {strides = array<i32>} : memref<64xi32, #tpu.memory_space<vmem>>, vector<16xi32>,
      tpu.vector_store %arg13[%swap3A_53], %gather3A_52 {strides = array<i32>} : memref<64xi32, #tpu.memory_space<vmem>>, vector<16xi32>,
      %add3A_55 = arith.constant 2 : i32
      %add3A_56 = vector.broadcast %add3A_55 : i32 to vector<16xi32>
      %add3A_57 = arith.addi %shift_right_logical3A_10, %add3A_56 : vector<16xi32>
      %add3A_58 = arith.constant 0 : i32
      %add3A_59 = vector.broadcast %add3A_58 : i32 to vector<16xi32>
      %add3A_60 = arith.addi %and3A, %add3A_59 : vector<16xi32>
      %gather3A_61 = tpu.vector_load_idx %arg6[%add3A_57, %mul3A_5, %mul3A_5, %add3A_60] : memref<8x2x2x128xi32, #tpu.memory_space<vmem>>[vector<16xi32>, vector<16xi32>, vector<16xi32>, vector<16xi32>], vector<16xi32>,
      %swap3A_62 = arith.constant 16 : index
      %swap3A_63 = tpu.vector_load %arg7[%swap3A_62] {strides = array<i32>} : memref<64xi32, #tpu.memory_space<vmem>>, vector<16xi32>,
      tpu.vector_store %arg7[%swap3A_62], %gather3A_61 {strides = array<i32>} : memref<64xi32, #tpu.memory_space<vmem>>, vector<16xi32>,
      %gather3A_64 = tpu.vector_load_idx %arg6[%add3A_57, %mul3A_5, %add3A_8, %add3A_60] : memref<8x2x2x128xi32, #tpu.memory_space<vmem>>[vector<16xi32>, vector<16xi32>, vector<16xi32>, vector<16xi32>], vector<16xi32>,
      %swap3A_65 = arith.constant 16 : index
      %swap3A_66 = tpu.vector_load %arg11[%swap3A_65] {strides = array<i32>} : memref<64xi32, #tpu.memory_space<vmem>>, vector<16xi32>,
      tpu.vector_store %arg11[%swap3A_65], %gather3A_64 {strides = array<i32>} : memref<64xi32, #tpu.memory_space<vmem>>, vector<16xi32>,
      %gather3A_67 = tpu.vector_load_idx %arg6[%add3A_57, %add3A_8, %mul3A_5, %add3A_60] : memref<8x2x2x128xi32, #tpu.memory_space<vmem>>[vector<16xi32>, vector<16xi32>, vector<16xi32>, vector<16xi32>], vector<16xi32>,
      %swap3A_68 = arith.constant 16 : index
      %swap3A_69 = tpu.vector_load %arg9[%swap3A_68] {strides = array<i32>} : memref<64xi32, #tpu.memory_space<vmem>>, vector<16xi32>,
      tpu.vector_store %arg9[%swap3A_68], %gather3A_67 {strides = array<i32>} : memref<64xi32, #tpu.memory_space<vmem>>, vector<16xi32>,
      %gather3A_70 = tpu.vector_load_idx %arg6[%add3A_57, %add3A_8, %add3A_8, %add3A_60] : memref<8x2x2x128xi32, #tpu.memory_space<vmem>>[vector<16xi32>, vector<16xi32>, vector<16xi32>, vector<16xi32>], vector<16xi32>,
      %swap3A_71 = arith.constant 16 : index
      %swap3A_72 = tpu.vector_load %arg13[%swap3A_71] {strides = array<i32>} : memref<64xi32, #tpu.memory_space<vmem>>, vector<16xi32>,
      tpu.vector_store %arg13[%swap3A_71], %gather3A_70 {strides = array<i32>} : memref<64xi32, #tpu.memory_space<vmem>>, vector<16xi32>,
      %add3A_73 = arith.constant 4 : i32
      %add3A_74 = vector.broadcast %add3A_73 : i32 to vector<16xi32>
      %add3A_75 = arith.addi %shift_right_logical3A_10, %add3A_74 : vector<16xi32>
      %add3A_76 = arith.constant 0 : i32
      %add3A_77 = vector.broadcast %add3A_76 : i32 to vector<16xi32>
      %add3A_78 = arith.addi %and3A, %add3A_77 : vector<16xi32>
      %gather3A_79 = tpu.vector_load_idx %arg6[%add3A_75, %mul3A_5, %mul3A_5, %add3A_78] : memref<8x2x2x128xi32, #tpu.memory_space<vmem>>[vector<16xi32>, vector<16xi32>, vector<16xi32>, vector<16xi32>], vector<16xi32>,
      %swap3A_80 = arith.constant 32 : index
      %swap3A_81 = tpu.vector_load %arg7[%swap3A_80] {strides = array<i32>} : memref<64xi32, #tpu.memory_space<vmem>>, vector<16xi32>,
      tpu.vector_store %arg7[%swap3A_80], %gather3A_79 {strides = array<i32>} : memref<64xi32, #tpu.memory_space<vmem>>, vector<16xi32>,
      %gather3A_82 = tpu.vector_load_idx %arg6[%add3A_75, %mul3A_5, %add3A_8, %add3A_78] : memref<8x2x2x128xi32, #tpu.memory_space<vmem>>[vector<16xi32>, vector<16xi32>, vector<16xi32>, vector<16xi32>], vector<16xi32>,
      %swap3A_83 = arith.constant 32 : index
      %swap3A_84 = tpu.vector_load %arg11[%swap3A_83] {strides = array<i32>} : memref<64xi32, #tpu.memory_space<vmem>>, vector<16xi32>,
      tpu.vector_store %arg11[%swap3A_83], %gather3A_82 {strides = array<i32>} : memref<64xi32, #tpu.memory_space<vmem>>, vector<16xi32>,
      %gather3A_85 = tpu.vector_load_idx %arg6[%add3A_75, %add3A_8, %mul3A_5, %add3A_78] : memref<8x2x2x128xi32, #tpu.memory_space<vmem>>[vector<16xi32>, vector<16xi32>, vector<16xi32>, vector<16xi32>], vector<16xi32>,
      %swap3A_86 = arith.constant 32 : index
      %swap3A_87 = tpu.vector_load %arg9[%swap3A_86] {strides = array<i32>} : memref<64xi32, #tpu.memory_space<vmem>>, vector<16xi32>,
      tpu.vector_store %arg9[%swap3A_86], %gather3A_85 {strides = array<i32>} : memref<64xi32, #tpu.memory_space<vmem>>, vector<16xi32>,
      %gather3A_88 = tpu.vector_load_idx %arg6[%add3A_75, %add3A_8, %add3A_8, %add3A_78] : memref<8x2x2x128xi32, #tpu.memory_space<vmem>>[vector<16xi32>, vector<16xi32>, vector<16xi32>, vector<16xi32>], vector<16xi32>,
      %swap3A_89 = arith.constant 32 : index
      %swap3A_90 = tpu.vector_load %arg13[%swap3A_89] {strides = array<i32>} : memref<64xi32, #tpu.memory_space<vmem>>, vector<16xi32>,
      tpu.vector_store %arg13[%swap3A_89], %gather3A_88 {strides = array<i32>} : memref<64xi32, #tpu.memory_space<vmem>>, vector<16xi32>,
      %add3A_91 = arith.constant 6 : i32
      %add3A_92 = vector.broadcast %add3A_91 : i32 to vector<16xi32>
      %add3A_93 = arith.addi %shift_right_logical3A_10, %add3A_92 : vector<16xi32>
      %add3A_94 = arith.constant 0 : i32
      %add3A_95 = vector.broadcast %add3A_94 : i32 to vector<16xi32>
      %add3A_96 = arith.addi %and3A, %add3A_95 : vector<16xi32>
      %gather3A_97 = tpu.vector_load_idx %arg6[%add3A_93, %mul3A_5, %mul3A_5, %add3A_96] : memref<8x2x2x128xi32, #tpu.memory_space<vmem>>[vector<16xi32>, vector<16xi32>, vector<16xi32>, vector<16xi32>], vector<16xi32>,
      %swap3A_98 = arith.constant 48 : index
      %swap3A_99 = tpu.vector_load %arg7[%swap3A_98] {strides = array<i32>} : memref<64xi32, #tpu.memory_space<vmem>>, vector<16xi32>,
      tpu.vector_store %arg7[%swap3A_98], %gather3A_97 {strides = array<i32>} : memref<64xi32, #tpu.memory_space<vmem>>, vector<16xi32>,
      %gather3A_100 = tpu.vector_load_idx %arg6[%add3A_93, %mul3A_5, %add3A_8, %add3A_96] : memref<8x2x2x128xi32, #tpu.memory_space<vmem>>[vector<16xi32>, vector<16xi32>, vector<16xi32>, vector<16xi32>], vector<16xi32>,
      %swap3A_101 = arith.constant 48 : index
      %swap3A_102 = tpu.vector_load %arg11[%swap3A_101] {strides = array<i32>} : memref<64xi32, #tpu.memory_space<vmem>>, vector<16xi32>,
      tpu.vector_store %arg11[%swap3A_101], %gather3A_100 {strides = array<i32>} : memref<64xi32, #tpu.memory_space<vmem>>, vector<16xi32>,
      %gather3A_103 = tpu.vector_load_idx %arg6[%add3A_93, %add3A_8, %mul3A_5, %add3A_96] : memref<8x2x2x128xi32, #tpu.memory_space<vmem>>[vector<16xi32>, vector<16xi32>, vector<16xi32>, vector<16xi32>], vector<16xi32>,
      %swap3A_104 = arith.constant 48 : index
      %swap3A_105 = tpu.vector_load %arg9[%swap3A_104] {strides = array<i32>} : memref<64xi32, #tpu.memory_space<vmem>>, vector<16xi32>,
      tpu.vector_store %arg9[%swap3A_104], %gather3A_103 {strides = array<i32>} : memref<64xi32, #tpu.memory_space<vmem>>, vector<16xi32>,
      %gather3A_106 = tpu.vector_load_idx %arg6[%add3A_93, %add3A_8, %add3A_8, %add3A_96] : memref<8x2x2x128xi32, #tpu.memory_space<vmem>>[vector<16xi32>, vector<16xi32>, vector<16xi32>, vector<16xi32>], vector<16xi32>,
      %swap3A_107 = arith.constant 48 : index
      %swap3A_108 = tpu.vector_load %arg13[%swap3A_107] {strides = array<i32>} : memref<64xi32, #tpu.memory_space<vmem>>, vector<16xi32>,
      tpu.vector_store %arg13[%swap3A_107], %gather3A_106 {strides = array<i32>} : memref<64xi32, #tpu.memory_space<vmem>>, vector<16xi32>,
      %dma_start3A = arith.constant 0 : i32
      %dma_start3A_109 = arith.constant 0 : i32
      %dma_start3A_110 = tpu.memref_slice %arg4[%dma_start3A, %dma_start3A_109] : memref<100000x128xf32, #tpu.memory_space<hbm>> -> memref<100000x128xf32, #tpu.memory_space<hbm>>
      tpu.enqueue_indirect_dma source(%dma_start3A_110 : memref<100000x128xf32, #tpu.memory_space<hbm>>) target(%arg15 : memref<64x128xf32, #tpu.memory_space<vmem>>) offsets(%arg7 : memref<64xi32, #tpu.memory_space<vmem>>) semaphore(%arg23 : memref<!tpu.dma_semaphore, #tpu.memory_space<semaphore_mem>>)
      %dma_start3A_111 = arith.constant 0 : i32
      %dma_start3A_112 = arith.constant 0 : i32
      %dma_start3A_113 = tpu.memref_slice %arg4[%dma_start3A_111, %dma_start3A_112] : memref<100000x128xf32, #tpu.memory_space<hbm>> -> memref<100000x128xf32, #tpu.memory_space<hbm>>
      tpu.enqueue_indirect_dma source(%dma_start3A_113 : memref<100000x128xf32, #tpu.memory_space<hbm>>) target(%arg17 : memref<64x128xf32, #tpu.memory_space<vmem>>) offsets(%arg9 : memref<64xi32, #tpu.memory_space<vmem>>) semaphore(%arg23 : memref<!tpu.dma_semaphore, #tpu.memory_space<semaphore_mem>>)
      %add3A_114 = arith.constant 0 : i32
      %add3A_115 = arith.addi %mul3A_2, %add3A_114 : i32
      %mul3A_116 = arith.constant 8 : i32
      %mul3A_117 = arith.muli %scan3A_35, %mul3A_116 : i32
      %dma_start3A_118 = arith.constant 0 : i32
      %dma_start3A_119 = tpu.memref_slice %arg2[%add3A_115, %mul3A_117, %dma_start3A_118] : memref<4096x200x64xf32, #tpu.memory_space<hbm>> -> memref<8x8x64xf32, #tpu.memory_space<hbm>>
      %dma_start3A_120 = arith.constant 0 : i32
      %dma_start3A_121 = tpu.memref_slice %arg2[%add3A_115, %mul3A_117, %dma_start3A_120] : memref<4096x200x64xf32, #tpu.memory_space<hbm>> -> memref<8x8x64xf32, #tpu.memory_space<hbm>>
      tpu.enqueue_dma source(%dma_start3A_121 : memref<8x8x64xf32, #tpu.memory_space<hbm>>) target(%arg19 : memref<8x8x64xf32, #tpu.memory_space<vmem>>) target_semaphore(%arg25 : memref<!tpu.dma_semaphore, #tpu.memory_space<semaphore_mem>>)
      %add3A_122 = arith.constant 0 : i32
      %add3A_123 = vector.broadcast %add3A_122 : i32 to vector<16xi32>
      %add3A_124 = arith.addi %shift_right_logical3A_10, %add3A_123 : vector<16xi32>
      %add3A_125 = arith.constant 8 : i32
      %add3A_126 = vector.broadcast %add3A_125 : i32 to vector<16xi32>
      %add3A_127 = arith.addi %and3A, %add3A_126 : vector<16xi32>
      %gather3A_128 = tpu.vector_load_idx %arg6[%add3A_124, %mul3A_5, %mul3A_5, %add3A_127] : memref<8x2x2x128xi32, #tpu.memory_space<vmem>>[vector<16xi32>, vector<16xi32>, vector<16xi32>, vector<16xi32>], vector<16xi32>,
      %swap3A_129 = arith.constant 0 : index
      %swap3A_130 = tpu.vector_load %arg8[%swap3A_129] {strides = array<i32>} : memref<64xi32, #tpu.memory_space<vmem>>, vector<16xi32>,
      tpu.vector_store %arg8[%swap3A_129], %gather3A_128 {strides = array<i32>} : memref<64xi32, #tpu.memory_space<vmem>>, vector<16xi32>,
      %gather3A_131 = tpu.vector_load_idx %arg6[%add3A_124, %mul3A_5, %add3A_8, %add3A_127] : memref<8x2x2x128xi32, #tpu.memory_space<vmem>>[vector<16xi32>, vector<16xi32>, vector<16xi32>, vector<16xi32>], vector<16xi32>,
      %swap3A_132 = arith.constant 0 : index
      %swap3A_133 = tpu.vector_load %arg12[%swap3A_132] {strides = array<i32>} : memref<64xi32, #tpu.memory_space<vmem>>, vector<16xi32>,
      tpu.vector_store %arg12[%swap3A_132], %gather3A_131 {strides = array<i32>} : memref<64xi32, #tpu.memory_space<vmem>>, vector<16xi32>,
      %gather3A_134 = tpu.vector_load_idx %arg6[%add3A_124, %add3A_8, %mul3A_5, %add3A_127] : memref<8x2x2x128xi32, #tpu.memory_space<vmem>>[vector<16xi32>, vector<16xi32>, vector<16xi32>, vector<16xi32>], vector<16xi32>,
      %swap3A_135 = arith.constant 0 : index
      %swap3A_136 = tpu.vector_load %arg10[%swap3A_135] {strides = array<i32>} : memref<64xi32, #tpu.memory_space<vmem>>, vector<16xi32>,
      tpu.vector_store %arg10[%swap3A_135], %gather3A_134 {strides = array<i32>} : memref<64xi32, #tpu.memory_space<vmem>>, vector<16xi32>,
      %gather3A_137 = tpu.vector_load_idx %arg6[%add3A_124, %add3A_8, %add3A_8, %add3A_127] : memref<8x2x2x128xi32, #tpu.memory_space<vmem>>[vector<16xi32>, vector<16xi32>, vector<16xi32>, vector<16xi32>], vector<16xi32>,
      %swap3A_138 = arith.constant 0 : index
      %swap3A_139 = tpu.vector_load %arg14[%swap3A_138] {strides = array<i32>} : memref<64xi32, #tpu.memory_space<vmem>>, vector<16xi32>,
      tpu.vector_store %arg14[%swap3A_138], %gather3A_137 {strides = array<i32>} : memref<64xi32, #tpu.memory_space<vmem>>, vector<16xi32>,
      %add3A_140 = arith.constant 2 : i32
      %add3A_141 = vector.broadcast %add3A_140 : i32 to vector<16xi32>
      %add3A_142 = arith.addi %shift_right_logical3A_10, %add3A_141 : vector<16xi32>
      %add3A_143 = arith.constant 8 : i32
      %add3A_144 = vector.broadcast %add3A_143 : i32 to vector<16xi32>
      %add3A_145 = arith.addi %and3A, %add3A_144 : vector<16xi32>
      %gather3A_146 = tpu.vector_load_idx %arg6[%add3A_142, %mul3A_5, %mul3A_5, %add3A_145] : memref<8x2x2x128xi32, #tpu.memory_space<vmem>>[vector<16xi32>, vector<16xi32>, vector<16xi32>, vector<16xi32>], vector<16xi32>,
      %swap3A_147 = arith.constant 16 : index
      %swap3A_148 = tpu.vector_load %arg8[%swap3A_147] {strides = array<i32>} : memref<64xi32, #tpu.memory_space<vmem>>, vector<16xi32>,
      tpu.vector_store %arg8[%swap3A_147], %gather3A_146 {strides = array<i32>} : memref<64xi32, #tpu.memory_space<vmem>>, vector<16xi32>,
      %gather3A_149 = tpu.vector_load_idx %arg6[%add3A_142, %mul3A_5, %add3A_8, %add3A_145] : memref<8x2x2x128xi32, #tpu.memory_space<vmem>>[vector<16xi32>, vector<16xi32>, vector<16xi32>, vector<16xi32>], vector<16xi32>,
      %swap3A_150 = arith.constant 16 : index
      %swap3A_151 = tpu.vector_load %arg12[%swap3A_150] {strides = array<i32>} : memref<64xi32, #tpu.memory_space<vmem>>, vector<16xi32>,
      tpu.vector_store %arg12[%swap3A_150], %gather3A_149 {strides = array<i32>} : memref<64xi32, #tpu.memory_space<vmem>>, vector<16xi32>,
      %gather3A_152 = tpu.vector_load_idx %arg6[%add3A_142, %add3A_8, %mul3A_5, %add3A_145] : memref<8x2x2x128xi32, #tpu.memory_space<vmem>>[vector<16xi32>, vector<16xi32>, vector<16xi32>, vector<16xi32>], vector<16xi32>,
      %swap3A_153 = arith.constant 16 : index
      %swap3A_154 = tpu.vector_load %arg10[%swap3A_153] {strides = array<i32>} : memref<64xi32, #tpu.memory_space<vmem>>, vector<16xi32>,
      tpu.vector_store %arg10[%swap3A_153], %gather3A_152 {strides = array<i32>} : memref<64xi32, #tpu.memory_space<vmem>>, vector<16xi32>,
      %gather3A_155 = tpu.vector_load_idx %arg6[%add3A_142, %add3A_8, %add3A_8, %add3A_145] : memref<8x2x2x128xi32, #tpu.memory_space<vmem>>[vector<16xi32>, vector<16xi32>, vector<16xi32>, vector<16xi32>], vector<16xi32>,
      %swap3A_156 = arith.constant 16 : index
      %swap3A_157 = tpu.vector_load %arg14[%swap3A_156] {strides = array<i32>} : memref<64xi32, #tpu.memory_space<vmem>>, vector<16xi32>,
      tpu.vector_store %arg14[%swap3A_156], %gather3A_155 {strides = array<i32>} : memref<64xi32, #tpu.memory_space<vmem>>, vector<16xi32>,
      %add3A_158 = arith.constant 4 : i32
      %add3A_159 = vector.broadcast %add3A_158 : i32 to vector<16xi32>
      %add3A_160 = arith.addi %shift_right_logical3A_10, %add3A_159 : vector<16xi32>
      %add3A_161 = arith.constant 8 : i32
      %add3A_162 = vector.broadcast %add3A_161 : i32 to vector<16xi32>
      %add3A_163 = arith.addi %and3A, %add3A_162 : vector<16xi32>
      %gather3A_164 = tpu.vector_load_idx %arg6[%add3A_160, %mul3A_5, %mul3A_5, %add3A_163] : memref<8x2x2x128xi32, #tpu.memory_space<vmem>>[vector<16xi32>, vector<16xi32>, vector<16xi32>, vector<16xi32>], vector<16xi32>,
      %swap3A_165 = arith.constant 32 : index
      %swap3A_166 = tpu.vector_load %arg8[%swap3A_165] {strides = array<i32>} : memref<64xi32, #tpu.memory_space<vmem>>, vector<16xi32>,
      tpu.vector_store %arg8[%swap3A_165], %gather3A_164 {strides = array<i32>} : memref<64xi32, #tpu.memory_space<vmem>>, vector<16xi32>,
      %gather3A_167 = tpu.vector_load_idx %arg6[%add3A_160, %mul3A_5, %add3A_8, %add3A_163] : memref<8x2x2x128xi32, #tpu.memory_space<vmem>>[vector<16xi32>, vector<16xi32>, vector<16xi32>, vector<16xi32>], vector<16xi32>,
      %swap3A_168 = arith.constant 32 : index
      %swap3A_169 = tpu.vector_load %arg12[%swap3A_168] {strides = array<i32>} : memref<64xi32, #tpu.memory_space<vmem>>, vector<16xi32>,
      tpu.vector_store %arg12[%swap3A_168], %gather3A_167 {strides = array<i32>} : memref<64xi32, #tpu.memory_space<vmem>>, vector<16xi32>,
      %gather3A_170 = tpu.vector_load_idx %arg6[%add3A_160, %add3A_8, %mul3A_5, %add3A_163] : memref<8x2x2x128xi32, #tpu.memory_space<vmem>>[vector<16xi32>, vector<16xi32>, vector<16xi32>, vector<16xi32>], vector<16xi32>,
      %swap3A_171 = arith.constant 32 : index
      %swap3A_172 = tpu.vector_load %arg10[%swap3A_171] {strides = array<i32>} : memref<64xi32, #tpu.memory_space<vmem>>, vector<16xi32>,
      tpu.vector_store %arg10[%swap3A_171], %gather3A_170 {strides = array<i32>} : memref<64xi32, #tpu.memory_space<vmem>>, vector<16xi32>,
      %gather3A_173 = tpu.vector_load_idx %arg6[%add3A_160, %add3A_8, %add3A_8, %add3A_163] : memref<8x2x2x128xi32, #tpu.memory_space<vmem>>[vector<16xi32>, vector<16xi32>, vector<16xi32>, vector<16xi32>], vector<16xi32>,
      %swap3A_174 = arith.constant 32 : index
      %swap3A_175 = tpu.vector_load %arg14[%swap3A_174] {strides = array<i32>} : memref<64xi32, #tpu.memory_space<vmem>>, vector<16xi32>,
      tpu.vector_store %arg14[%swap3A_174], %gather3A_173 {strides = array<i32>} : memref<64xi32, #tpu.memory_space<vmem>>, vector<16xi32>,
      %add3A_176 = arith.constant 6 : i32
      %add3A_177 = vector.broadcast %add3A_176 : i32 to vector<16xi32>
      %add3A_178 = arith.addi %shift_right_logical3A_10, %add3A_177 : vector<16xi32>
      %add3A_179 = arith.constant 8 : i32
      %add3A_180 = vector.broadcast %add3A_179 : i32 to vector<16xi32>
      %add3A_181 = arith.addi %and3A, %add3A_180 : vector<16xi32>
      %gather3A_182 = tpu.vector_load_idx %arg6[%add3A_178, %mul3A_5, %mul3A_5, %add3A_181] : memref<8x2x2x128xi32, #tpu.memory_space<vmem>>[vector<16xi32>, vector<16xi32>, vector<16xi32>, vector<16xi32>], vector<16xi32>,
      %swap3A_183 = arith.constant 48 : index
      %swap3A_184 = tpu.vector_load %arg8[%swap3A_183] {strides = array<i32>} : memref<64xi32, #tpu.memory_space<vmem>>, vector<16xi32>,
      tpu.vector_store %arg8[%swap3A_183], %gather3A_182 {strides = array<i32>} : memref<64xi32, #tpu.memory_space<vmem>>, vector<16xi32>,
      %gather3A_185 = tpu.vector_load_idx %arg6[%add3A_178, %mul3A_5, %add3A_8, %add3A_181] : memref<8x2x2x128xi32, #tpu.memory_space<vmem>>[vector<16xi32>, vector<16xi32>, vector<16xi32>, vector<16xi32>], vector<16xi32>,
      %swap3A_186 = arith.constant 48 : index
      %swap3A_187 = tpu.vector_load %arg12[%swap3A_186] {strides = array<i32>} : memref<64xi32, #tpu.memory_space<vmem>>, vector<16xi32>,
      tpu.vector_store %arg12[%swap3A_186], %gather3A_185 {strides = array<i32>} : memref<64xi32, #tpu.memory_space<vmem>>, vector<16xi32>,
      %gather3A_188 = tpu.vector_load_idx %arg6[%add3A_178, %add3A_8, %mul3A_5, %add3A_181] : memref<8x2x2x128xi32, #tpu.memory_space<vmem>>[vector<16xi32>, vector<16xi32>, vector<16xi32>, vector<16xi32>], vector<16xi32>,
      %swap3A_189 = arith.constant 48 : index
      %swap3A_190 = tpu.vector_load %arg10[%swap3A_189] {strides = array<i32>} : memref<64xi32, #tpu.memory_space<vmem>>, vector<16xi32>,
      tpu.vector_store %arg10[%swap3A_189], %gather3A_188 {strides = array<i32>} : memref<64xi32, #tpu.memory_space<vmem>>, vector<16xi32>,
      %gather3A_191 = tpu.vector_load_idx %arg6[%add3A_178, %add3A_8, %add3A_8, %add3A_181] : memref<8x2x2x128xi32, #tpu.memory_space<vmem>>[vector<16xi32>, vector<16xi32>, vector<16xi32>, vector<16xi32>], vector<16xi32>,
      %swap3A_192 = arith.constant 48 : index
      %swap3A_193 = tpu.vector_load %arg14[%swap3A_192] {strides = array<i32>} : memref<64xi32, #tpu.memory_space<vmem>>, vector<16xi32>,
      tpu.vector_store %arg14[%swap3A_192], %gather3A_191 {strides = array<i32>} : memref<64xi32, #tpu.memory_space<vmem>>, vector<16xi32>,
      %dma_start3A_194 = arith.constant 0 : i32
      %dma_start3A_195 = arith.constant 0 : i32
      %dma_start3A_196 = tpu.memref_slice %arg4[%dma_start3A_194, %dma_start3A_195] : memref<100000x128xf32, #tpu.memory_space<hbm>> -> memref<100000x128xf32, #tpu.memory_space<hbm>>
      tpu.enqueue_indirect_dma source(%dma_start3A_196 : memref<100000x128xf32, #tpu.memory_space<hbm>>) target(%arg16 : memref<64x128xf32, #tpu.memory_space<vmem>>) offsets(%arg8 : memref<64xi32, #tpu.memory_space<vmem>>) semaphore(%arg24 : memref<!tpu.dma_semaphore, #tpu.memory_space<semaphore_mem>>)
      %dma_start3A_197 = arith.constant 0 : i32
      %dma_start3A_198 = arith.constant 0 : i32
      %dma_start3A_199 = tpu.memref_slice %arg4[%dma_start3A_197, %dma_start3A_198] : memref<100000x128xf32, #tpu.memory_space<hbm>> -> memref<100000x128xf32, #tpu.memory_space<hbm>>
      tpu.enqueue_indirect_dma source(%dma_start3A_199 : memref<100000x128xf32, #tpu.memory_space<hbm>>) target(%arg18 : memref<64x128xf32, #tpu.memory_space<vmem>>) offsets(%arg10 : memref<64xi32, #tpu.memory_space<vmem>>) semaphore(%arg24 : memref<!tpu.dma_semaphore, #tpu.memory_space<semaphore_mem>>)
      %add3A_200 = arith.constant 8 : i32
      %add3A_201 = arith.addi %mul3A_2, %add3A_200 : i32
      %mul3A_202 = arith.constant 8 : i32
      %mul3A_203 = arith.muli %scan3A_35, %mul3A_202 : i32
      %dma_start3A_204 = arith.constant 0 : i32
      %dma_start3A_205 = tpu.memref_slice %arg2[%add3A_201, %mul3A_203, %dma_start3A_204] : memref<4096x200x64xf32, #tpu.memory_space<hbm>> -> memref<8x8x64xf32, #tpu.memory_space<hbm>>
      %dma_start3A_206 = arith.constant 0 : i32
      %dma_start3A_207 = tpu.memref_slice %arg2[%add3A_201, %mul3A_203, %dma_start3A_206] : memref<4096x200x64xf32, #tpu.memory_space<hbm>> -> memref<8x8x64xf32, #tpu.memory_space<hbm>>
      tpu.enqueue_dma source(%dma_start3A_207 : memref<8x8x64xf32, #tpu.memory_space<hbm>>) target(%arg20 : memref<8x8x64xf32, #tpu.memory_space<vmem>>) target_semaphore(%arg26 : memref<!tpu.dma_semaphore, #tpu.memory_space<semaphore_mem>>)
      %scan3A_208 = arith.constant 0 : i32
      %scan3A_209 = arith.constant 0 : i32
      %scan3A_210 = arith.constant 7 : i32
      %scan3A_211 = arith.addi %scan3A_209, %scan3A_210 : i32
      %scan3A_212 = arith.constant 1 : i32
      %scan3A_213 = scf.for %scan3A_280 = %scan3A_209 to %scan3A_211 step %scan3A_212 iter_args(%scan3A_281 = %scan3A_208) -> (i32)  : i32 {
        %mul3A_282 = arith.constant 2 : i32
        %mul3A_283 = arith.muli %scan3A_280, %mul3A_282 : i32
        %dma_wait3A_284 = arith.constant 0 : i32
        %dma_wait3A_285 = arith.constant 0 : i32
        %dma_wait3A_286 = tpu.memref_slice %arg4[%dma_wait3A_284, %dma_wait3A_285] : memref<100000x128xf32, #tpu.memory_space<hbm>> -> memref<100000x128xf32, #tpu.memory_space<hbm>>
        tpu.wait_indirect_dma semaphore(%arg23 : memref<!tpu.dma_semaphore, #tpu.memory_space<semaphore_mem>>) src(%dma_wait3A_286 : memref<100000x128xf32, #tpu.memory_space<hbm>>) dst(%arg15 : memref<64x128xf32, #tpu.memory_space<vmem>>)
        %dma_wait3A_287 = arith.constant 0 : i32
        %dma_wait3A_288 = arith.constant 0 : i32
        %dma_wait3A_289 = tpu.memref_slice %arg4[%dma_wait3A_287, %dma_wait3A_288] : memref<100000x128xf32, #tpu.memory_space<hbm>> -> memref<100000x128xf32, #tpu.memory_space<hbm>>
        tpu.wait_indirect_dma semaphore(%arg23 : memref<!tpu.dma_semaphore, #tpu.memory_space<semaphore_mem>>) src(%dma_wait3A_289 : memref<100000x128xf32, #tpu.memory_space<hbm>>) dst(%arg17 : memref<64x128xf32, #tpu.memory_space<vmem>>)
        %dma_wait3A_290 = arith.constant 0 : i32
        %dma_wait3A_291 = arith.constant 0 : i32
        %dma_wait3A_292 = arith.constant 0 : i32
        %dma_wait3A_293 = tpu.memref_slice %arg2[%dma_wait3A_290, %dma_wait3A_291, %dma_wait3A_292] : memref<4096x200x64xf32, #tpu.memory_space<hbm>> -> memref<8x8x64xf32, #tpu.memory_space<hbm>>
        %dma_wait3A_294 = arith.constant 0 : i32
        %dma_wait3A_295 = arith.constant 0 : i32
        %dma_wait3A_296 = arith.constant 0 : i32
        %dma_wait3A_297 = tpu.memref_slice %arg2[%dma_wait3A_294, %dma_wait3A_295, %dma_wait3A_296] : memref<4096x200x64xf32, #tpu.memory_space<hbm>> -> memref<8x8x64xf32, #tpu.memory_space<hbm>>
        tpu.wait_dma2 semaphore(%arg25 : memref<!tpu.dma_semaphore, #tpu.memory_space<semaphore_mem>>) src(%dma_wait3A_297 : memref<8x8x64xf32, #tpu.memory_space<hbm>>) dst(%arg19 : memref<8x8x64xf32, #tpu.memory_space<vmem>>)
        %mul3A_298 = arith.constant 16 : i32
        %mul3A_299 = arith.muli %scan3A_35, %mul3A_298 : i32
        %add3A_300 = arith.addi %mul3A_299, %mul3A_283 : i32
        %ge3A_301 = arith.constant 2 : i32
        %ge3A_302 = arith.cmpi sge, %add3A_300, %ge3A_301 : i32
        %convert_element_type3A_303 = arith.extui %ge3A_302 : i1 to i32
        %cond3A_304 = arith.constant 0 : i32
        %cond3A_305 = arith.cmpi ne, %convert_element_type3A_303, %cond3A_304 : i32
        scf.if %cond3A_305 {
          %dma_wait3A_541 = arith.constant 0 : i32
          %dma_wait3A_542 = arith.constant 0 : i32
          %dma_wait3A_543 = arith.constant 0 : i32
          %dma_wait3A_544 = tpu.memref_slice %arg5[%dma_wait3A_541, %dma_wait3A_542, %dma_wait3A_543] : memref<4096x200x64xf32, #tpu.memory_space<hbm>> -> memref<8x8x64xf32, #tpu.memory_space<hbm>>
          %dma_wait3A_545 = arith.constant 0 : i32
          %dma_wait3A_546 = arith.constant 0 : i32
          %dma_wait3A_547 = arith.constant 0 : i32
          %dma_wait3A_548 = tpu.memref_slice %arg5[%dma_wait3A_545, %dma_wait3A_546, %dma_wait3A_547] : memref<4096x200x64xf32, #tpu.memory_space<hbm>> -> memref<8x8x64xf32, #tpu.memory_space<hbm>>
          tpu.wait_dma2 semaphore(%arg27 : memref<!tpu.dma_semaphore, #tpu.memory_space<semaphore_mem>>) src(%arg21 : memref<8x8x64xf32, #tpu.memory_space<vmem>>) dst(%dma_wait3A_548 : memref<8x8x64xf32, #tpu.memory_space<hbm>>)
        } else {
        }
        %parallel_loop3A_306 = arith.constant 0 : i32
        %parallel_loop3A_307 = arith.constant 64 : i32
        %parallel_loop3A_308 = arith.constant 1 : i32
        scf.for %parallel_loop3A_541 = %parallel_loop3A_306 to %parallel_loop3A_307 step %parallel_loop3A_308  : i32 {
          %parallel_loop3A_542 = arith.constant 7 : i32
          %parallel_loop3A_543 = arith.andi %parallel_loop3A_541, %parallel_loop3A_542 : i32
          %parallel_loop3A_544 = arith.constant 3 : i32
          %parallel_loop3A_545 = arith.shrui %parallel_loop3A_541, %parallel_loop3A_544 : i32
          %parallel_loop3A_546 = vector.broadcast %parallel_loop3A_541 : i32 to vector<16xi32>
          %parallel_loop3A_547 = arith.addi %mul3A_5, %parallel_loop3A_546 : vector<16xi32>
          %parallel_loop3A_548 = tpu.vector_load_idx %arg11[%parallel_loop3A_547] : memref<64xi32, #tpu.memory_space<vmem>>[vector<16xi32>], vector<16xi32>,
          %parallel_loop3A_549 = arith.sitofp %parallel_loop3A_548 : vector<16xi32> to vector<16xf32>
          %parallel_loop3A_550 = vector.broadcast %parallel_loop3A_541 : i32 to vector<16xi32>
          %parallel_loop3A_551 = arith.addi %mul3A_5, %parallel_loop3A_550 : vector<16xi32>
          %parallel_loop3A_552 = tpu.vector_load_idx %arg13[%parallel_loop3A_551] : memref<64xi32, #tpu.memory_space<vmem>>[vector<16xi32>], vector<16xi32>,
          %parallel_loop3A_553 = arith.sitofp %parallel_loop3A_552 : vector<16xi32> to vector<16xf32>
          %parallel_loop3A_554 = arith.index_cast %parallel_loop3A_543 : i32 to index
          %parallel_loop3A_555 = arith.index_cast %parallel_loop3A_545 : i32 to index
          %parallel_loop3A_556 = arith.constant 0 : index
          %parallel_loop3A_557 = tpu.vector_load %arg19[%parallel_loop3A_554, %parallel_loop3A_555, %parallel_loop3A_556] {strides = array<i32>} : memref<8x8x64xf32, #tpu.memory_space<vmem>>, vector<16xf32>,
          %parallel_loop3A_558 = arith.index_cast %parallel_loop3A_541 : i32 to index
          %parallel_loop3A_559 = arith.constant 0 : index
          %parallel_loop3A_560 = tpu.vector_load %arg15[%parallel_loop3A_558, %parallel_loop3A_559] {strides = array<i32>} : memref<64x128xf32, #tpu.memory_space<vmem>>, vector<16xf32>,
          %parallel_loop3A_561 = arith.mulf %parallel_loop3A_560, %parallel_loop3A_549 : vector<16xf32>
          %parallel_loop3A_562 = arith.addf %parallel_loop3A_557, %parallel_loop3A_561 : vector<16xf32>
          %parallel_loop3A_563 = arith.index_cast %parallel_loop3A_541 : i32 to index
          %parallel_loop3A_564 = arith.constant 0 : index
          %parallel_loop3A_565 = tpu.vector_load %arg17[%parallel_loop3A_563, %parallel_loop3A_564] {strides = array<i32>} : memref<64x128xf32, #tpu.memory_space<vmem>>, vector<16xf32>,
          %parallel_loop3A_566 = arith.mulf %parallel_loop3A_565, %parallel_loop3A_553 : vector<16xf32>
          %parallel_loop3A_567 = arith.addf %parallel_loop3A_562, %parallel_loop3A_566 : vector<16xf32>
          %parallel_loop3A_568 = arith.index_cast %parallel_loop3A_543 : i32 to index
          %parallel_loop3A_569 = arith.index_cast %parallel_loop3A_545 : i32 to index
          %parallel_loop3A_570 = arith.constant 0 : index
          %parallel_loop3A_571 = tpu.vector_load %arg21[%parallel_loop3A_568, %parallel_loop3A_569, %parallel_loop3A_570] {strides = array<i32>} : memref<8x8x64xf32, #tpu.memory_space<vmem>>, vector<16xf32>,
          tpu.vector_store %arg21[%parallel_loop3A_568, %parallel_loop3A_569, %parallel_loop3A_570], %parallel_loop3A_567 {strides = array<i32>} : memref<8x8x64xf32, #tpu.memory_space<vmem>>, vector<16xf32>,
          %parallel_loop3A_572 = arith.index_cast %parallel_loop3A_543 : i32 to index
          %parallel_loop3A_573 = arith.index_cast %parallel_loop3A_545 : i32 to index
          %parallel_loop3A_574 = arith.constant 16 : index
          %parallel_loop3A_575 = tpu.vector_load %arg19[%parallel_loop3A_572, %parallel_loop3A_573, %parallel_loop3A_574] {strides = array<i32>} : memref<8x8x64xf32, #tpu.memory_space<vmem>>, vector<16xf32>,
          %parallel_loop3A_576 = arith.index_cast %parallel_loop3A_541 : i32 to index
          %parallel_loop3A_577 = arith.constant 16 : index
          %parallel_loop3A_578 = tpu.vector_load %arg15[%parallel_loop3A_576, %parallel_loop3A_577] {strides = array<i32>} : memref<64x128xf32, #tpu.memory_space<vmem>>, vector<16xf32>,
          %parallel_loop3A_579 = arith.mulf %parallel_loop3A_578, %parallel_loop3A_549 : vector<16xf32>
          %parallel_loop3A_580 = arith.addf %parallel_loop3A_575, %parallel_loop3A_579 : vector<16xf32>
          %parallel_loop3A_581 = arith.index_cast %parallel_loop3A_541 : i32 to index
          %parallel_loop3A_582 = arith.constant 16 : index
          %parallel_loop3A_583 = tpu.vector_load %arg17[%parallel_loop3A_581, %parallel_loop3A_582] {strides = array<i32>} : memref<64x128xf32, #tpu.memory_space<vmem>>, vector<16xf32>,
          %parallel_loop3A_584 = arith.mulf %parallel_loop3A_583, %parallel_loop3A_553 : vector<16xf32>
          %parallel_loop3A_585 = arith.addf %parallel_loop3A_580, %parallel_loop3A_584 : vector<16xf32>
          %parallel_loop3A_586 = arith.index_cast %parallel_loop3A_543 : i32 to index
          %parallel_loop3A_587 = arith.index_cast %parallel_loop3A_545 : i32 to index
          %parallel_loop3A_588 = arith.constant 16 : index
          %parallel_loop3A_589 = tpu.vector_load %arg21[%parallel_loop3A_586, %parallel_loop3A_587, %parallel_loop3A_588] {strides = array<i32>} : memref<8x8x64xf32, #tpu.memory_space<vmem>>, vector<16xf32>,
          tpu.vector_store %arg21[%parallel_loop3A_586, %parallel_loop3A_587, %parallel_loop3A_588], %parallel_loop3A_585 {strides = array<i32>} : memref<8x8x64xf32, #tpu.memory_space<vmem>>, vector<16xf32>,
          %parallel_loop3A_590 = arith.index_cast %parallel_loop3A_543 : i32 to index
          %parallel_loop3A_591 = arith.index_cast %parallel_loop3A_545 : i32 to index
          %parallel_loop3A_592 = arith.constant 32 : index
          %parallel_loop3A_593 = tpu.vector_load %arg19[%parallel_loop3A_590, %parallel_loop3A_591, %parallel_loop3A_592] {strides = array<i32>} : memref<8x8x64xf32, #tpu.memory_space<vmem>>, vector<16xf32>,
          %parallel_loop3A_594 = arith.index_cast %parallel_loop3A_541 : i32 to index
          %parallel_loop3A_595 = arith.constant 32 : index
          %parallel_loop3A_596 = tpu.vector_load %arg15[%parallel_loop3A_594, %parallel_loop3A_595] {strides = array<i32>} : memref<64x128xf32, #tpu.memory_space<vmem>>, vector<16xf32>,
          %parallel_loop3A_597 = arith.mulf %parallel_loop3A_596, %parallel_loop3A_549 : vector<16xf32>
          %parallel_loop3A_598 = arith.addf %parallel_loop3A_593, %parallel_loop3A_597 : vector<16xf32>
          %parallel_loop3A_599 = arith.index_cast %parallel_loop3A_541 : i32 to index
          %parallel_loop3A_600 = arith.constant 32 : index
          %parallel_loop3A_601 = tpu.vector_load %arg17[%parallel_loop3A_599, %parallel_loop3A_600] {strides = array<i32>} : memref<64x128xf32, #tpu.memory_space<vmem>>, vector<16xf32>,
          %parallel_loop3A_602 = arith.mulf %parallel_loop3A_601, %parallel_loop3A_553 : vector<16xf32>
          %parallel_loop3A_603 = arith.addf %parallel_loop3A_598, %parallel_loop3A_602 : vector<16xf32>
          %parallel_loop3A_604 = arith.index_cast %parallel_loop3A_543 : i32 to index
          %parallel_loop3A_605 = arith.index_cast %parallel_loop3A_545 : i32 to index
          %parallel_loop3A_606 = arith.constant 32 : index
          %parallel_loop3A_607 = tpu.vector_load %arg21[%parallel_loop3A_604, %parallel_loop3A_605, %parallel_loop3A_606] {strides = array<i32>} : memref<8x8x64xf32, #tpu.memory_space<vmem>>, vector<16xf32>,
          tpu.vector_store %arg21[%parallel_loop3A_604, %parallel_loop3A_605, %parallel_loop3A_606], %parallel_loop3A_603 {strides = array<i32>} : memref<8x8x64xf32, #tpu.memory_space<vmem>>, vector<16xf32>,
          %parallel_loop3A_608 = arith.index_cast %parallel_loop3A_543 : i32 to index
          %parallel_loop3A_609 = arith.index_cast %parallel_loop3A_545 : i32 to index
          %parallel_loop3A_610 = arith.constant 48 : index
          %parallel_loop3A_611 = tpu.vector_load %arg19[%parallel_loop3A_608, %parallel_loop3A_609, %parallel_loop3A_610] {strides = array<i32>} : memref<8x8x64xf32, #tpu.memory_space<vmem>>, vector<16xf32>,
          %parallel_loop3A_612 = arith.index_cast %parallel_loop3A_541 : i32 to index
          %parallel_loop3A_613 = arith.constant 48 : index
          %parallel_loop3A_614 = tpu.vector_load %arg15[%parallel_loop3A_612, %parallel_loop3A_613] {strides = array<i32>} : memref<64x128xf32, #tpu.memory_space<vmem>>, vector<16xf32>,
          %parallel_loop3A_615 = arith.mulf %parallel_loop3A_614, %parallel_loop3A_549 : vector<16xf32>
          %parallel_loop3A_616 = arith.addf %parallel_loop3A_611, %parallel_loop3A_615 : vector<16xf32>
          %parallel_loop3A_617 = arith.index_cast %parallel_loop3A_541 : i32 to index
          %parallel_loop3A_618 = arith.constant 48 : index
          %parallel_loop3A_619 = tpu.vector_load %arg17[%parallel_loop3A_617, %parallel_loop3A_618] {strides = array<i32>} : memref<64x128xf32, #tpu.memory_space<vmem>>, vector<16xf32>,
          %parallel_loop3A_620 = arith.mulf %parallel_loop3A_619, %parallel_loop3A_553 : vector<16xf32>
          %parallel_loop3A_621 = arith.addf %parallel_loop3A_616, %parallel_loop3A_620 : vector<16xf32>
          %parallel_loop3A_622 = arith.index_cast %parallel_loop3A_543 : i32 to index
          %parallel_loop3A_623 = arith.index_cast %parallel_loop3A_545 : i32 to index
          %parallel_loop3A_624 = arith.constant 48 : index
          %parallel_loop3A_625 = tpu.vector_load %arg21[%parallel_loop3A_622, %parallel_loop3A_623, %parallel_loop3A_624] {strides = array<i32>} : memref<8x8x64xf32, #tpu.memory_space<vmem>>, vector<16xf32>,
          tpu.vector_store %arg21[%parallel_loop3A_622, %parallel_loop3A_623, %parallel_loop3A_624], %parallel_loop3A_621 {strides = array<i32>} : memref<8x8x64xf32, #tpu.memory_space<vmem>>, vector<16xf32>,
        } {sc.loop_unroll_factor = 4 : i64, sc.parallel_access}
        %mul3A_309 = arith.constant 8 : i32
        %mul3A_310 = arith.muli %mul3A_283, %mul3A_309 : i32
        %add3A_311 = arith.addi %mul3A_2, %mul3A_310 : i32
        %mul3A_312 = arith.constant 8 : i32
        %mul3A_313 = arith.muli %scan3A_35, %mul3A_312 : i32
        %dma_start3A_314 = arith.constant 0 : i32
        %dma_start3A_315 = tpu.memref_slice %arg5[%add3A_311, %mul3A_313, %dma_start3A_314] : memref<4096x200x64xf32, #tpu.memory_space<hbm>> -> memref<8x8x64xf32, #tpu.memory_space<hbm>>
        %dma_start3A_316 = arith.constant 0 : i32
        %dma_start3A_317 = tpu.memref_slice %arg5[%add3A_311, %mul3A_313, %dma_start3A_316] : memref<4096x200x64xf32, #tpu.memory_space<hbm>> -> memref<8x8x64xf32, #tpu.memory_space<hbm>>
        tpu.enqueue_dma source(%arg21 : memref<8x8x64xf32, #tpu.memory_space<vmem>>) target(%dma_start3A_317 : memref<8x8x64xf32, #tpu.memory_space<hbm>>) target_semaphore(%arg27 : memref<!tpu.dma_semaphore, #tpu.memory_space<semaphore_mem>>)
        %add3A_318 = arith.constant 2 : i32
        %add3A_319 = arith.addi %mul3A_283, %add3A_318 : i32
        %add3A_320 = arith.constant 0 : i32
        %add3A_321 = vector.broadcast %add3A_320 : i32 to vector<16xi32>
        %add3A_322 = arith.addi %shift_right_logical3A_10, %add3A_321 : vector<16xi32>
        %mul3A_323 = arith.constant 8 : i32
        %mul3A_324 = arith.muli %add3A_319, %mul3A_323 : i32
        %add3A_325 = vector.broadcast %mul3A_324 : i32 to vector<16xi32>
        %add3A_326 = arith.addi %and3A, %add3A_325 : vector<16xi32>
        %gather3A_327 = tpu.vector_load_idx %arg6[%add3A_322, %mul3A_5, %mul3A_5, %add3A_326] : memref<8x2x2x128xi32, #tpu.memory_space<vmem>>[vector<16xi32>, vector<16xi32>, vector<16xi32>, vector<16xi32>], vector<16xi32>,
        %swap3A_328 = arith.constant 0 : index
        %swap3A_329 = tpu.vector_load %arg7[%swap3A_328] {strides = array<i32>} : memref<64xi32, #tpu.memory_space<vmem>>, vector<16xi32>,
        tpu.vector_store %arg7[%swap3A_328], %gather3A_327 {strides = array<i32>} : memref<64xi32, #tpu.memory_space<vmem>>, vector<16xi32>,
        %gather3A_330 = tpu.vector_load_idx %arg6[%add3A_322, %mul3A_5, %add3A_8, %add3A_326] : memref<8x2x2x128xi32, #tpu.memory_space<vmem>>[vector<16xi32>, vector<16xi32>, vector<16xi32>, vector<16xi32>], vector<16xi32>,
        %swap3A_331 = arith.constant 0 : index
        %swap3A_332 = tpu.vector_load %arg11[%swap3A_331] {strides = array<i32>} : memref<64xi32, #tpu.memory_space<vmem>>, vector<16xi32>,
        tpu.vector_store %arg11[%swap3A_331], %gather3A_330 {strides = array<i32>} : memref<64xi32, #tpu.memory_space<vmem>>, vector<16xi32>,
        %gather3A_333 = tpu.vector_load_idx %arg6[%add3A_322, %add3A_8, %mul3A_5, %add3A_326] : memref<8x2x2x128xi32, #tpu.memory_space<vmem>>[vector<16xi32>, vector<16xi32>, vector<16xi32>, vector<16xi32>], vector<16xi32>,
        %swap3A_334 = arith.constant 0 : index
        %swap3A_335 = tpu.vector_load %arg9[%swap3A_334] {strides = array<i32>} : memref<64xi32, #tpu.memory_space<vmem>>, vector<16xi32>,
        tpu.vector_store %arg9[%swap3A_334], %gather3A_333 {strides = array<i32>} : memref<64xi32, #tpu.memory_space<vmem>>, vector<16xi32>,
        %gather3A_336 = tpu.vector_load_idx %arg6[%add3A_322, %add3A_8, %add3A_8, %add3A_326] : memref<8x2x2x128xi32, #tpu.memory_space<vmem>>[vector<16xi32>, vector<16xi32>, vector<16xi32>, vector<16xi32>], vector<16xi32>,
        %swap3A_337 = arith.constant 0 : index
        %swap3A_338 = tpu.vector_load %arg13[%swap3A_337] {strides = array<i32>} : memref<64xi32, #tpu.memory_space<vmem>>, vector<16xi32>,
        tpu.vector_store %arg13[%swap3A_337], %gather3A_336 {strides = array<i32>} : memref<64xi32, #tpu.memory_space<vmem>>, vector<16xi32>,
        %add3A_339 = arith.constant 2 : i32
        %add3A_340 = vector.broadcast %add3A_339 : i32 to vector<16xi32>
        %add3A_341 = arith.addi %shift_right_logical3A_10, %add3A_340 : vector<16xi32>
        %mul3A_342 = arith.constant 8 : i32
        %mul3A_343 = arith.muli %add3A_319, %mul3A_342 : i32
        %add3A_344 = vector.broadcast %mul3A_343 : i32 to vector<16xi32>
        %add3A_345 = arith.addi %and3A, %add3A_344 : vector<16xi32>
        %gather3A_346 = tpu.vector_load_idx %arg6[%add3A_341, %mul3A_5, %mul3A_5, %add3A_345] : memref<8x2x2x128xi32, #tpu.memory_space<vmem>>[vector<16xi32>, vector<16xi32>, vector<16xi32>, vector<16xi32>], vector<16xi32>,
        %swap3A_347 = arith.constant 16 : index
        %swap3A_348 = tpu.vector_load %arg7[%swap3A_347] {strides = array<i32>} : memref<64xi32, #tpu.memory_space<vmem>>, vector<16xi32>,
        tpu.vector_store %arg7[%swap3A_347], %gather3A_346 {strides = array<i32>} : memref<64xi32, #tpu.memory_space<vmem>>, vector<16xi32>,
        %gather3A_349 = tpu.vector_load_idx %arg6[%add3A_341, %mul3A_5, %add3A_8, %add3A_345] : memref<8x2x2x128xi32, #tpu.memory_space<vmem>>[vector<16xi32>, vector<16xi32>, vector<16xi32>, vector<16xi32>], vector<16xi32>,
        %swap3A_350 = arith.constant 16 : index
        %swap3A_351 = tpu.vector_load %arg11[%swap3A_350] {strides = array<i32>} : memref<64xi32, #tpu.memory_space<vmem>>, vector<16xi32>,
        tpu.vector_store %arg11[%swap3A_350], %gather3A_349 {strides = array<i32>} : memref<64xi32, #tpu.memory_space<vmem>>, vector<16xi32>,
        %gather3A_352 = tpu.vector_load_idx %arg6[%add3A_341, %add3A_8, %mul3A_5, %add3A_345] : memref<8x2x2x128xi32, #tpu.memory_space<vmem>>[vector<16xi32>, vector<16xi32>, vector<16xi32>, vector<16xi32>], vector<16xi32>,
        %swap3A_353 = arith.constant 16 : index
        %swap3A_354 = tpu.vector_load %arg9[%swap3A_353] {strides = array<i32>} : memref<64xi32, #tpu.memory_space<vmem>>, vector<16xi32>,
        tpu.vector_store %arg9[%swap3A_353], %gather3A_352 {strides = array<i32>} : memref<64xi32, #tpu.memory_space<vmem>>, vector<16xi32>,
        %gather3A_355 = tpu.vector_load_idx %arg6[%add3A_341, %add3A_8, %add3A_8, %add3A_345] : memref<8x2x2x128xi32, #tpu.memory_space<vmem>>[vector<16xi32>, vector<16xi32>, vector<16xi32>, vector<16xi32>], vector<16xi32>,
        %swap3A_356 = arith.constant 16 : index
        %swap3A_357 = tpu.vector_load %arg13[%swap3A_356] {strides = array<i32>} : memref<64xi32, #tpu.memory_space<vmem>>, vector<16xi32>,
        tpu.vector_store %arg13[%swap3A_356], %gather3A_355 {strides = array<i32>} : memref<64xi32, #tpu.memory_space<vmem>>, vector<16xi32>,
        %add3A_358 = arith.constant 4 : i32
        %add3A_359 = vector.broadcast %add3A_358 : i32 to vector<16xi32>
        %add3A_360 = arith.addi %shift_right_logical3A_10, %add3A_359 : vector<16xi32>
        %mul3A_361 = arith.constant 8 : i32
        %mul3A_362 = arith.muli %add3A_319, %mul3A_361 : i32
        %add3A_363 = vector.broadcast %mul3A_362 : i32 to vector<16xi32>
        %add3A_364 = arith.addi %and3A, %add3A_363 : vector<16xi32>
        %gather3A_365 = tpu.vector_load_idx %arg6[%add3A_360, %mul3A_5, %mul3A_5, %add3A_364] : memref<8x2x2x128xi32, #tpu.memory_space<vmem>>[vector<16xi32>, vector<16xi32>, vector<16xi32>, vector<16xi32>], vector<16xi32>,
        %swap3A_366 = arith.constant 32 : index
        %swap3A_367 = tpu.vector_load %arg7[%swap3A_366] {strides = array<i32>} : memref<64xi32, #tpu.memory_space<vmem>>, vector<16xi32>,
        tpu.vector_store %arg7[%swap3A_366], %gather3A_365 {strides = array<i32>} : memref<64xi32, #tpu.memory_space<vmem>>, vector<16xi32>,
        %gather3A_368 = tpu.vector_load_idx %arg6[%add3A_360, %mul3A_5, %add3A_8, %add3A_364] : memref<8x2x2x128xi32, #tpu.memory_space<vmem>>[vector<16xi32>, vector<16xi32>, vector<16xi32>, vector<16xi32>], vector<16xi32>,
        %swap3A_369 = arith.constant 32 : index
        %swap3A_370 = tpu.vector_load %arg11[%swap3A_369] {strides = array<i32>} : memref<64xi32, #tpu.memory_space<vmem>>, vector<16xi32>,
        tpu.vector_store %arg11[%swap3A_369], %gather3A_368 {strides = array<i32>} : memref<64xi32, #tpu.memory_space<vmem>>, vector<16xi32>,
        %gather3A_371 = tpu.vector_load_idx %arg6[%add3A_360, %add3A_8, %mul3A_5, %add3A_364] : memref<8x2x2x128xi32, #tpu.memory_space<vmem>>[vector<16xi32>, vector<16xi32>, vector<16xi32>, vector<16xi32>], vector<16xi32>,
        %swap3A_372 = arith.constant 32 : index
        %swap3A_373 = tpu.vector_load %arg9[%swap3A_372] {strides = array<i32>} : memref<64xi32, #tpu.memory_space<vmem>>, vector<16xi32>,
        tpu.vector_store %arg9[%swap3A_372], %gather3A_371 {strides = array<i32>} : memref<64xi32, #tpu.memory_space<vmem>>, vector<16xi32>,
        %gather3A_374 = tpu.vector_load_idx %arg6[%add3A_360, %add3A_8, %add3A_8, %add3A_364] : memref<8x2x2x128xi32, #tpu.memory_space<vmem>>[vector<16xi32>, vector<16xi32>, vector<16xi32>, vector<16xi32>], vector<16xi32>,
        %swap3A_375 = arith.constant 32 : index
        %swap3A_376 = tpu.vector_load %arg13[%swap3A_375] {strides = array<i32>} : memref<64xi32, #tpu.memory_space<vmem>>, vector<16xi32>,
        tpu.vector_store %arg13[%swap3A_375], %gather3A_374 {strides = array<i32>} : memref<64xi32, #tpu.memory_space<vmem>>, vector<16xi32>,
        %add3A_377 = arith.constant 6 : i32
        %add3A_378 = vector.broadcast %add3A_377 : i32 to vector<16xi32>
        %add3A_379 = arith.addi %shift_right_logical3A_10, %add3A_378 : vector<16xi32>
        %mul3A_380 = arith.constant 8 : i32
        %mul3A_381 = arith.muli %add3A_319, %mul3A_380 : i32
        %add3A_382 = vector.broadcast %mul3A_381 : i32 to vector<16xi32>
        %add3A_383 = arith.addi %and3A, %add3A_382 : vector<16xi32>
        %gather3A_384 = tpu.vector_load_idx %arg6[%add3A_379, %mul3A_5, %mul3A_5, %add3A_383] : memref<8x2x2x128xi32, #tpu.memory_space<vmem>>[vector<16xi32>, vector<16xi32>, vector<16xi32>, vector<16xi32>], vector<16xi32>,
        %swap3A_385 = arith.constant 48 : index
        %swap3A_386 = tpu.vector_load %arg7[%swap3A_385] {strides = array<i32>} : memref<64xi32, #tpu.memory_space<vmem>>, vector<16xi32>,
        tpu.vector_store %arg7[%swap3A_385], %gather3A_384 {strides = array<i32>} : memref<64xi32, #tpu.memory_space<vmem>>, vector<16xi32>,
        %gather3A_387 = tpu.vector_load_idx %arg6[%add3A_379, %mul3A_5, %add3A_8, %add3A_383] : memref<8x2x2x128xi32, #tpu.memory_space<vmem>>[vector<16xi32>, vector<16xi32>, vector<16xi32>, vector<16xi32>], vector<16xi32>,
        %swap3A_388 = arith.constant 48 : index
        %swap3A_389 = tpu.vector_load %arg11[%swap3A_388] {strides = array<i32>} : memref<64xi32, #tpu.memory_space<vmem>>, vector<16xi32>,
        tpu.vector_store %arg11[%swap3A_388], %gather3A_387 {strides = array<i32>} : memref<64xi32, #tpu.memory_space<vmem>>, vector<16xi32>,
        %gather3A_390 = tpu.vector_load_idx %arg6[%add3A_379, %add3A_8, %mul3A_5, %add3A_383] : memref<8x2x2x128xi32, #tpu.memory_space<vmem>>[vector<16xi32>, vector<16xi32>, vector<16xi32>, vector<16xi32>], vector<16xi32>,
        %swap3A_391 = arith.constant 48 : index
        %swap3A_392 = tpu.vector_load %arg9[%swap3A_391] {strides = array<i32>} : memref<64xi32, #tpu.memory_space<vmem>>, vector<16xi32>,
        tpu.vector_store %arg9[%swap3A_391], %gather3A_390 {strides = array<i32>} : memref<64xi32, #tpu.memory_space<vmem>>, vector<16xi32>,
        %gather3A_393 = tpu.vector_load_idx %arg6[%add3A_379, %add3A_8, %add3A_8, %add3A_383] : memref<8x2x2x128xi32, #tpu.memory_space<vmem>>[vector<16xi32>, vector<16xi32>, vector<16xi32>, vector<16xi32>], vector<16xi32>,
        %swap3A_394 = arith.constant 48 : index
        %swap3A_395 = tpu.vector_load %arg13[%swap3A_394] {strides = array<i32>} : memref<64xi32, #tpu.memory_space<vmem>>, vector<16xi32>,
        tpu.vector_store %arg13[%swap3A_394], %gather3A_393 {strides = array<i32>} : memref<64xi32, #tpu.memory_space<vmem>>, vector<16xi32>,
        %dma_start3A_396 = arith.constant 0 : i32
        %dma_start3A_397 = arith.constant 0 : i32
        %dma_start3A_398 = tpu.memref_slice %arg4[%dma_start3A_396, %dma_start3A_397] : memref<100000x128xf32, #tpu.memory_space<hbm>> -> memref<100000x128xf32, #tpu.memory_space<hbm>>
        tpu.enqueue_indirect_dma source(%dma_start3A_398 : memref<100000x128xf32, #tpu.memory_space<hbm>>) target(%arg15 : memref<64x128xf32, #tpu.memory_space<vmem>>) offsets(%arg7 : memref<64xi32, #tpu.memory_space<vmem>>) semaphore(%arg23 : memref<!tpu.dma_semaphore, #tpu.memory_space<semaphore_mem>>)
        %dma_start3A_399 = arith.constant 0 : i32
        %dma_start3A_400 = arith.constant 0 : i32
        %dma_start3A_401 = tpu.memref_slice %arg4[%dma_start3A_399, %dma_start3A_400] : memref<100000x128xf32, #tpu.memory_space<hbm>> -> memref<100000x128xf32, #tpu.memory_space<hbm>>
        tpu.enqueue_indirect_dma source(%dma_start3A_401 : memref<100000x128xf32, #tpu.memory_space<hbm>>) target(%arg17 : memref<64x128xf32, #tpu.memory_space<vmem>>) offsets(%arg9 : memref<64xi32, #tpu.memory_space<vmem>>) semaphore(%arg23 : memref<!tpu.dma_semaphore, #tpu.memory_space<semaphore_mem>>)
        %mul3A_402 = arith.constant 8 : i32
        %mul3A_403 = arith.muli %add3A_319, %mul3A_402 : i32
        %add3A_404 = arith.addi %mul3A_2, %mul3A_403 : i32
        %mul3A_405 = arith.constant 8 : i32
        %mul3A_406 = arith.muli %scan3A_35, %mul3A_405 : i32
        %dma_start3A_407 = arith.constant 0 : i32
        %dma_start3A_408 = tpu.memref_slice %arg2[%add3A_404, %mul3A_406, %dma_start3A_407] : memref<4096x200x64xf32, #tpu.memory_space<hbm>> -> memref<8x8x64xf32, #tpu.memory_space<hbm>>
        %dma_start3A_409 = arith.constant 0 : i32
        %dma_start3A_410 = tpu.memref_slice %arg2[%add3A_404, %mul3A_406, %dma_start3A_409] : memref<4096x200x64xf32, #tpu.memory_space<hbm>> -> memref<8x8x64xf32, #tpu.memory_space<hbm>>
        tpu.enqueue_dma source(%dma_start3A_410 : memref<8x8x64xf32, #tpu.memory_space<hbm>>) target(%arg19 : memref<8x8x64xf32, #tpu.memory_space<vmem>>) target_semaphore(%arg25 : memref<!tpu.dma_semaphore, #tpu.memory_space<semaphore_mem>>)
        %add3A_411 = arith.constant 1 : i32
        %add3A_412 = arith.addi %mul3A_283, %add3A_411 : i32
        %dma_wait3A_413 = arith.constant 0 : i32
        %dma_wait3A_414 = arith.constant 0 : i32
        %dma_wait3A_415 = tpu.memref_slice %arg4[%dma_wait3A_413, %dma_wait3A_414] : memref<100000x128xf32, #tpu.memory_space<hbm>> -> memref<100000x128xf32, #tpu.memory_space<hbm>>
        tpu.wait_indirect_dma semaphore(%arg24 : memref<!tpu.dma_semaphore, #tpu.memory_space<semaphore_mem>>) src(%dma_wait3A_415 : memref<100000x128xf32, #tpu.memory_space<hbm>>) dst(%arg16 : memref<64x128xf32, #tpu.memory_space<vmem>>)
        %dma_wait3A_416 = arith.constant 0 : i32
        %dma_wait3A_417 = arith.constant 0 : i32
        %dma_wait3A_418 = tpu.memref_slice %arg4[%dma_wait3A_416, %dma_wait3A_417] : memref<100000x128xf32, #tpu.memory_space<hbm>> -> memref<100000x128xf32, #tpu.memory_space<hbm>>
        tpu.wait_indirect_dma semaphore(%arg24 : memref<!tpu.dma_semaphore, #tpu.memory_space<semaphore_mem>>) src(%dma_wait3A_418 : memref<100000x128xf32, #tpu.memory_space<hbm>>) dst(%arg18 : memref<64x128xf32, #tpu.memory_space<vmem>>)
        %dma_wait3A_419 = arith.constant 0 : i32
        %dma_wait3A_420 = arith.constant 0 : i32
        %dma_wait3A_421 = arith.constant 0 : i32
        %dma_wait3A_422 = tpu.memref_slice %arg2[%dma_wait3A_419, %dma_wait3A_420, %dma_wait3A_421] : memref<4096x200x64xf32, #tpu.memory_space<hbm>> -> memref<8x8x64xf32, #tpu.memory_space<hbm>>
        %dma_wait3A_423 = arith.constant 0 : i32
        %dma_wait3A_424 = arith.constant 0 : i32
        %dma_wait3A_425 = arith.constant 0 : i32
        %dma_wait3A_426 = tpu.memref_slice %arg2[%dma_wait3A_423, %dma_wait3A_424, %dma_wait3A_425] : memref<4096x200x64xf32, #tpu.memory_space<hbm>> -> memref<8x8x64xf32, #tpu.memory_space<hbm>>
        tpu.wait_dma2 semaphore(%arg26 : memref<!tpu.dma_semaphore, #tpu.memory_space<semaphore_mem>>) src(%dma_wait3A_426 : memref<8x8x64xf32, #tpu.memory_space<hbm>>) dst(%arg20 : memref<8x8x64xf32, #tpu.memory_space<vmem>>)
        %mul3A_427 = arith.constant 16 : i32
        %mul3A_428 = arith.muli %scan3A_35, %mul3A_427 : i32
        %add3A_429 = arith.addi %mul3A_428, %add3A_412 : i32
        %ge3A_430 = arith.constant 2 : i32
        %ge3A_431 = arith.cmpi sge, %add3A_429, %ge3A_430 : i32
        %convert_element_type3A_432 = arith.extui %ge3A_431 : i1 to i32
        %cond3A_433 = arith.constant 0 : i32
        %cond3A_434 = arith.cmpi ne, %convert_element_type3A_432, %cond3A_433 : i32
        scf.if %cond3A_434 {
          %dma_wait3A_541 = arith.constant 0 : i32
          %dma_wait3A_542 = arith.constant 0 : i32
          %dma_wait3A_543 = arith.constant 0 : i32
          %dma_wait3A_544 = tpu.memref_slice %arg5[%dma_wait3A_541, %dma_wait3A_542, %dma_wait3A_543] : memref<4096x200x64xf32, #tpu.memory_space<hbm>> -> memref<8x8x64xf32, #tpu.memory_space<hbm>>
          %dma_wait3A_545 = arith.constant 0 : i32
          %dma_wait3A_546 = arith.constant 0 : i32
          %dma_wait3A_547 = arith.constant 0 : i32
          %dma_wait3A_548 = tpu.memref_slice %arg5[%dma_wait3A_545, %dma_wait3A_546, %dma_wait3A_547] : memref<4096x200x64xf32, #tpu.memory_space<hbm>> -> memref<8x8x64xf32, #tpu.memory_space<hbm>>
          tpu.wait_dma2 semaphore(%arg28 : memref<!tpu.dma_semaphore, #tpu.memory_space<semaphore_mem>>) src(%arg22 : memref<8x8x64xf32, #tpu.memory_space<vmem>>) dst(%dma_wait3A_548 : memref<8x8x64xf32, #tpu.memory_space<hbm>>)
        } else {
        }
        %parallel_loop3A_435 = arith.constant 0 : i32
        %parallel_loop3A_436 = arith.constant 64 : i32
        %parallel_loop3A_437 = arith.constant 1 : i32
        scf.for %parallel_loop3A_541 = %parallel_loop3A_435 to %parallel_loop3A_436 step %parallel_loop3A_437  : i32 {
          %parallel_loop3A_542 = arith.constant 7 : i32
          %parallel_loop3A_543 = arith.andi %parallel_loop3A_541, %parallel_loop3A_542 : i32
          %parallel_loop3A_544 = arith.constant 3 : i32
          %parallel_loop3A_545 = arith.shrui %parallel_loop3A_541, %parallel_loop3A_544 : i32
          %parallel_loop3A_546 = vector.broadcast %parallel_loop3A_541 : i32 to vector<16xi32>
          %parallel_loop3A_547 = arith.addi %mul3A_5, %parallel_loop3A_546 : vector<16xi32>
          %parallel_loop3A_548 = tpu.vector_load_idx %arg12[%parallel_loop3A_547] : memref<64xi32, #tpu.memory_space<vmem>>[vector<16xi32>], vector<16xi32>,
          %parallel_loop3A_549 = arith.sitofp %parallel_loop3A_548 : vector<16xi32> to vector<16xf32>
          %parallel_loop3A_550 = vector.broadcast %parallel_loop3A_541 : i32 to vector<16xi32>
          %parallel_loop3A_551 = arith.addi %mul3A_5, %parallel_loop3A_550 : vector<16xi32>
          %parallel_loop3A_552 = tpu.vector_load_idx %arg14[%parallel_loop3A_551] : memref<64xi32, #tpu.memory_space<vmem>>[vector<16xi32>], vector<16xi32>,
          %parallel_loop3A_553 = arith.sitofp %parallel_loop3A_552 : vector<16xi32> to vector<16xf32>
          %parallel_loop3A_554 = arith.index_cast %parallel_loop3A_543 : i32 to index
          %parallel_loop3A_555 = arith.index_cast %parallel_loop3A_545 : i32 to index
          %parallel_loop3A_556 = arith.constant 0 : index
          %parallel_loop3A_557 = tpu.vector_load %arg20[%parallel_loop3A_554, %parallel_loop3A_555, %parallel_loop3A_556] {strides = array<i32>} : memref<8x8x64xf32, #tpu.memory_space<vmem>>, vector<16xf32>,
          %parallel_loop3A_558 = arith.index_cast %parallel_loop3A_541 : i32 to index
          %parallel_loop3A_559 = arith.constant 0 : index
          %parallel_loop3A_560 = tpu.vector_load %arg16[%parallel_loop3A_558, %parallel_loop3A_559] {strides = array<i32>} : memref<64x128xf32, #tpu.memory_space<vmem>>, vector<16xf32>,
          %parallel_loop3A_561 = arith.mulf %parallel_loop3A_560, %parallel_loop3A_549 : vector<16xf32>
          %parallel_loop3A_562 = arith.addf %parallel_loop3A_557, %parallel_loop3A_561 : vector<16xf32>
          %parallel_loop3A_563 = arith.index_cast %parallel_loop3A_541 : i32 to index
          %parallel_loop3A_564 = arith.constant 0 : index
          %parallel_loop3A_565 = tpu.vector_load %arg18[%parallel_loop3A_563, %parallel_loop3A_564] {strides = array<i32>} : memref<64x128xf32, #tpu.memory_space<vmem>>, vector<16xf32>,
          %parallel_loop3A_566 = arith.mulf %parallel_loop3A_565, %parallel_loop3A_553 : vector<16xf32>
          %parallel_loop3A_567 = arith.addf %parallel_loop3A_562, %parallel_loop3A_566 : vector<16xf32>
          %parallel_loop3A_568 = arith.index_cast %parallel_loop3A_543 : i32 to index
          %parallel_loop3A_569 = arith.index_cast %parallel_loop3A_545 : i32 to index
          %parallel_loop3A_570 = arith.constant 0 : index
          %parallel_loop3A_571 = tpu.vector_load %arg22[%parallel_loop3A_568, %parallel_loop3A_569, %parallel_loop3A_570] {strides = array<i32>} : memref<8x8x64xf32, #tpu.memory_space<vmem>>, vector<16xf32>,
          tpu.vector_store %arg22[%parallel_loop3A_568, %parallel_loop3A_569, %parallel_loop3A_570], %parallel_loop3A_567 {strides = array<i32>} : memref<8x8x64xf32, #tpu.memory_space<vmem>>, vector<16xf32>,
          %parallel_loop3A_572 = arith.index_cast %parallel_loop3A_543 : i32 to index
          %parallel_loop3A_573 = arith.index_cast %parallel_loop3A_545 : i32 to index
          %parallel_loop3A_574 = arith.constant 16 : index
          %parallel_loop3A_575 = tpu.vector_load %arg20[%parallel_loop3A_572, %parallel_loop3A_573, %parallel_loop3A_574] {strides = array<i32>} : memref<8x8x64xf32, #tpu.memory_space<vmem>>, vector<16xf32>,
          %parallel_loop3A_576 = arith.index_cast %parallel_loop3A_541 : i32 to index
          %parallel_loop3A_577 = arith.constant 16 : index
          %parallel_loop3A_578 = tpu.vector_load %arg16[%parallel_loop3A_576, %parallel_loop3A_577] {strides = array<i32>} : memref<64x128xf32, #tpu.memory_space<vmem>>, vector<16xf32>,
          %parallel_loop3A_579 = arith.mulf %parallel_loop3A_578, %parallel_loop3A_549 : vector<16xf32>
          %parallel_loop3A_580 = arith.addf %parallel_loop3A_575, %parallel_loop3A_579 : vector<16xf32>
          %parallel_loop3A_581 = arith.index_cast %parallel_loop3A_541 : i32 to index
          %parallel_loop3A_582 = arith.constant 16 : index
          %parallel_loop3A_583 = tpu.vector_load %arg18[%parallel_loop3A_581, %parallel_loop3A_582] {strides = array<i32>} : memref<64x128xf32, #tpu.memory_space<vmem>>, vector<16xf32>,
          %parallel_loop3A_584 = arith.mulf %parallel_loop3A_583, %parallel_loop3A_553 : vector<16xf32>
          %parallel_loop3A_585 = arith.addf %parallel_loop3A_580, %parallel_loop3A_584 : vector<16xf32>
          %parallel_loop3A_586 = arith.index_cast %parallel_loop3A_543 : i32 to index
          %parallel_loop3A_587 = arith.index_cast %parallel_loop3A_545 : i32 to index
          %parallel_loop3A_588 = arith.constant 16 : index
          %parallel_loop3A_589 = tpu.vector_load %arg22[%parallel_loop3A_586, %parallel_loop3A_587, %parallel_loop3A_588] {strides = array<i32>} : memref<8x8x64xf32, #tpu.memory_space<vmem>>, vector<16xf32>,
          tpu.vector_store %arg22[%parallel_loop3A_586, %parallel_loop3A_587, %parallel_loop3A_588], %parallel_loop3A_585 {strides = array<i32>} : memref<8x8x64xf32, #tpu.memory_space<vmem>>, vector<16xf32>,
          %parallel_loop3A_590 = arith.index_cast %parallel_loop3A_543 : i32 to index
          %parallel_loop3A_591 = arith.index_cast %parallel_loop3A_545 : i32 to index
          %parallel_loop3A_592 = arith.constant 32 : index
          %parallel_loop3A_593 = tpu.vector_load %arg20[%parallel_loop3A_590, %parallel_loop3A_591, %parallel_loop3A_592] {strides = array<i32>} : memref<8x8x64xf32, #tpu.memory_space<vmem>>, vector<16xf32>,
          %parallel_loop3A_594 = arith.index_cast %parallel_loop3A_541 : i32 to index
          %parallel_loop3A_595 = arith.constant 32 : index
          %parallel_loop3A_596 = tpu.vector_load %arg16[%parallel_loop3A_594, %parallel_loop3A_595] {strides = array<i32>} : memref<64x128xf32, #tpu.memory_space<vmem>>, vector<16xf32>,
          %parallel_loop3A_597 = arith.mulf %parallel_loop3A_596, %parallel_loop3A_549 : vector<16xf32>
          %parallel_loop3A_598 = arith.addf %parallel_loop3A_593, %parallel_loop3A_597 : vector<16xf32>
          %parallel_loop3A_599 = arith.index_cast %parallel_loop3A_541 : i32 to index
          %parallel_loop3A_600 = arith.constant 32 : index
          %parallel_loop3A_601 = tpu.vector_load %arg18[%parallel_loop3A_599, %parallel_loop3A_600] {strides = array<i32>} : memref<64x128xf32, #tpu.memory_space<vmem>>, vector<16xf32>,
          %parallel_loop3A_602 = arith.mulf %parallel_loop3A_601, %parallel_loop3A_553 : vector<16xf32>
          %parallel_loop3A_603 = arith.addf %parallel_loop3A_598, %parallel_loop3A_602 : vector<16xf32>
          %parallel_loop3A_604 = arith.index_cast %parallel_loop3A_543 : i32 to index
          %parallel_loop3A_605 = arith.index_cast %parallel_loop3A_545 : i32 to index
          %parallel_loop3A_606 = arith.constant 32 : index
          %parallel_loop3A_607 = tpu.vector_load %arg22[%parallel_loop3A_604, %parallel_loop3A_605, %parallel_loop3A_606] {strides = array<i32>} : memref<8x8x64xf32, #tpu.memory_space<vmem>>, vector<16xf32>,
          tpu.vector_store %arg22[%parallel_loop3A_604, %parallel_loop3A_605, %parallel_loop3A_606], %parallel_loop3A_603 {strides = array<i32>} : memref<8x8x64xf32, #tpu.memory_space<vmem>>, vector<16xf32>,
          %parallel_loop3A_608 = arith.index_cast %parallel_loop3A_543 : i32 to index
          %parallel_loop3A_609 = arith.index_cast %parallel_loop3A_545 : i32 to index
          %parallel_loop3A_610 = arith.constant 48 : index
          %parallel_loop3A_611 = tpu.vector_load %arg20[%parallel_loop3A_608, %parallel_loop3A_609, %parallel_loop3A_610] {strides = array<i32>} : memref<8x8x64xf32, #tpu.memory_space<vmem>>, vector<16xf32>,
          %parallel_loop3A_612 = arith.index_cast %parallel_loop3A_541 : i32 to index
          %parallel_loop3A_613 = arith.constant 48 : index
          %parallel_loop3A_614 = tpu.vector_load %arg16[%parallel_loop3A_612, %parallel_loop3A_613] {strides = array<i32>} : memref<64x128xf32, #tpu.memory_space<vmem>>, vector<16xf32>,
          %parallel_loop3A_615 = arith.mulf %parallel_loop3A_614, %parallel_loop3A_549 : vector<16xf32>
          %parallel_loop3A_616 = arith.addf %parallel_loop3A_611, %parallel_loop3A_615 : vector<16xf32>
          %parallel_loop3A_617 = arith.index_cast %parallel_loop3A_541 : i32 to index
          %parallel_loop3A_618 = arith.constant 48 : index
          %parallel_loop3A_619 = tpu.vector_load %arg18[%parallel_loop3A_617, %parallel_loop3A_618] {strides = array<i32>} : memref<64x128xf32, #tpu.memory_space<vmem>>, vector<16xf32>,
          %parallel_loop3A_620 = arith.mulf %parallel_loop3A_619, %parallel_loop3A_553 : vector<16xf32>
          %parallel_loop3A_621 = arith.addf %parallel_loop3A_616, %parallel_loop3A_620 : vector<16xf32>
          %parallel_loop3A_622 = arith.index_cast %parallel_loop3A_543 : i32 to index
          %parallel_loop3A_623 = arith.index_cast %parallel_loop3A_545 : i32 to index
          %parallel_loop3A_624 = arith.constant 48 : index
          %parallel_loop3A_625 = tpu.vector_load %arg22[%parallel_loop3A_622, %parallel_loop3A_623, %parallel_loop3A_624] {strides = array<i32>} : memref<8x8x64xf32, #tpu.memory_space<vmem>>, vector<16xf32>,
          tpu.vector_store %arg22[%parallel_loop3A_622, %parallel_loop3A_623, %parallel_loop3A_624], %parallel_loop3A_621 {strides = array<i32>} : memref<8x8x64xf32, #tpu.memory_space<vmem>>, vector<16xf32>,
        } {sc.loop_unroll_factor = 4 : i64, sc.parallel_access}
        %mul3A_438 = arith.constant 8 : i32
        %mul3A_439 = arith.muli %add3A_412, %mul3A_438 : i32
        %add3A_440 = arith.addi %mul3A_2, %mul3A_439 : i32
        %mul3A_441 = arith.constant 8 : i32
        %mul3A_442 = arith.muli %scan3A_35, %mul3A_441 : i32
        %dma_start3A_443 = arith.constant 0 : i32
        %dma_start3A_444 = tpu.memref_slice %arg5[%add3A_440, %mul3A_442, %dma_start3A_443] : memref<4096x200x64xf32, #tpu.memory_space<hbm>> -> memref<8x8x64xf32, #tpu.memory_space<hbm>>
        %dma_start3A_445 = arith.constant 0 : i32
        %dma_start3A_446 = tpu.memref_slice %arg5[%add3A_440, %mul3A_442, %dma_start3A_445] : memref<4096x200x64xf32, #tpu.memory_space<hbm>> -> memref<8x8x64xf32, #tpu.memory_space<hbm>>
        tpu.enqueue_dma source(%arg22 : memref<8x8x64xf32, #tpu.memory_space<vmem>>) target(%dma_start3A_446 : memref<8x8x64xf32, #tpu.memory_space<hbm>>) target_semaphore(%arg28 : memref<!tpu.dma_semaphore, #tpu.memory_space<semaphore_mem>>)
        %add3A_447 = arith.constant 3 : i32
        %add3A_448 = arith.addi %mul3A_283, %add3A_447 : i32
        %add3A_449 = arith.constant 0 : i32
        %add3A_450 = vector.broadcast %add3A_449 : i32 to vector<16xi32>
        %add3A_451 = arith.addi %shift_right_logical3A_10, %add3A_450 : vector<16xi32>
        %mul3A_452 = arith.constant 8 : i32
        %mul3A_453 = arith.muli %add3A_448, %mul3A_452 : i32
        %add3A_454 = vector.broadcast %mul3A_453 : i32 to vector<16xi32>
        %add3A_455 = arith.addi %and3A, %add3A_454 : vector<16xi32>
        %gather3A_456 = tpu.vector_load_idx %arg6[%add3A_451, %mul3A_5, %mul3A_5, %add3A_455] : memref<8x2x2x128xi32, #tpu.memory_space<vmem>>[vector<16xi32>, vector<16xi32>, vector<16xi32>, vector<16xi32>], vector<16xi32>,
        %swap3A_457 = arith.constant 0 : index
        %swap3A_458 = tpu.vector_load %arg8[%swap3A_457] {strides = array<i32>} : memref<64xi32, #tpu.memory_space<vmem>>, vector<16xi32>,
        tpu.vector_store %arg8[%swap3A_457], %gather3A_456 {strides = array<i32>} : memref<64xi32, #tpu.memory_space<vmem>>, vector<16xi32>,
        %gather3A_459 = tpu.vector_load_idx %arg6[%add3A_451, %mul3A_5, %add3A_8, %add3A_455] : memref<8x2x2x128xi32, #tpu.memory_space<vmem>>[vector<16xi32>, vector<16xi32>, vector<16xi32>, vector<16xi32>], vector<16xi32>,
        %swap3A_460 = arith.constant 0 : index
        %swap3A_461 = tpu.vector_load %arg12[%swap3A_460] {strides = array<i32>} : memref<64xi32, #tpu.memory_space<vmem>>, vector<16xi32>,
        tpu.vector_store %arg12[%swap3A_460], %gather3A_459 {strides = array<i32>} : memref<64xi32, #tpu.memory_space<vmem>>, vector<16xi32>,
        %gather3A_462 = tpu.vector_load_idx %arg6[%add3A_451, %add3A_8, %mul3A_5, %add3A_455] : memref<8x2x2x128xi32, #tpu.memory_space<vmem>>[vector<16xi32>, vector<16xi32>, vector<16xi32>, vector<16xi32>], vector<16xi32>,
        %swap3A_463 = arith.constant 0 : index
        %swap3A_464 = tpu.vector_load %arg10[%swap3A_463] {strides = array<i32>} : memref<64xi32, #tpu.memory_space<vmem>>, vector<16xi32>,
        tpu.vector_store %arg10[%swap3A_463], %gather3A_462 {strides = array<i32>} : memref<64xi32, #tpu.memory_space<vmem>>, vector<16xi32>,
        %gather3A_465 = tpu.vector_load_idx %arg6[%add3A_451, %add3A_8, %add3A_8, %add3A_455] : memref<8x2x2x128xi32, #tpu.memory_space<vmem>>[vector<16xi32>, vector<16xi32>, vector<16xi32>, vector<16xi32>], vector<16xi32>,
        %swap3A_466 = arith.constant 0 : index
        %swap3A_467 = tpu.vector_load %arg14[%swap3A_466] {strides = array<i32>} : memref<64xi32, #tpu.memory_space<vmem>>, vector<16xi32>,
        tpu.vector_store %arg14[%swap3A_466], %gather3A_465 {strides = array<i32>} : memref<64xi32, #tpu.memory_space<vmem>>, vector<16xi32>,
        %add3A_468 = arith.constant 2 : i32
        %add3A_469 = vector.broadcast %add3A_468 : i32 to vector<16xi32>
        %add3A_470 = arith.addi %shift_right_logical3A_10, %add3A_469 : vector<16xi32>
        %mul3A_471 = arith.constant 8 : i32
        %mul3A_472 = arith.muli %add3A_448, %mul3A_471 : i32
        %add3A_473 = vector.broadcast %mul3A_472 : i32 to vector<16xi32>
        %add3A_474 = arith.addi %and3A, %add3A_473 : vector<16xi32>
        %gather3A_475 = tpu.vector_load_idx %arg6[%add3A_470, %mul3A_5, %mul3A_5, %add3A_474] : memref<8x2x2x128xi32, #tpu.memory_space<vmem>>[vector<16xi32>, vector<16xi32>, vector<16xi32>, vector<16xi32>], vector<16xi32>,
        %swap3A_476 = arith.constant 16 : index
        %swap3A_477 = tpu.vector_load %arg8[%swap3A_476] {strides = array<i32>} : memref<64xi32, #tpu.memory_space<vmem>>, vector<16xi32>,
        tpu.vector_store %arg8[%swap3A_476], %gather3A_475 {strides = array<i32>} : memref<64xi32, #tpu.memory_space<vmem>>, vector<16xi32>,
        %gather3A_478 = tpu.vector_load_idx %arg6[%add3A_470, %mul3A_5, %add3A_8, %add3A_474] : memref<8x2x2x128xi32, #tpu.memory_space<vmem>>[vector<16xi32>, vector<16xi32>, vector<16xi32>, vector<16xi32>], vector<16xi32>,
        %swap3A_479 = arith.constant 16 : index
        %swap3A_480 = tpu.vector_load %arg12[%swap3A_479] {strides = array<i32>} : memref<64xi32, #tpu.memory_space<vmem>>, vector<16xi32>,
        tpu.vector_store %arg12[%swap3A_479], %gather3A_478 {strides = array<i32>} : memref<64xi32, #tpu.memory_space<vmem>>, vector<16xi32>,
        %gather3A_481 = tpu.vector_load_idx %arg6[%add3A_470, %add3A_8, %mul3A_5, %add3A_474] : memref<8x2x2x128xi32, #tpu.memory_space<vmem>>[vector<16xi32>, vector<16xi32>, vector<16xi32>, vector<16xi32>], vector<16xi32>,
        %swap3A_482 = arith.constant 16 : index
        %swap3A_483 = tpu.vector_load %arg10[%swap3A_482] {strides = array<i32>} : memref<64xi32, #tpu.memory_space<vmem>>, vector<16xi32>,
        tpu.vector_store %arg10[%swap3A_482], %gather3A_481 {strides = array<i32>} : memref<64xi32, #tpu.memory_space<vmem>>, vector<16xi32>,
        %gather3A_484 = tpu.vector_load_idx %arg6[%add3A_470, %add3A_8, %add3A_8, %add3A_474] : memref<8x2x2x128xi32, #tpu.memory_space<vmem>>[vector<16xi32>, vector<16xi32>, vector<16xi32>, vector<16xi32>], vector<16xi32>,
        %swap3A_485 = arith.constant 16 : index
        %swap3A_486 = tpu.vector_load %arg14[%swap3A_485] {strides = array<i32>} : memref<64xi32, #tpu.memory_space<vmem>>, vector<16xi32>,
        tpu.vector_store %arg14[%swap3A_485], %gather3A_484 {strides = array<i32>} : memref<64xi32, #tpu.memory_space<vmem>>, vector<16xi32>,
        %add3A_487 = arith.constant 4 : i32
        %add3A_488 = vector.broadcast %add3A_487 : i32 to vector<16xi32>
        %add3A_489 = arith.addi %shift_right_logical3A_10, %add3A_488 : vector<16xi32>
        %mul3A_490 = arith.constant 8 : i32
        %mul3A_491 = arith.muli %add3A_448, %mul3A_490 : i32
        %add3A_492 = vector.broadcast %mul3A_491 : i32 to vector<16xi32>
        %add3A_493 = arith.addi %and3A, %add3A_492 : vector<16xi32>
        %gather3A_494 = tpu.vector_load_idx %arg6[%add3A_489, %mul3A_5, %mul3A_5, %add3A_493] : memref<8x2x2x128xi32, #tpu.memory_space<vmem>>[vector<16xi32>, vector<16xi32>, vector<16xi32>, vector<16xi32>], vector<16xi32>,
        %swap3A_495 = arith.constant 32 : index
        %swap3A_496 = tpu.vector_load %arg8[%swap3A_495] {strides = array<i32>} : memref<64xi32, #tpu.memory_space<vmem>>, vector<16xi32>,
        tpu.vector_store %arg8[%swap3A_495], %gather3A_494 {strides = array<i32>} : memref<64xi32, #tpu.memory_space<vmem>>, vector<16xi32>,
        %gather3A_497 = tpu.vector_load_idx %arg6[%add3A_489, %mul3A_5, %add3A_8, %add3A_493] : memref<8x2x2x128xi32, #tpu.memory_space<vmem>>[vector<16xi32>, vector<16xi32>, vector<16xi32>, vector<16xi32>], vector<16xi32>,
        %swap3A_498 = arith.constant 32 : index
        %swap3A_499 = tpu.vector_load %arg12[%swap3A_498] {strides = array<i32>} : memref<64xi32, #tpu.memory_space<vmem>>, vector<16xi32>,
        tpu.vector_store %arg12[%swap3A_498], %gather3A_497 {strides = array<i32>} : memref<64xi32, #tpu.memory_space<vmem>>, vector<16xi32>,
        %gather3A_500 = tpu.vector_load_idx %arg6[%add3A_489, %add3A_8, %mul3A_5, %add3A_493] : memref<8x2x2x128xi32, #tpu.memory_space<vmem>>[vector<16xi32>, vector<16xi32>, vector<16xi32>, vector<16xi32>], vector<16xi32>,
        %swap3A_501 = arith.constant 32 : index
        %swap3A_502 = tpu.vector_load %arg10[%swap3A_501] {strides = array<i32>} : memref<64xi32, #tpu.memory_space<vmem>>, vector<16xi32>,
        tpu.vector_store %arg10[%swap3A_501], %gather3A_500 {strides = array<i32>} : memref<64xi32, #tpu.memory_space<vmem>>, vector<16xi32>,
        %gather3A_503 = tpu.vector_load_idx %arg6[%add3A_489, %add3A_8, %add3A_8, %add3A_493] : memref<8x2x2x128xi32, #tpu.memory_space<vmem>>[vector<16xi32>, vector<16xi32>, vector<16xi32>, vector<16xi32>], vector<16xi32>,
        %swap3A_504 = arith.constant 32 : index
        %swap3A_505 = tpu.vector_load %arg14[%swap3A_504] {strides = array<i32>} : memref<64xi32, #tpu.memory_space<vmem>>, vector<16xi32>,
        tpu.vector_store %arg14[%swap3A_504], %gather3A_503 {strides = array<i32>} : memref<64xi32, #tpu.memory_space<vmem>>, vector<16xi32>,
        %add3A_506 = arith.constant 6 : i32
        %add3A_507 = vector.broadcast %add3A_506 : i32 to vector<16xi32>
        %add3A_508 = arith.addi %shift_right_logical3A_10, %add3A_507 : vector<16xi32>
        %mul3A_509 = arith.constant 8 : i32
        %mul3A_510 = arith.muli %add3A_448, %mul3A_509 : i32
        %add3A_511 = vector.broadcast %mul3A_510 : i32 to vector<16xi32>
        %add3A_512 = arith.addi %and3A, %add3A_511 : vector<16xi32>
        %gather3A_513 = tpu.vector_load_idx %arg6[%add3A_508, %mul3A_5, %mul3A_5, %add3A_512] : memref<8x2x2x128xi32, #tpu.memory_space<vmem>>[vector<16xi32>, vector<16xi32>, vector<16xi32>, vector<16xi32>], vector<16xi32>,
        %swap3A_514 = arith.constant 48 : index
        %swap3A_515 = tpu.vector_load %arg8[%swap3A_514] {strides = array<i32>} : memref<64xi32, #tpu.memory_space<vmem>>, vector<16xi32>,
        tpu.vector_store %arg8[%swap3A_514], %gather3A_513 {strides = array<i32>} : memref<64xi32, #tpu.memory_space<vmem>>, vector<16xi32>,
        %gather3A_516 = tpu.vector_load_idx %arg6[%add3A_508, %mul3A_5, %add3A_8, %add3A_512] : memref<8x2x2x128xi32, #tpu.memory_space<vmem>>[vector<16xi32>, vector<16xi32>, vector<16xi32>, vector<16xi32>], vector<16xi32>,
        %swap3A_517 = arith.constant 48 : index
        %swap3A_518 = tpu.vector_load %arg12[%swap3A_517] {strides = array<i32>} : memref<64xi32, #tpu.memory_space<vmem>>, vector<16xi32>,
        tpu.vector_store %arg12[%swap3A_517], %gather3A_516 {strides = array<i32>} : memref<64xi32, #tpu.memory_space<vmem>>, vector<16xi32>,
        %gather3A_519 = tpu.vector_load_idx %arg6[%add3A_508, %add3A_8, %mul3A_5, %add3A_512] : memref<8x2x2x128xi32, #tpu.memory_space<vmem>>[vector<16xi32>, vector<16xi32>, vector<16xi32>, vector<16xi32>], vector<16xi32>,
        %swap3A_520 = arith.constant 48 : index
        %swap3A_521 = tpu.vector_load %arg10[%swap3A_520] {strides = array<i32>} : memref<64xi32, #tpu.memory_space<vmem>>, vector<16xi32>,
        tpu.vector_store %arg10[%swap3A_520], %gather3A_519 {strides = array<i32>} : memref<64xi32, #tpu.memory_space<vmem>>, vector<16xi32>,
        %gather3A_522 = tpu.vector_load_idx %arg6[%add3A_508, %add3A_8, %add3A_8, %add3A_512] : memref<8x2x2x128xi32, #tpu.memory_space<vmem>>[vector<16xi32>, vector<16xi32>, vector<16xi32>, vector<16xi32>], vector<16xi32>,
        %swap3A_523 = arith.constant 48 : index
        %swap3A_524 = tpu.vector_load %arg14[%swap3A_523] {strides = array<i32>} : memref<64xi32, #tpu.memory_space<vmem>>, vector<16xi32>,
        tpu.vector_store %arg14[%swap3A_523], %gather3A_522 {strides = array<i32>} : memref<64xi32, #tpu.memory_space<vmem>>, vector<16xi32>,
        %dma_start3A_525 = arith.constant 0 : i32
        %dma_start3A_526 = arith.constant 0 : i32
        %dma_start3A_527 = tpu.memref_slice %arg4[%dma_start3A_525, %dma_start3A_526] : memref<100000x128xf32, #tpu.memory_space<hbm>> -> memref<100000x128xf32, #tpu.memory_space<hbm>>
        tpu.enqueue_indirect_dma source(%dma_start3A_527 : memref<100000x128xf32, #tpu.memory_space<hbm>>) target(%arg16 : memref<64x128xf32, #tpu.memory_space<vmem>>) offsets(%arg8 : memref<64xi32, #tpu.memory_space<vmem>>) semaphore(%arg24 : memref<!tpu.dma_semaphore, #tpu.memory_space<semaphore_mem>>)
        %dma_start3A_528 = arith.constant 0 : i32
        %dma_start3A_529 = arith.constant 0 : i32
        %dma_start3A_530 = tpu.memref_slice %arg4[%dma_start3A_528, %dma_start3A_529] : memref<100000x128xf32, #tpu.memory_space<hbm>> -> memref<100000x128xf32, #tpu.memory_space<hbm>>
        tpu.enqueue_indirect_dma source(%dma_start3A_530 : memref<100000x128xf32, #tpu.memory_space<hbm>>) target(%arg18 : memref<64x128xf32, #tpu.memory_space<vmem>>) offsets(%arg10 : memref<64xi32, #tpu.memory_space<vmem>>) semaphore(%arg24 : memref<!tpu.dma_semaphore, #tpu.memory_space<semaphore_mem>>)
        %mul3A_531 = arith.constant 8 : i32
        %mul3A_532 = arith.muli %add3A_448, %mul3A_531 : i32
        %add3A_533 = arith.addi %mul3A_2, %mul3A_532 : i32
        %mul3A_534 = arith.constant 8 : i32
        %mul3A_535 = arith.muli %scan3A_35, %mul3A_534 : i32
        %dma_start3A_536 = arith.constant 0 : i32
        %dma_start3A_537 = tpu.memref_slice %arg2[%add3A_533, %mul3A_535, %dma_start3A_536] : memref<4096x200x64xf32, #tpu.memory_space<hbm>> -> memref<8x8x64xf32, #tpu.memory_space<hbm>>
        %dma_start3A_538 = arith.constant 0 : i32
        %dma_start3A_539 = tpu.memref_slice %arg2[%add3A_533, %mul3A_535, %dma_start3A_538] : memref<4096x200x64xf32, #tpu.memory_space<hbm>> -> memref<8x8x64xf32, #tpu.memory_space<hbm>>
        tpu.enqueue_dma source(%dma_start3A_539 : memref<8x8x64xf32, #tpu.memory_space<hbm>>) target(%arg20 : memref<8x8x64xf32, #tpu.memory_space<vmem>>) target_semaphore(%arg26 : memref<!tpu.dma_semaphore, #tpu.memory_space<semaphore_mem>>)
        %scan3A_540 = arith.constant 0 : i32
        scf.yield %scan3A_540 : i32
      }
      %scan3A_214 = arith.constant 7 : i32
      %dma_wait3A_215 = arith.constant 0 : i32
      %dma_wait3A_216 = arith.constant 0 : i32
      %dma_wait3A_217 = tpu.memref_slice %arg4[%dma_wait3A_215, %dma_wait3A_216] : memref<100000x128xf32, #tpu.memory_space<hbm>> -> memref<100000x128xf32, #tpu.memory_space<hbm>>
      tpu.wait_indirect_dma semaphore(%arg23 : memref<!tpu.dma_semaphore, #tpu.memory_space<semaphore_mem>>) src(%dma_wait3A_217 : memref<100000x128xf32, #tpu.memory_space<hbm>>) dst(%arg15 : memref<64x128xf32, #tpu.memory_space<vmem>>)
      %dma_wait3A_218 = arith.constant 0 : i32
      %dma_wait3A_219 = arith.constant 0 : i32
      %dma_wait3A_220 = tpu.memref_slice %arg4[%dma_wait3A_218, %dma_wait3A_219] : memref<100000x128xf32, #tpu.memory_space<hbm>> -> memref<100000x128xf32, #tpu.memory_space<hbm>>
      tpu.wait_indirect_dma semaphore(%arg23 : memref<!tpu.dma_semaphore, #tpu.memory_space<semaphore_mem>>) src(%dma_wait3A_220 : memref<100000x128xf32, #tpu.memory_space<hbm>>) dst(%arg17 : memref<64x128xf32, #tpu.memory_space<vmem>>)
      %dma_wait3A_221 = arith.constant 0 : i32
      %dma_wait3A_222 = arith.constant 0 : i32
      %dma_wait3A_223 = arith.constant 0 : i32
      %dma_wait3A_224 = tpu.memref_slice %arg2[%dma_wait3A_221, %dma_wait3A_222, %dma_wait3A_223] : memref<4096x200x64xf32, #tpu.memory_space<hbm>> -> memref<8x8x64xf32, #tpu.memory_space<hbm>>
      %dma_wait3A_225 = arith.constant 0 : i32
      %dma_wait3A_226 = arith.constant 0 : i32
      %dma_wait3A_227 = arith.constant 0 : i32
      %dma_wait3A_228 = tpu.memref_slice %arg2[%dma_wait3A_225, %dma_wait3A_226, %dma_wait3A_227] : memref<4096x200x64xf32, #tpu.memory_space<hbm>> -> memref<8x8x64xf32, #tpu.memory_space<hbm>>
      tpu.wait_dma2 semaphore(%arg25 : memref<!tpu.dma_semaphore, #tpu.memory_space<semaphore_mem>>) src(%dma_wait3A_228 : memref<8x8x64xf32, #tpu.memory_space<hbm>>) dst(%arg19 : memref<8x8x64xf32, #tpu.memory_space<vmem>>)
      %mul3A_229 = arith.constant 16 : i32
      %mul3A_230 = arith.muli %scan3A_35, %mul3A_229 : i32
      %add3A_231 = arith.constant 14 : i32
      %add3A_232 = arith.addi %mul3A_230, %add3A_231 : i32
      %ge3A = arith.constant 2 : i32
      %ge3A_233 = arith.cmpi sge, %add3A_232, %ge3A : i32
      %convert_element_type3A = arith.extui %ge3A_233 : i1 to i32
      %cond3A = arith.constant 0 : i32
      %cond3A_234 = arith.cmpi ne, %convert_element_type3A, %cond3A : i32
      scf.if %cond3A_234 {
        %dma_wait3A_280 = arith.constant 0 : i32
        %dma_wait3A_281 = arith.constant 0 : i32
        %dma_wait3A_282 = arith.constant 0 : i32
        %dma_wait3A_283 = tpu.memref_slice %arg5[%dma_wait3A_280, %dma_wait3A_281, %dma_wait3A_282] : memref<4096x200x64xf32, #tpu.memory_space<hbm>> -> memref<8x8x64xf32, #tpu.memory_space<hbm>>
        %dma_wait3A_284 = arith.constant 0 : i32
        %dma_wait3A_285 = arith.constant 0 : i32
        %dma_wait3A_286 = arith.constant 0 : i32
        %dma_wait3A_287 = tpu.memref_slice %arg5[%dma_wait3A_284, %dma_wait3A_285, %dma_wait3A_286] : memref<4096x200x64xf32, #tpu.memory_space<hbm>> -> memref<8x8x64xf32, #tpu.memory_space<hbm>>
        tpu.wait_dma2 semaphore(%arg27 : memref<!tpu.dma_semaphore, #tpu.memory_space<semaphore_mem>>) src(%arg21 : memref<8x8x64xf32, #tpu.memory_space<vmem>>) dst(%dma_wait3A_287 : memref<8x8x64xf32, #tpu.memory_space<hbm>>)
      } else {
      }
      %parallel_loop3A = arith.constant 0 : i32
      %parallel_loop3A_235 = arith.constant 64 : i32
      %parallel_loop3A_236 = arith.constant 1 : i32
      scf.for %parallel_loop3A_280 = %parallel_loop3A to %parallel_loop3A_235 step %parallel_loop3A_236  : i32 {
        %parallel_loop3A_281 = arith.constant 7 : i32
        %parallel_loop3A_282 = arith.andi %parallel_loop3A_280, %parallel_loop3A_281 : i32
        %parallel_loop3A_283 = arith.constant 3 : i32
        %parallel_loop3A_284 = arith.shrui %parallel_loop3A_280, %parallel_loop3A_283 : i32
        %parallel_loop3A_285 = vector.broadcast %parallel_loop3A_280 : i32 to vector<16xi32>
        %parallel_loop3A_286 = arith.addi %mul3A_5, %parallel_loop3A_285 : vector<16xi32>
        %parallel_loop3A_287 = tpu.vector_load_idx %arg11[%parallel_loop3A_286] : memref<64xi32, #tpu.memory_space<vmem>>[vector<16xi32>], vector<16xi32>,
        %parallel_loop3A_288 = arith.sitofp %parallel_loop3A_287 : vector<16xi32> to vector<16xf32>
        %parallel_loop3A_289 = vector.broadcast %parallel_loop3A_280 : i32 to vector<16xi32>
        %parallel_loop3A_290 = arith.addi %mul3A_5, %parallel_loop3A_289 : vector<16xi32>
        %parallel_loop3A_291 = tpu.vector_load_idx %arg13[%parallel_loop3A_290] : memref<64xi32, #tpu.memory_space<vmem>>[vector<16xi32>], vector<16xi32>,
        %parallel_loop3A_292 = arith.sitofp %parallel_loop3A_291 : vector<16xi32> to vector<16xf32>
        %parallel_loop3A_293 = arith.index_cast %parallel_loop3A_282 : i32 to index
        %parallel_loop3A_294 = arith.index_cast %parallel_loop3A_284 : i32 to index
        %parallel_loop3A_295 = arith.constant 0 : index
        %parallel_loop3A_296 = tpu.vector_load %arg19[%parallel_loop3A_293, %parallel_loop3A_294, %parallel_loop3A_295] {strides = array<i32>} : memref<8x8x64xf32, #tpu.memory_space<vmem>>, vector<16xf32>,
        %parallel_loop3A_297 = arith.index_cast %parallel_loop3A_280 : i32 to index
        %parallel_loop3A_298 = arith.constant 0 : index
        %parallel_loop3A_299 = tpu.vector_load %arg15[%parallel_loop3A_297, %parallel_loop3A_298] {strides = array<i32>} : memref<64x128xf32, #tpu.memory_space<vmem>>, vector<16xf32>,
        %parallel_loop3A_300 = arith.mulf %parallel_loop3A_299, %parallel_loop3A_288 : vector<16xf32>
        %parallel_loop3A_301 = arith.addf %parallel_loop3A_296, %parallel_loop3A_300 : vector<16xf32>
        %parallel_loop3A_302 = arith.index_cast %parallel_loop3A_280 : i32 to index
        %parallel_loop3A_303 = arith.constant 0 : index
        %parallel_loop3A_304 = tpu.vector_load %arg17[%parallel_loop3A_302, %parallel_loop3A_303] {strides = array<i32>} : memref<64x128xf32, #tpu.memory_space<vmem>>, vector<16xf32>,
        %parallel_loop3A_305 = arith.mulf %parallel_loop3A_304, %parallel_loop3A_292 : vector<16xf32>
        %parallel_loop3A_306 = arith.addf %parallel_loop3A_301, %parallel_loop3A_305 : vector<16xf32>
        %parallel_loop3A_307 = arith.index_cast %parallel_loop3A_282 : i32 to index
        %parallel_loop3A_308 = arith.index_cast %parallel_loop3A_284 : i32 to index
        %parallel_loop3A_309 = arith.constant 0 : index
        %parallel_loop3A_310 = tpu.vector_load %arg21[%parallel_loop3A_307, %parallel_loop3A_308, %parallel_loop3A_309] {strides = array<i32>} : memref<8x8x64xf32, #tpu.memory_space<vmem>>, vector<16xf32>,
        tpu.vector_store %arg21[%parallel_loop3A_307, %parallel_loop3A_308, %parallel_loop3A_309], %parallel_loop3A_306 {strides = array<i32>} : memref<8x8x64xf32, #tpu.memory_space<vmem>>, vector<16xf32>,
        %parallel_loop3A_311 = arith.index_cast %parallel_loop3A_282 : i32 to index
        %parallel_loop3A_312 = arith.index_cast %parallel_loop3A_284 : i32 to index
        %parallel_loop3A_313 = arith.constant 16 : index
        %parallel_loop3A_314 = tpu.vector_load %arg19[%parallel_loop3A_311, %parallel_loop3A_312, %parallel_loop3A_313] {strides = array<i32>} : memref<8x8x64xf32, #tpu.memory_space<vmem>>, vector<16xf32>,
        %parallel_loop3A_315 = arith.index_cast %parallel_loop3A_280 : i32 to index
        %parallel_loop3A_316 = arith.constant 16 : index
        %parallel_loop3A_317 = tpu.vector_load %arg15[%parallel_loop3A_315, %parallel_loop3A_316] {strides = array<i32>} : memref<64x128xf32, #tpu.memory_space<vmem>>, vector<16xf32>,
        %parallel_loop3A_318 = arith.mulf %parallel_loop3A_317, %parallel_loop3A_288 : vector<16xf32>
        %parallel_loop3A_319 = arith.addf %parallel_loop3A_314, %parallel_loop3A_318 : vector<16xf32>
        %parallel_loop3A_320 = arith.index_cast %parallel_loop3A_280 : i32 to index
        %parallel_loop3A_321 = arith.constant 16 : index
        %parallel_loop3A_322 = tpu.vector_load %arg17[%parallel_loop3A_320, %parallel_loop3A_321] {strides = array<i32>} : memref<64x128xf32, #tpu.memory_space<vmem>>, vector<16xf32>,
        %parallel_loop3A_323 = arith.mulf %parallel_loop3A_322, %parallel_loop3A_292 : vector<16xf32>
        %parallel_loop3A_324 = arith.addf %parallel_loop3A_319, %parallel_loop3A_323 : vector<16xf32>
        %parallel_loop3A_325 = arith.index_cast %parallel_loop3A_282 : i32 to index
        %parallel_loop3A_326 = arith.index_cast %parallel_loop3A_284 : i32 to index
        %parallel_loop3A_327 = arith.constant 16 : index
        %parallel_loop3A_328 = tpu.vector_load %arg21[%parallel_loop3A_325, %parallel_loop3A_326, %parallel_loop3A_327] {strides = array<i32>} : memref<8x8x64xf32, #tpu.memory_space<vmem>>, vector<16xf32>,
        tpu.vector_store %arg21[%parallel_loop3A_325, %parallel_loop3A_326, %parallel_loop3A_327], %parallel_loop3A_324 {strides = array<i32>} : memref<8x8x64xf32, #tpu.memory_space<vmem>>, vector<16xf32>,
        %parallel_loop3A_329 = arith.index_cast %parallel_loop3A_282 : i32 to index
        %parallel_loop3A_330 = arith.index_cast %parallel_loop3A_284 : i32 to index
        %parallel_loop3A_331 = arith.constant 32 : index
        %parallel_loop3A_332 = tpu.vector_load %arg19[%parallel_loop3A_329, %parallel_loop3A_330, %parallel_loop3A_331] {strides = array<i32>} : memref<8x8x64xf32, #tpu.memory_space<vmem>>, vector<16xf32>,
        %parallel_loop3A_333 = arith.index_cast %parallel_loop3A_280 : i32 to index
        %parallel_loop3A_334 = arith.constant 32 : index
        %parallel_loop3A_335 = tpu.vector_load %arg15[%parallel_loop3A_333, %parallel_loop3A_334] {strides = array<i32>} : memref<64x128xf32, #tpu.memory_space<vmem>>, vector<16xf32>,
        %parallel_loop3A_336 = arith.mulf %parallel_loop3A_335, %parallel_loop3A_288 : vector<16xf32>
        %parallel_loop3A_337 = arith.addf %parallel_loop3A_332, %parallel_loop3A_336 : vector<16xf32>
        %parallel_loop3A_338 = arith.index_cast %parallel_loop3A_280 : i32 to index
        %parallel_loop3A_339 = arith.constant 32 : index
        %parallel_loop3A_340 = tpu.vector_load %arg17[%parallel_loop3A_338, %parallel_loop3A_339] {strides = array<i32>} : memref<64x128xf32, #tpu.memory_space<vmem>>, vector<16xf32>,
        %parallel_loop3A_341 = arith.mulf %parallel_loop3A_340, %parallel_loop3A_292 : vector<16xf32>
        %parallel_loop3A_342 = arith.addf %parallel_loop3A_337, %parallel_loop3A_341 : vector<16xf32>
        %parallel_loop3A_343 = arith.index_cast %parallel_loop3A_282 : i32 to index
        %parallel_loop3A_344 = arith.index_cast %parallel_loop3A_284 : i32 to index
        %parallel_loop3A_345 = arith.constant 32 : index
        %parallel_loop3A_346 = tpu.vector_load %arg21[%parallel_loop3A_343, %parallel_loop3A_344, %parallel_loop3A_345] {strides = array<i32>} : memref<8x8x64xf32, #tpu.memory_space<vmem>>, vector<16xf32>,
        tpu.vector_store %arg21[%parallel_loop3A_343, %parallel_loop3A_344, %parallel_loop3A_345], %parallel_loop3A_342 {strides = array<i32>} : memref<8x8x64xf32, #tpu.memory_space<vmem>>, vector<16xf32>,
        %parallel_loop3A_347 = arith.index_cast %parallel_loop3A_282 : i32 to index
        %parallel_loop3A_348 = arith.index_cast %parallel_loop3A_284 : i32 to index
        %parallel_loop3A_349 = arith.constant 48 : index
        %parallel_loop3A_350 = tpu.vector_load %arg19[%parallel_loop3A_347, %parallel_loop3A_348, %parallel_loop3A_349] {strides = array<i32>} : memref<8x8x64xf32, #tpu.memory_space<vmem>>, vector<16xf32>,
        %parallel_loop3A_351 = arith.index_cast %parallel_loop3A_280 : i32 to index
        %parallel_loop3A_352 = arith.constant 48 : index
        %parallel_loop3A_353 = tpu.vector_load %arg15[%parallel_loop3A_351, %parallel_loop3A_352] {strides = array<i32>} : memref<64x128xf32, #tpu.memory_space<vmem>>, vector<16xf32>,
        %parallel_loop3A_354 = arith.mulf %parallel_loop3A_353, %parallel_loop3A_288 : vector<16xf32>
        %parallel_loop3A_355 = arith.addf %parallel_loop3A_350, %parallel_loop3A_354 : vector<16xf32>
        %parallel_loop3A_356 = arith.index_cast %parallel_loop3A_280 : i32 to index
        %parallel_loop3A_357 = arith.constant 48 : index
        %parallel_loop3A_358 = tpu.vector_load %arg17[%parallel_loop3A_356, %parallel_loop3A_357] {strides = array<i32>} : memref<64x128xf32, #tpu.memory_space<vmem>>, vector<16xf32>,
        %parallel_loop3A_359 = arith.mulf %parallel_loop3A_358, %parallel_loop3A_292 : vector<16xf32>
        %parallel_loop3A_360 = arith.addf %parallel_loop3A_355, %parallel_loop3A_359 : vector<16xf32>
        %parallel_loop3A_361 = arith.index_cast %parallel_loop3A_282 : i32 to index
        %parallel_loop3A_362 = arith.index_cast %parallel_loop3A_284 : i32 to index
        %parallel_loop3A_363 = arith.constant 48 : index
        %parallel_loop3A_364 = tpu.vector_load %arg21[%parallel_loop3A_361, %parallel_loop3A_362, %parallel_loop3A_363] {strides = array<i32>} : memref<8x8x64xf32, #tpu.memory_space<vmem>>, vector<16xf32>,
        tpu.vector_store %arg21[%parallel_loop3A_361, %parallel_loop3A_362, %parallel_loop3A_363], %parallel_loop3A_360 {strides = array<i32>} : memref<8x8x64xf32, #tpu.memory_space<vmem>>, vector<16xf32>,
      } {sc.loop_unroll_factor = 4 : i64, sc.parallel_access}
      %add3A_237 = arith.constant 112 : i32
      %add3A_238 = arith.addi %mul3A_2, %add3A_237 : i32
      %mul3A_239 = arith.constant 8 : i32
      %mul3A_240 = arith.muli %scan3A_35, %mul3A_239 : i32
      %dma_start3A_241 = arith.constant 0 : i32
      %dma_start3A_242 = tpu.memref_slice %arg5[%add3A_238, %mul3A_240, %dma_start3A_241] : memref<4096x200x64xf32, #tpu.memory_space<hbm>> -> memref<8x8x64xf32, #tpu.memory_space<hbm>>
      %dma_start3A_243 = arith.constant 0 : i32
      %dma_start3A_244 = tpu.memref_slice %arg5[%add3A_238, %mul3A_240, %dma_start3A_243] : memref<4096x200x64xf32, #tpu.memory_space<hbm>> -> memref<8x8x64xf32, #tpu.memory_space<hbm>>
      tpu.enqueue_dma source(%arg21 : memref<8x8x64xf32, #tpu.memory_space<vmem>>) target(%dma_start3A_244 : memref<8x8x64xf32, #tpu.memory_space<hbm>>) target_semaphore(%arg27 : memref<!tpu.dma_semaphore, #tpu.memory_space<semaphore_mem>>)
      %dma_wait3A_245 = arith.constant 0 : i32
      %dma_wait3A_246 = arith.constant 0 : i32
      %dma_wait3A_247 = tpu.memref_slice %arg4[%dma_wait3A_245, %dma_wait3A_246] : memref<100000x128xf32, #tpu.memory_space<hbm>> -> memref<100000x128xf32, #tpu.memory_space<hbm>>
      tpu.wait_indirect_dma semaphore(%arg24 : memref<!tpu.dma_semaphore, #tpu.memory_space<semaphore_mem>>) src(%dma_wait3A_247 : memref<100000x128xf32, #tpu.memory_space<hbm>>) dst(%arg16 : memref<64x128xf32, #tpu.memory_space<vmem>>)
      %dma_wait3A_248 = arith.constant 0 : i32
      %dma_wait3A_249 = arith.constant 0 : i32
      %dma_wait3A_250 = tpu.memref_slice %arg4[%dma_wait3A_248, %dma_wait3A_249] : memref<100000x128xf32, #tpu.memory_space<hbm>> -> memref<100000x128xf32, #tpu.memory_space<hbm>>
      tpu.wait_indirect_dma semaphore(%arg24 : memref<!tpu.dma_semaphore, #tpu.memory_space<semaphore_mem>>) src(%dma_wait3A_250 : memref<100000x128xf32, #tpu.memory_space<hbm>>) dst(%arg18 : memref<64x128xf32, #tpu.memory_space<vmem>>)
      %dma_wait3A_251 = arith.constant 0 : i32
      %dma_wait3A_252 = arith.constant 0 : i32
      %dma_wait3A_253 = arith.constant 0 : i32
      %dma_wait3A_254 = tpu.memref_slice %arg2[%dma_wait3A_251, %dma_wait3A_252, %dma_wait3A_253] : memref<4096x200x64xf32, #tpu.memory_space<hbm>> -> memref<8x8x64xf32, #tpu.memory_space<hbm>>
      %dma_wait3A_255 = arith.constant 0 : i32
      %dma_wait3A_256 = arith.constant 0 : i32
      %dma_wait3A_257 = arith.constant 0 : i32
      %dma_wait3A_258 = tpu.memref_slice %arg2[%dma_wait3A_255, %dma_wait3A_256, %dma_wait3A_257] : memref<4096x200x64xf32, #tpu.memory_space<hbm>> -> memref<8x8x64xf32, #tpu.memory_space<hbm>>
      tpu.wait_dma2 semaphore(%arg26 : memref<!tpu.dma_semaphore, #tpu.memory_space<semaphore_mem>>) src(%dma_wait3A_258 : memref<8x8x64xf32, #tpu.memory_space<hbm>>) dst(%arg20 : memref<8x8x64xf32, #tpu.memory_space<vmem>>)
      %mul3A_259 = arith.constant 16 : i32
      %mul3A_260 = arith.muli %scan3A_35, %mul3A_259 : i32
      %add3A_261 = arith.constant 15 : i32
      %add3A_262 = arith.addi %mul3A_260, %add3A_261 : i32
      %ge3A_263 = arith.constant 2 : i32
      %ge3A_264 = arith.cmpi sge, %add3A_262, %ge3A_263 : i32
      %convert_element_type3A_265 = arith.extui %ge3A_264 : i1 to i32
      %cond3A_266 = arith.constant 0 : i32
      %cond3A_267 = arith.cmpi ne, %convert_element_type3A_265, %cond3A_266 : i32
      scf.if %cond3A_267 {
        %dma_wait3A_280 = arith.constant 0 : i32
        %dma_wait3A_281 = arith.constant 0 : i32
        %dma_wait3A_282 = arith.constant 0 : i32
        %dma_wait3A_283 = tpu.memref_slice %arg5[%dma_wait3A_280, %dma_wait3A_281, %dma_wait3A_282] : memref<4096x200x64xf32, #tpu.memory_space<hbm>> -> memref<8x8x64xf32, #tpu.memory_space<hbm>>
        %dma_wait3A_284 = arith.constant 0 : i32
        %dma_wait3A_285 = arith.constant 0 : i32
        %dma_wait3A_286 = arith.constant 0 : i32
        %dma_wait3A_287 = tpu.memref_slice %arg5[%dma_wait3A_284, %dma_wait3A_285, %dma_wait3A_286] : memref<4096x200x64xf32, #tpu.memory_space<hbm>> -> memref<8x8x64xf32, #tpu.memory_space<hbm>>
        tpu.wait_dma2 semaphore(%arg28 : memref<!tpu.dma_semaphore, #tpu.memory_space<semaphore_mem>>) src(%arg22 : memref<8x8x64xf32, #tpu.memory_space<vmem>>) dst(%dma_wait3A_287 : memref<8x8x64xf32, #tpu.memory_space<hbm>>)
      } else {
      }
      %parallel_loop3A_268 = arith.constant 0 : i32
      %parallel_loop3A_269 = arith.constant 64 : i32
      %parallel_loop3A_270 = arith.constant 1 : i32
      scf.for %parallel_loop3A_280 = %parallel_loop3A_268 to %parallel_loop3A_269 step %parallel_loop3A_270  : i32 {
        %parallel_loop3A_281 = arith.constant 7 : i32
        %parallel_loop3A_282 = arith.andi %parallel_loop3A_280, %parallel_loop3A_281 : i32
        %parallel_loop3A_283 = arith.constant 3 : i32
        %parallel_loop3A_284 = arith.shrui %parallel_loop3A_280, %parallel_loop3A_283 : i32
        %parallel_loop3A_285 = vector.broadcast %parallel_loop3A_280 : i32 to vector<16xi32>
        %parallel_loop3A_286 = arith.addi %mul3A_5, %parallel_loop3A_285 : vector<16xi32>
        %parallel_loop3A_287 = tpu.vector_load_idx %arg12[%parallel_loop3A_286] : memref<64xi32, #tpu.memory_space<vmem>>[vector<16xi32>], vector<16xi32>,
        %parallel_loop3A_288 = arith.sitofp %parallel_loop3A_287 : vector<16xi32> to vector<16xf32>
        %parallel_loop3A_289 = vector.broadcast %parallel_loop3A_280 : i32 to vector<16xi32>
        %parallel_loop3A_290 = arith.addi %mul3A_5, %parallel_loop3A_289 : vector<16xi32>
        %parallel_loop3A_291 = tpu.vector_load_idx %arg14[%parallel_loop3A_290] : memref<64xi32, #tpu.memory_space<vmem>>[vector<16xi32>], vector<16xi32>,
        %parallel_loop3A_292 = arith.sitofp %parallel_loop3A_291 : vector<16xi32> to vector<16xf32>
        %parallel_loop3A_293 = arith.index_cast %parallel_loop3A_282 : i32 to index
        %parallel_loop3A_294 = arith.index_cast %parallel_loop3A_284 : i32 to index
        %parallel_loop3A_295 = arith.constant 0 : index
        %parallel_loop3A_296 = tpu.vector_load %arg20[%parallel_loop3A_293, %parallel_loop3A_294, %parallel_loop3A_295] {strides = array<i32>} : memref<8x8x64xf32, #tpu.memory_space<vmem>>, vector<16xf32>,
        %parallel_loop3A_297 = arith.index_cast %parallel_loop3A_280 : i32 to index
        %parallel_loop3A_298 = arith.constant 0 : index
        %parallel_loop3A_299 = tpu.vector_load %arg16[%parallel_loop3A_297, %parallel_loop3A_298] {strides = array<i32>} : memref<64x128xf32, #tpu.memory_space<vmem>>, vector<16xf32>,
        %parallel_loop3A_300 = arith.mulf %parallel_loop3A_299, %parallel_loop3A_288 : vector<16xf32>
        %parallel_loop3A_301 = arith.addf %parallel_loop3A_296, %parallel_loop3A_300 : vector<16xf32>
        %parallel_loop3A_302 = arith.index_cast %parallel_loop3A_280 : i32 to index
        %parallel_loop3A_303 = arith.constant 0 : index
        %parallel_loop3A_304 = tpu.vector_load %arg18[%parallel_loop3A_302, %parallel_loop3A_303] {strides = array<i32>} : memref<64x128xf32, #tpu.memory_space<vmem>>, vector<16xf32>,
        %parallel_loop3A_305 = arith.mulf %parallel_loop3A_304, %parallel_loop3A_292 : vector<16xf32>
        %parallel_loop3A_306 = arith.addf %parallel_loop3A_301, %parallel_loop3A_305 : vector<16xf32>
        %parallel_loop3A_307 = arith.index_cast %parallel_loop3A_282 : i32 to index
        %parallel_loop3A_308 = arith.index_cast %parallel_loop3A_284 : i32 to index
        %parallel_loop3A_309 = arith.constant 0 : index
        %parallel_loop3A_310 = tpu.vector_load %arg22[%parallel_loop3A_307, %parallel_loop3A_308, %parallel_loop3A_309] {strides = array<i32>} : memref<8x8x64xf32, #tpu.memory_space<vmem>>, vector<16xf32>,
        tpu.vector_store %arg22[%parallel_loop3A_307, %parallel_loop3A_308, %parallel_loop3A_309], %parallel_loop3A_306 {strides = array<i32>} : memref<8x8x64xf32, #tpu.memory_space<vmem>>, vector<16xf32>,
        %parallel_loop3A_311 = arith.index_cast %parallel_loop3A_282 : i32 to index
        %parallel_loop3A_312 = arith.index_cast %parallel_loop3A_284 : i32 to index
        %parallel_loop3A_313 = arith.constant 16 : index
        %parallel_loop3A_314 = tpu.vector_load %arg20[%parallel_loop3A_311, %parallel_loop3A_312, %parallel_loop3A_313] {strides = array<i32>} : memref<8x8x64xf32, #tpu.memory_space<vmem>>, vector<16xf32>,
        %parallel_loop3A_315 = arith.index_cast %parallel_loop3A_280 : i32 to index
        %parallel_loop3A_316 = arith.constant 16 : index
        %parallel_loop3A_317 = tpu.vector_load %arg16[%parallel_loop3A_315, %parallel_loop3A_316] {strides = array<i32>} : memref<64x128xf32, #tpu.memory_space<vmem>>, vector<16xf32>,
        %parallel_loop3A_318 = arith.mulf %parallel_loop3A_317, %parallel_loop3A_288 : vector<16xf32>
        %parallel_loop3A_319 = arith.addf %parallel_loop3A_314, %parallel_loop3A_318 : vector<16xf32>
        %parallel_loop3A_320 = arith.index_cast %parallel_loop3A_280 : i32 to index
        %parallel_loop3A_321 = arith.constant 16 : index
        %parallel_loop3A_322 = tpu.vector_load %arg18[%parallel_loop3A_320, %parallel_loop3A_321] {strides = array<i32>} : memref<64x128xf32, #tpu.memory_space<vmem>>, vector<16xf32>,
        %parallel_loop3A_323 = arith.mulf %parallel_loop3A_322, %parallel_loop3A_292 : vector<16xf32>
        %parallel_loop3A_324 = arith.addf %parallel_loop3A_319, %parallel_loop3A_323 : vector<16xf32>
        %parallel_loop3A_325 = arith.index_cast %parallel_loop3A_282 : i32 to index
        %parallel_loop3A_326 = arith.index_cast %parallel_loop3A_284 : i32 to index
        %parallel_loop3A_327 = arith.constant 16 : index
        %parallel_loop3A_328 = tpu.vector_load %arg22[%parallel_loop3A_325, %parallel_loop3A_326, %parallel_loop3A_327] {strides = array<i32>} : memref<8x8x64xf32, #tpu.memory_space<vmem>>, vector<16xf32>,
        tpu.vector_store %arg22[%parallel_loop3A_325, %parallel_loop3A_326, %parallel_loop3A_327], %parallel_loop3A_324 {strides = array<i32>} : memref<8x8x64xf32, #tpu.memory_space<vmem>>, vector<16xf32>,
        %parallel_loop3A_329 = arith.index_cast %parallel_loop3A_282 : i32 to index
        %parallel_loop3A_330 = arith.index_cast %parallel_loop3A_284 : i32 to index
        %parallel_loop3A_331 = arith.constant 32 : index
        %parallel_loop3A_332 = tpu.vector_load %arg20[%parallel_loop3A_329, %parallel_loop3A_330, %parallel_loop3A_331] {strides = array<i32>} : memref<8x8x64xf32, #tpu.memory_space<vmem>>, vector<16xf32>,
        %parallel_loop3A_333 = arith.index_cast %parallel_loop3A_280 : i32 to index
        %parallel_loop3A_334 = arith.constant 32 : index
        %parallel_loop3A_335 = tpu.vector_load %arg16[%parallel_loop3A_333, %parallel_loop3A_334] {strides = array<i32>} : memref<64x128xf32, #tpu.memory_space<vmem>>, vector<16xf32>,
        %parallel_loop3A_336 = arith.mulf %parallel_loop3A_335, %parallel_loop3A_288 : vector<16xf32>
        %parallel_loop3A_337 = arith.addf %parallel_loop3A_332, %parallel_loop3A_336 : vector<16xf32>
        %parallel_loop3A_338 = arith.index_cast %parallel_loop3A_280 : i32 to index
        %parallel_loop3A_339 = arith.constant 32 : index
        %parallel_loop3A_340 = tpu.vector_load %arg18[%parallel_loop3A_338, %parallel_loop3A_339] {strides = array<i32>} : memref<64x128xf32, #tpu.memory_space<vmem>>, vector<16xf32>,
        %parallel_loop3A_341 = arith.mulf %parallel_loop3A_340, %parallel_loop3A_292 : vector<16xf32>
        %parallel_loop3A_342 = arith.addf %parallel_loop3A_337, %parallel_loop3A_341 : vector<16xf32>
        %parallel_loop3A_343 = arith.index_cast %parallel_loop3A_282 : i32 to index
        %parallel_loop3A_344 = arith.index_cast %parallel_loop3A_284 : i32 to index
        %parallel_loop3A_345 = arith.constant 32 : index
        %parallel_loop3A_346 = tpu.vector_load %arg22[%parallel_loop3A_343, %parallel_loop3A_344, %parallel_loop3A_345] {strides = array<i32>} : memref<8x8x64xf32, #tpu.memory_space<vmem>>, vector<16xf32>,
        tpu.vector_store %arg22[%parallel_loop3A_343, %parallel_loop3A_344, %parallel_loop3A_345], %parallel_loop3A_342 {strides = array<i32>} : memref<8x8x64xf32, #tpu.memory_space<vmem>>, vector<16xf32>,
        %parallel_loop3A_347 = arith.index_cast %parallel_loop3A_282 : i32 to index
        %parallel_loop3A_348 = arith.index_cast %parallel_loop3A_284 : i32 to index
        %parallel_loop3A_349 = arith.constant 48 : index
        %parallel_loop3A_350 = tpu.vector_load %arg20[%parallel_loop3A_347, %parallel_loop3A_348, %parallel_loop3A_349] {strides = array<i32>} : memref<8x8x64xf32, #tpu.memory_space<vmem>>, vector<16xf32>,
        %parallel_loop3A_351 = arith.index_cast %parallel_loop3A_280 : i32 to index
        %parallel_loop3A_352 = arith.constant 48 : index
        %parallel_loop3A_353 = tpu.vector_load %arg16[%parallel_loop3A_351, %parallel_loop3A_352] {strides = array<i32>} : memref<64x128xf32, #tpu.memory_space<vmem>>, vector<16xf32>,
        %parallel_loop3A_354 = arith.mulf %parallel_loop3A_353, %parallel_loop3A_288 : vector<16xf32>
        %parallel_loop3A_355 = arith.addf %parallel_loop3A_350, %parallel_loop3A_354 : vector<16xf32>
        %parallel_loop3A_356 = arith.index_cast %parallel_loop3A_280 : i32 to index
        %parallel_loop3A_357 = arith.constant 48 : index
        %parallel_loop3A_358 = tpu.vector_load %arg18[%parallel_loop3A_356, %parallel_loop3A_357] {strides = array<i32>} : memref<64x128xf32, #tpu.memory_space<vmem>>, vector<16xf32>,
        %parallel_loop3A_359 = arith.mulf %parallel_loop3A_358, %parallel_loop3A_292 : vector<16xf32>
        %parallel_loop3A_360 = arith.addf %parallel_loop3A_355, %parallel_loop3A_359 : vector<16xf32>
        %parallel_loop3A_361 = arith.index_cast %parallel_loop3A_282 : i32 to index
        %parallel_loop3A_362 = arith.index_cast %parallel_loop3A_284 : i32 to index
        %parallel_loop3A_363 = arith.constant 48 : index
        %parallel_loop3A_364 = tpu.vector_load %arg22[%parallel_loop3A_361, %parallel_loop3A_362, %parallel_loop3A_363] {strides = array<i32>} : memref<8x8x64xf32, #tpu.memory_space<vmem>>, vector<16xf32>,
        tpu.vector_store %arg22[%parallel_loop3A_361, %parallel_loop3A_362, %parallel_loop3A_363], %parallel_loop3A_360 {strides = array<i32>} : memref<8x8x64xf32, #tpu.memory_space<vmem>>, vector<16xf32>,
      } {sc.loop_unroll_factor = 4 : i64, sc.parallel_access}
      %add3A_271 = arith.constant 120 : i32
      %add3A_272 = arith.addi %mul3A_2, %add3A_271 : i32
      %mul3A_273 = arith.constant 8 : i32
      %mul3A_274 = arith.muli %scan3A_35, %mul3A_273 : i32
      %dma_start3A_275 = arith.constant 0 : i32
      %dma_start3A_276 = tpu.memref_slice %arg5[%add3A_272, %mul3A_274, %dma_start3A_275] : memref<4096x200x64xf32, #tpu.memory_space<hbm>> -> memref<8x8x64xf32, #tpu.memory_space<hbm>>
      %dma_start3A_277 = arith.constant 0 : i32
      %dma_start3A_278 = tpu.memref_slice %arg5[%add3A_272, %mul3A_274, %dma_start3A_277] : memref<4096x200x64xf32, #tpu.memory_space<hbm>> -> memref<8x8x64xf32, #tpu.memory_space<hbm>>
      tpu.enqueue_dma source(%arg22 : memref<8x8x64xf32, #tpu.memory_space<vmem>>) target(%dma_start3A_278 : memref<8x8x64xf32, #tpu.memory_space<hbm>>) target_semaphore(%arg28 : memref<!tpu.dma_semaphore, #tpu.memory_space<semaphore_mem>>)
      %scan3A_279 = arith.constant 0 : i32
      scf.yield %scan3A_279 : i32
    }
    %scan3A_19 = arith.constant 25 : i32
    %dma_wait3A = arith.constant 0 : i32
    %dma_wait3A_20 = arith.constant 0 : i32
    %dma_wait3A_21 = arith.constant 0 : i32
    %dma_wait3A_22 = tpu.memref_slice %arg5[%dma_wait3A, %dma_wait3A_20, %dma_wait3A_21] : memref<4096x200x64xf32, #tpu.memory_space<hbm>> -> memref<8x8x64xf32, #tpu.memory_space<hbm>>
    %dma_wait3A_23 = arith.constant 0 : i32
    %dma_wait3A_24 = arith.constant 0 : i32
    %dma_wait3A_25 = arith.constant 0 : i32
    %dma_wait3A_26 = tpu.memref_slice %arg5[%dma_wait3A_23, %dma_wait3A_24, %dma_wait3A_25] : memref<4096x200x64xf32, #tpu.memory_space<hbm>> -> memref<8x8x64xf32, #tpu.memory_space<hbm>>
    tpu.wait_dma2 semaphore(%arg27 : memref<!tpu.dma_semaphore, #tpu.memory_space<semaphore_mem>>) src(%arg21 : memref<8x8x64xf32, #tpu.memory_space<vmem>>) dst(%dma_wait3A_26 : memref<8x8x64xf32, #tpu.memory_space<hbm>>)
    %dma_wait3A_27 = arith.constant 0 : i32
    %dma_wait3A_28 = arith.constant 0 : i32
    %dma_wait3A_29 = arith.constant 0 : i32
    %dma_wait3A_30 = tpu.memref_slice %arg5[%dma_wait3A_27, %dma_wait3A_28, %dma_wait3A_29] : memref<4096x200x64xf32, #tpu.memory_space<hbm>> -> memref<8x8x64xf32, #tpu.memory_space<hbm>>
    %dma_wait3A_31 = arith.constant 0 : i32
    %dma_wait3A_32 = arith.constant 0 : i32
    %dma_wait3A_33 = arith.constant 0 : i32
    %dma_wait3A_34 = tpu.memref_slice %arg5[%dma_wait3A_31, %dma_wait3A_32, %dma_wait3A_33] : memref<4096x200x64xf32, #tpu.memory_space<hbm>> -> memref<8x8x64xf32, #tpu.memory_space<hbm>>
    tpu.wait_dma2 semaphore(%arg28 : memref<!tpu.dma_semaphore, #tpu.memory_space<semaphore_mem>>) src(%arg22 : memref<8x8x64xf32, #tpu.memory_space<vmem>>) dst(%dma_wait3A_34 : memref<8x8x64xf32, #tpu.memory_space<hbm>>)
    return
  }
}

</mosaic_0001>

<sc_bundles>
// kernel: kernel.3.cloned.1.call-start
scs
__scs_entry_jumppad:
0x0: {  	(pc) =	sbr.rel $0x88, $3  }
0x1: {  	(tag) =	ssettag $0x0;
	lr =	simm.s32 $0x1  }
0x2: {  	[smem:$0x3F9E] =	sst lr;
	_ =	strace $0xD0000000  }
0x3: {  	_ = 	snop  }
0x4: {  	_ = 	snop  }
0x5: {  	_ = 	snop  }
0x6: {  	_ = 	snop  }
0x7: {  	_ = 	snop  }
__scs_overlays_trampoline_lowered:
0x8: {  	[smem:$0x3FAD] =	sst s0  }
0x9: {  	[smem:$0x3FAE] =	sst s1  }
0xa: {  	[smem:$0x3FAF] =	sst s2  }
0xb: {  	[smem:$0x3FB0] =	sst s3  }
0xc: {  	[smem:$0x3FB1] =	sst s4  }
0xd: {  	[smem:$0x3FB2] =	sst s5  }
0xe: {  	[smem:$0x3FB3] =	sst s6  }
0xf: {  	[smem:$0x3FB4] =	sst s7  }
0x10: {  	[smem:$0x3FB5] =	sst s8  }
0x11: {  	[smem:$0x3FB6] =	sst s9;
	s0 =	simm.s32 @!p0 $0x0  }
0x12: {  	s1 =	sld [smem:$0x3F9C];
	s0 =	simm.s32 @p0 $0x1  }
0x13: {  	[smem:$0x3FB7] =	sst s0;
	s0 =	simm.s32 @!p1 $0x0  }
0x14: {  	s2 =	sld [smem:$0x3F9B];
	s0 =	simm.s32 @p1 $0x1  }
0x15: {  	[smem:$0x3FB8] =	sst s0;
	s0 =	simm.s32 @!p2 $0x0  }
0x16: {  	s3 =	sld [smem:$0x3FDB];
	s0 =	simm.s32 @p2 $0x1  }
0x17: {  	s4 =	simm.s32 $0x1BF5;
	[smem:$0x3FBA] =	sst s0  }
0x18: {  	s0 =	sld [smem:$0x3F9D];
	_ =	swait.ge [sflag:s4], $0x0  }
0x19: {  	s7 =	sld [smem:$0x3F9E]  }
0x1a: {  	s8 =	sadd.s32 $0xFFFFE003, lr  }
0x1b: {  	s9 =	sadd.s32 $0xFFFFFEF7, lr;
	s5 =	simm.s32 $0xFFFFFFFF;
	p2 =	slt.u32 s8, $0xFFFFF086  }
0x1c: {  	p1 =	slt.u32 s9, $0xF7A;
	s5 =	simm.s32 @!p2 $0x0  }
0x1d: {  	s5 =	simm.s32 @p1 $0x1;
	p0 =	seq.s32 s7, s2  }
0x1e: {  	s7 =	smul.u32 @!p0 $0xF7A, s2;
	p2 =	seq.s32 @!p0 s5, $0x0  }
0x1f: {  	s9 =	smul.u32 $0xF7A, s1;
	s8 =	simm.s32 @!p0 $0x1BF5;
	p2 =	por !p2, p0  }
0x20: {  	[sflag:s8] =	ssyncset.s32 @!p0 $0xFFFFF086;
	s6 =	sadd.s32 @!p0 s3, s7;
	s7 =	simm.s32 @!p0 $0x108  }
0x21: {  	s3 =	sadd.s32 s3, s9;
	s6 =	sadd.s32 @!p0 $0x88, s6;
	s7 =	simm.s32 @p2 $0x1082  }
0x22: {  	[simem:s7], [sflag:s8] =	dma.local @!p0 [hbm:s6], $0xF7A  }
0x23: {  	s9 =	sor.u32 $0xD0000000, s2;
	s6 =	simm.s32 $0x108;
	_ =	swait.ge @!p0 [sflag:s8], $0x0  }
0x24: {  	s3 =	sadd.s32 $0x88, s3;
	s6 =	simm.s32 @!p1 $0x1082;
	[sflag:s4] =	ssyncset.s32 $0xFFFFF086  }
0x25: {  	[simem:s6], [sflag:s4] =	dma.local [hbm:s3], $0xF7A  }
0x26: {  	[smem:$0x3F9E] =	sst s1;
	(tag) =	ssettag s2;
	_ =	strace s9  }
0x27: {  	s1 =	sld [smem:$0x3FAE]  }
0x28: {  	s2 =	sld [smem:$0x3FAF]  }
0x29: {  	s4 =	sld [smem:$0x3FB1]  }
0x2a: {  	p0 =	seq.s32 s5, $0x0;
	s5 =	sld [smem:$0x3FB2]  }
0x2b: {  	s6 =	sld [smem:$0x3FB3]  }
0x2c: {  	s7 =	sld [smem:$0x3FB4]  }
0x2d: {  	s3 =	simm.s32 $0x108;
	s8 =	sld [smem:$0x3FB5]  }
0x2e: {  	s3 =	simm.s32 @!p0 $0x1082;
	s9 =	sld [smem:$0x3FB6]  }
0x2f: {  	lr =	sadd.s32 s0, s3;
	s0 =	sld [smem:$0x3FAD]  }
0x30: {  	s3 =	sld [smem:$0x3FB0]  }
0x31: {  	[smem:$0x3FB9] =	sst s10  }
0x32: {  	s10 =	sld [smem:$0x3FB7];
	_ =	sdelay $0x3  }
0x33: {  	p0 =	seq.s32 s10, $0x1;
	s10 =	sld [smem:$0x3FB9];
	_ =	sdelay $0x3  }
0x34: {  	[smem:$0x3FB9] =	sst s10  }
0x35: {  	s10 =	sld [smem:$0x3FB8];
	_ =	sdelay $0x3  }
0x36: {  	p1 =	seq.s32 s10, $0x1;
	s10 =	sld [smem:$0x3FB9];
	_ =	sdelay $0x3  }
0x37: {  	[smem:$0x3FB9] =	sst s10  }
0x38: {  	s10 =	sld [smem:$0x3FBA]  }
0x39: {  	_ = 	snop;
	(pc) =	sbr.ind lr, $3  }
0x3a: {  	_ = 	snop  }
0x3b: {  	_ = 	snop  }
0x3c: {  	p2 =	seq.s32 s10, $0x1;
	s10 =	sld [smem:$0x3FB9]  }
0x3d: {  	_ =	shalt  }
0x3e: {  	_ =	shalt  }
0x3f: {  	_ =	shalt  }
0x40: {  	_ =	shalt  }
0x41: {  	_ =	shalt  }
0x42: {  	_ =	shalt  }
0x43: {  	_ =	shalt  }
0x44: {  	_ =	shalt  }
0x45: {  	_ =	shalt  }
0x46: {  	_ =	shalt  }
0x47: {  	_ =	shalt  }
0x48: {  	_ =	shalt  }
0x49: {  	_ =	shalt  }
0x4a: {  	_ =	shalt  }
0x4b: {  	_ =	shalt  }
0x4c: {  	_ =	shalt  }
0x4d: {  	_ =	shalt  }
0x4e: {  	_ =	shalt  }
0x4f: {  	_ =	shalt  }
0x50: {  	_ =	shalt  }
0x51: {  	_ =	shalt  }
0x52: {  	_ =	shalt  }
0x53: {  	_ =	shalt  }
0x54: {  	_ =	shalt  }
0x55: {  	_ =	shalt  }
0x56: {  	_ =	shalt  }
0x57: {  	_ =	shalt  }
0x58: {  	_ =	shalt  }
0x59: {  	_ =	shalt  }
0x5a: {  	_ =	shalt  }
0x5b: {  	_ =	shalt  }
0x5c: {  	_ =	shalt  }
0x5d: {  	_ =	shalt  }
0x5e: {  	_ =	shalt  }
0x5f: {  	_ =	shalt  }
0x60: {  	_ =	shalt  }
0x61: {  	_ =	shalt  }
0x62: {  	_ =	shalt  }
0x63: {  	_ =	shalt  }
0x64: {  	_ =	shalt  }
0x65: {  	_ =	shalt  }
0x66: {  	_ =	shalt  }
0x67: {  	_ =	shalt  }
0x68: {  	_ =	shalt  }
0x69: {  	_ =	shalt  }
0x6a: {  	_ =	shalt  }
0x6b: {  	_ =	shalt  }
0x6c: {  	_ =	shalt  }
0x6d: {  	_ =	shalt  }
0x6e: {  	_ =	shalt  }
0x6f: {  	_ =	shalt  }
0x70: {  	_ =	shalt  }
0x71: {  	_ =	shalt  }
0x72: {  	_ =	shalt  }
0x73: {  	_ =	shalt  }
0x74: {  	_ =	shalt  }
0x75: {  	_ =	shalt  }
0x76: {  	_ =	shalt  }
0x77: {  	_ =	shalt  }
0x78: {  	_ =	shalt  }
0x79: {  	_ =	shalt  }
0x7a: {  	_ =	shalt  }
0x7b: {  	_ =	shalt  }
0x7c: {  	_ =	shalt  }
0x7d: {  	_ =	shalt  }
0x7e: {  	_ =	shalt  }
0x7f: {  	_ =	shalt  }
0x80: {  	_ =	shalt  }
0x81: {  	_ =	shalt  }
0x82: {  	_ =	shalt  }
0x83: {  	_ =	shalt  }
0x84: {  	_ =	shalt  }
0x85: {  	_ =	shalt  }
0x86: {  	_ =	shalt  }
0x87: {  	_ =	shalt  }
.Lfunc_end0:
.L_simem_size_0:
called_computation_lowered:
.L_overlay_start_0:
0x88: {  	s2 =	sld [smem:$0x3FD9]  }
0x89: {  	s3 =	sld [smem:$0x3FFE];
	_ =	sdelay $0x1  }
0x8a: {  	s1 =	srdreg.scid  }
0x8b: {  	s0 =	sand.u32 $0x1, s1  }
0x8c: {  	s17 =	sshll.u32 s0, $0xA;
	s2 =	sadd.s32 s3, s2  }
0x8d: {  	s2 =	sadd.s32 s2, s17  }
0x8e: {  	[smem:$0x3FC5] =	sst s2  }
0x8f: {  	_ = 	snop  }
0x90: {  	s2 =	sld [smem:$0x3FC8];
	(tm) =	ssettm $0x1  }
0x91: {  	s18 =	sld [smem:$0x3FFB];
	_ =	sdelay $0x3  }
0x92: {  	_ =	strace s18  }
0x93: {  	s3 =	sld [smem:$0x3FFC];
	_ =	sdelay $0x3  }
0x94: {  	_ =	strace s3  }
0x95: {  	s3 =	sld [smem:$0x3FFD];
	_ =	sdelay $0x3  }
0x96: {  	_ =	strace s3  }
0x97: {  	_ =	strace $0x8FFFFFFF  }
0x98: {  	s19 =	sld [smem:$0x3FDB];
	_ =	sdelay $0x1  }
0x99: {  	s4 =	simm.s32 $_scs_section_size  }
0x9a: {  	s5 =	simm.s32 $_size__tile_overlayer_lowered;
	s6 =	simm.s32 $_tile_overlayer_lowered  }
0x9b: {  	s22 =	simm.s32 $0x1BFF;
	s21 =	sshll.u32 s6, $0x1;
	s3 =	sadd.s32 s4, s19  }
0x9c: {  	s7 =	simm.s32 $0x0;
	s20 =	sshll.u32 s5, $0x1;
	s5 =	sadd.s32 s21, s3  }
0x9d: {  	[timem:s7], [sflag:s22] =	dma.local [hbm:s5], s20  }
0x9e: {  	_ =	swait.ge [sflag:s22], s20  }
0x9f: {  	s4 =	ssub.s32 $0x0, s20;
	[sflag:s22] =	ssyncset.done $0x0  }
0xa0: {  	[sflag:s22] =	ssyncadd.s32 s4;
	_ =	sdelay $0x1  }
0xa1: {  	s23 =	simm.s32 $0x1B8B  }
0xa2: {  	_ =	swait.ge [sflag:s23], $0x1  }
0xa3: {  	[sflag:s23] =	ssyncset.done $0x0  }
0xa4: {  	s25 =	simm.s32 $0x1B8E;
	s24 =	sld [smem:$0x3FFE];
	[sflag:s23] =	ssyncadd.s32 $0xFFFFFFFF  }
0xa5: {  	s26 =	simm.s32 $execute0_lowered;
	[smem:$0x3FD2] =	sst s25  }
0xa6: {  	s5 =	sshll.u32 s26, $0x1;
	_ =	strace $0x80000046;
	[dreg:$0x1] =	wrdreg $0xFFFFFFFF  }
0xa7: {  	s28 =	simm.s32 $_size_execute0_lowered;
	s3 =	sadd.s32 s3, s5;
	[dreg:$0x0] =	wrdreg $0x0  }
0xa8: {  	s5 =	sshll.u32 s28, $0x1;
	[dreg:$0x2] =	wrdreg s3  }
0xa9: {  	[dreg:$0x3] =	wrdreg s5  }
0xaa: {  	[dreg:$0x4] =	wrdreg $0xC0  }
0xab: {  	_ =	task [dreg:s7], $0x5FFFF  }
0xac: {  	[dreg:$0x1] =	wrdreg $0xFFFFFFFF  }
0xad: {  	[dreg:$0x0] =	wrdreg $0x60  }
0xae: {  	[dreg:$0x2] =	wrdreg s24  }
0xaf: {  	[dreg:$0x3] =	wrdreg s2  }
0xb0: {  	[dreg:$0x4] =	wrdreg $0x9  }
0xb1: {  	_ =	task.clear_ibuf [dreg:s7], $0x5FFFF;
	_ =	strace $0x90000046  }
0xb2: {  	s29 =	simm.s32 $0x9;
	_ =	strace $0x80000048  }
0xb3: {  	_ =	swait.ge [sflag:s29], $0x1  }
0xb4: {  	[sflag:s29] =	ssyncadd.s32 $0xFFFFFFFF  }
0xb5: {  	_ =	strace $0x90000048  }
0xb6: {  	_ =	sfence  }
0xb7: {  	s30 =	sld [smem:$0x0];
	_ =	sdelay $0x2  }
0xb8: {  	s31 =	sshll.u32 s1, $0xD;
	s1 =	sshrl.u32 s1, $0x2  }
0xb9: {  	s3 =	sand.u32 $0x4000, s31;
	s1 =	sadd.s32 s1, s30  }
0xba: {  	s0 =	sor.u32 s3, s0;
	s1 =	sshll.u32 s1, $0x11  }
0xbb: {  	s0 =	sor.u32 s1, s0  }
0xbc: {  	s0 =	sadd.s32 $0x8F2B, s0  }
0xbd: {  	[sflag:s0] =	ssyncadd.remote.s32 $0x1  }
0xbe: {  	_ =	sfence.sel $0xFFFF  }
0xbf: {  	[dreg:$0x0] =	wrdreg $0xFFFFFFFF;
	(pc) =	sbr.abs _section_cstart, $3  }
0xc0: {  	[dreg:$0x1] =	wrdreg $0xFFFFFFFF  }
0xc1: {  	_ =	task.clear_ibuf [dreg:s7], $0x2FFFF;
	_ =	strace $0x9FFFFFFF  }
0xc2: {  	(tm) =	ssettm $0x7FFFFFFF  }
0xc3: {  	_ =	shalt  }
tec
execute0_lowered:
.L_overlay_start_1:
0x0: {  	(tag) =	ssettag $0x1  }
0x1: {  	v0 =	vimm.s32 $0x76543210  }
0x2: {  	v1 =	vimm.s32 $0x83828180;
	vm0 =	vcmask $0x1F00;
	vm4 =	vcmask $0xF00  }
0x3: {  	v2 =	vimm.s32 $0xFEDCBA98;
	v4 =	vimm.s32 $0x307;
	vm2 =	vcmask $0x300  }
0x4: {  	vm3 =	vcmask $0x704;
	v7 =	vimm.s32 $0x8F8E8D8C;
	vm1 =	vcmask $0xB08  }
0x5: {  	vm5 =	vcmask $0x1F10;
	v61 =	vimm.s32 $0x387;
	v62 =	vimm.s32 $0x607  }
0x6: {  	v63 =	vimm.s32 $0x687;
	v8 =	vimm.s32 $0x707;
	v9 =	vimm.s32 $0x787  }
0x7: {  	v10 =	vimm.s32 $0xA07;
	v11 =	vimm.s32 $0xA87;
	v12 =	vimm.s32 $0xB07  }
0x8: {  	v13 =	vimm.s32 $0xB87;
	v14 =	vimm.s32 $0xE07;
	v15 =	vimm.s32 $0xE87  }
0x9: {  	v16 =	vimm.s32 $0xF07;
	v17 =	vimm.s32 $0xF87;
	v18 =	vimm.s32 $0x30F  }
0xa: {  	v19 =	vimm.s32 $0x38F;
	v20 =	vimm.s32 $0x60F;
	v21 =	vimm.s32 $0x68F  }
0xb: {  	v22 =	vimm.s32 $0x70F;
	v23 =	vimm.s32 $0x78F;
	v24 =	vimm.s32 $0xA0F  }
0xc: {  	v25 =	vimm.s32 $0xA8F;
	v26 =	vimm.s32 $0xB0F;
	v27 =	vimm.s32 $0xB8F  }
0xd: {  	v28 =	vimm.s32 $0xE0F;
	v29 =	vimm.s32 $0xE8F;
	v30 =	vimm.s32 $0xF0F  }
0xe: {  	v31 =	vimm.s32 $0xF8F;
	vm6 =	vcmask $0x1714;
	vm7 =	vcmask $0x1B18  }
0xf: {  	vm8 =	vcmask $0x1F1C;
	vm9 =	vcmask $0x2320;
	vm10 =	vcmask $0x2724  }
0x10: {  	vm11 =	vcmask $0x2B28;
	vm12 =	vcmask $0x2F2C;
	vm13 =	vcmask $0x3330  }
0x11: {  	vm14 =	vcmask $0x3734;
	vm15 =	vcmask $0x3B38;
	v0 =	vunpack.c.l.s4.s8 v0  }
0x12: {  	v1 =	vunpack.c.0.s8.s32 v1;
	v2 =	vunpack.c.l.s4.s8 v2;
	v4 =	vsel vm2, $0x100, v4  }
0x13: {  	v8 =	vsel vm2, $0x500, v8;
	v9 =	vsel vm2, $0x580, v9;
	v10 =	vsel vm2, $0x800, v10  }
0x14: {  	v11 =	vsel vm2, $0x880, v11;
	v12 =	vsel vm2, $0x900, v12;
	v13 =	vsel vm2, $0x980, v13  }
0x15: {  	v14 =	vsel vm2, $0xC00, v14;
	v15 =	vsel vm2, $0xC80, v15;
	v16 =	vsel vm2, $0xD00, v16  }
0x16: {  	v17 =	vsel vm2, $0xD80, v17;
	v18 =	vsel vm2, $0x108, v18;
	v19 =	vsel vm2, $0x188, v19  }
0x17: {  	v20 =	vsel vm2, $0x408, v20;
	v21 =	vsel vm2, $0x488, v21;
	v22 =	vsel vm2, $0x508, v22  }
0x18: {  	v23 =	vsel vm2, $0x588, v23;
	v24 =	vsel vm2, $0x808, v24;
	v25 =	vsel vm2, $0x888, v25  }
0x19: {  	v26 =	vsel vm2, $0x908, v26;
	v27 =	vsel vm2, $0x988, v27;
	v28 =	vsel vm2, $0xC08, v28  }
0x1a: {  	v29 =	vsel vm2, $0xC88, v29;
	v30 =	vsel vm2, $0xD08, v30;
	v31 =	vsel vm2, $0xD88, v31  }
0x1b: {  	v4 =	vsel vm3, $0x101, v4;
	v8 =	vsel vm3, $0x501, v8;
	v9 =	vsel vm3, $0x581, v9  }
0x1c: {  	v10 =	vsel vm3, $0x801, v10;
	v11 =	vsel vm3, $0x881, v11;
	v12 =	vsel vm3, $0x901, v12  }
0x1d: {  	v13 =	vsel vm3, $0x981, v13;
	v14 =	vsel vm3, $0xC01, v14;
	v15 =	vsel vm3, $0xC81, v15  }
0x1e: {  	v16 =	vsel vm3, $0xD01, v16;
	v17 =	vsel vm3, $0xD81, v17;
	v18 =	vsel vm3, $0x109, v18  }
0x1f: {  	v19 =	vsel vm3, $0x189, v19;
	v20 =	vsel vm3, $0x409, v20;
	v21 =	vsel vm3, $0x489, v21  }
0x20: {  	v22 =	vsel vm3, $0x509, v22;
	v23 =	vsel vm3, $0x589, v23;
	v24 =	vsel vm3, $0x809, v24  }
0x21: {  	v25 =	vsel vm3, $0x889, v25;
	v26 =	vsel vm3, $0x909, v26;
	v27 =	vsel vm3, $0x989, v27  }
0x22: {  	v28 =	vsel vm3, $0xC09, v28;
	v29 =	vsel vm3, $0xC89, v29;
	v30 =	vsel vm3, $0xD09, v30  }
0x23: {  	v31 =	vsel vm3, $0xD89, v31;
	v0 =	vunpack.c.0.s8.s32 v0;
	v1 =	vand.u32 $0xFF, v1  }
0x24: {  	v2 =	vunpack.c.0.s8.s32 v2;
	v4 =	vsel vm1, $0x102, v4;
	v8 =	vsel vm1, $0x502, v8  }
0x25: {  	v9 =	vsel vm1, $0x582, v9;
	v10 =	vsel vm1, $0x802, v10;
	v11 =	vsel vm1, $0x882, v11  }
0x26: {  	v12 =	vsel vm1, $0x902, v12;
	v13 =	vsel vm1, $0x982, v13;
	v14 =	vsel vm1, $0xC02, v14  }
0x27: {  	v15 =	vsel vm1, $0xC82, v15;
	v16 =	vsel vm1, $0xD02, v16;
	v17 =	vsel vm1, $0xD82, v17  }
0x28: {  	v18 =	vsel vm1, $0x10A, v18;
	v19 =	vsel vm1, $0x18A, v19;
	v20 =	vsel vm1, $0x40A, v20  }
0x29: {  	v21 =	vsel vm1, $0x48A, v21;
	v22 =	vsel vm1, $0x50A, v22;
	v23 =	vsel vm1, $0x58A, v23  }
0x2a: {  	v24 =	vsel vm1, $0x80A, v24;
	v25 =	vsel vm1, $0x88A, v25;
	v26 =	vsel vm1, $0x90A, v26  }
0x2b: {  	v27 =	vsel vm1, $0x98A, v27;
	v3 =	vnsel vm4, $0x287, v1;
	v1 =	vimm.s32 $0x87868584  }
0x2c: {  	v28 =	vsel vm1, $0xC0A, v28;
	v29 =	vsel vm1, $0xC8A, v29;
	v1 =	vunpack.c.0.s8.s32 v1  }
0x2d: {  	v30 =	vsel vm1, $0xD0A, v30;
	v31 =	vsel vm1, $0xD8A, v31;
	v0 =	vnsel vm0, $0x207, v0  }
0x2e: {  	v0 =	vsel vm9, $0x200, v0;
	v5 =	vand.u32 $0xFF, v1;
	v1 =	vimm.s32 $0x8B8A8988  }
0x2f: {  	v2 =	vand.u32 $0xF, v2;
	v0 =	vsel vm10, $0x201, v0;
	v6 =	vunpack.c.0.s8.s32 v1  }
0x30: {  	v1 =	vnsel vm0, $0x20F, v2;
	v2 =	vunpack.c.0.s8.s32 v7;
	v3 =	vsel vm5, v5, v3  }
0x31: {  	v5 =	vsel vm2, $0x180, v61;
	v7 =	vsel vm2, $0x480, v63;
	v0 =	vsel vm11, $0x202, v0  }
0x32: {  	v5 =	vsel vm3, $0x181, v5;
	v7 =	vsel vm3, $0x481, v7;
	v3 =	vsel vm9, $0x280, v3  }
0x33: {  	v1 =	vsel vm9, $0x208, v1;
	v0 =	vsel vm12, $0x203, v0;
	v6 =	vand.u32 $0xFF, v6  }
0x34: {  	v2 =	vand.u32 $0xFF, v2;
	v5 =	vsel vm1, $0x182, v5;
	v7 =	vsel vm1, $0x482, v7  }
0x35: {  	v3 =	vsel vm10, $0x281, v3;
	v1 =	vsel vm10, $0x209, v1;
	v0 =	vsel vm13, $0x204, v0  }
0x36: {  	v6 =	vnsel vm4, $0x28F, v6;
	vm4 =	vcmask $0xF0C;
	v3 =	vsel vm11, $0x282, v3  }
0x37: {  	v1 =	vsel vm11, $0x20A, v1;
	v0 =	vsel vm14, $0x205, v0;
	v2 =	vsel vm5, v2, v6  }
0x38: {  	v4 =	vsel vm4, $0x103, v4;
	v6 =	vsel vm2, $0x400, v62;
	vm5 =	vcmask $0x1310  }
0x39: {  	v5 =	vsel vm4, $0x183, v5;
	v7 =	vsel vm4, $0x483, v7;
	v8 =	vsel vm4, $0x503, v8  }
0x3a: {  	v9 =	vsel vm4, $0x583, v9;
	v10 =	vsel vm4, $0x803, v10;
	v11 =	vsel vm4, $0x883, v11  }
0x3b: {  	v12 =	vsel vm4, $0x903, v12;
	v13 =	vsel vm4, $0x983, v13;
	v14 =	vsel vm4, $0xC03, v14  }
0x3c: {  	v15 =	vsel vm4, $0xC83, v15;
	v16 =	vsel vm4, $0xD03, v16;
	v17 =	vsel vm4, $0xD83, v17  }
0x3d: {  	v18 =	vsel vm4, $0x10B, v18;
	v19 =	vsel vm4, $0x18B, v19;
	v20 =	vsel vm4, $0x40B, v20  }
0x3e: {  	v21 =	vsel vm4, $0x48B, v21;
	v22 =	vsel vm4, $0x50B, v22;
	v23 =	vsel vm4, $0x58B, v23  }
0x3f: {  	v24 =	vsel vm4, $0x80B, v24;
	v25 =	vsel vm4, $0x88B, v25;
	v26 =	vsel vm4, $0x90B, v26  }
0x40: {  	v27 =	vsel vm4, $0x98B, v27;
	v28 =	vsel vm4, $0xC0B, v28;
	v29 =	vsel vm4, $0xC8B, v29  }
0x41: {  	v30 =	vsel vm4, $0xD0B, v30;
	v31 =	vsel vm4, $0xD8B, v31;
	v3 =	vsel vm12, $0x283, v3  }
0x42: {  	v1 =	vsel vm12, $0x20B, v1;
	v0 =	vsel vm15, $0x206, v0;
	v6 =	vsel vm3, $0x401, v6  }
0x43: {  	v4 =	vsel vm5, $0x104, v4;
	v5 =	vsel vm5, $0x184, v5;
	v7 =	vsel vm5, $0x484, v7  }
0x44: {  	v8 =	vsel vm5, $0x504, v8;
	v9 =	vsel vm5, $0x584, v9;
	v10 =	vsel vm5, $0x804, v10  }
0x45: {  	v11 =	vsel vm5, $0x884, v11;
	v12 =	vsel vm5, $0x904, v12;
	v13 =	vsel vm5, $0x984, v13  }
0x46: {  	v14 =	vsel vm5, $0xC04, v14;
	v15 =	vsel vm5, $0xC84, v15;
	v16 =	vsel vm5, $0xD04, v16  }
0x47: {  	v17 =	vsel vm5, $0xD84, v17;
	v18 =	vsel vm5, $0x10C, v18;
	v19 =	vsel vm5, $0x18C, v19  }
0x48: {  	v20 =	vsel vm5, $0x40C, v20;
	v21 =	vsel vm5, $0x48C, v21;
	v22 =	vsel vm5, $0x50C, v22  }
0x49: {  	v23 =	vsel vm5, $0x58C, v23;
	v24 =	vsel vm5, $0x80C, v24;
	v25 =	vsel vm5, $0x88C, v25  }
0x4a: {  	v26 =	vsel vm5, $0x90C, v26;
	v27 =	vsel vm5, $0x98C, v27;
	v28 =	vsel vm5, $0xC0C, v28  }
0x4b: {  	v29 =	vsel vm5, $0xC8C, v29;
	v30 =	vsel vm5, $0xD0C, v30;
	v31 =	vsel vm5, $0xD8C, v31  }
0x4c: {  	v2 =	vsel vm9, $0x288, v2;
	v3 =	vsel vm13, $0x284, v3;
	v1 =	vsel vm13, $0x20C, v1  }
0x4d: {  	v6 =	vsel vm1, $0x402, v6;
	v4 =	vsel vm6, $0x105, v4;
	v5 =	vsel vm6, $0x185, v5  }
0x4e: {  	v7 =	vsel vm6, $0x485, v7;
	v8 =	vsel vm6, $0x505, v8;
	v9 =	vsel vm6, $0x585, v9  }
0x4f: {  	v10 =	vsel vm6, $0x805, v10;
	v11 =	vsel vm6, $0x885, v11;
	v12 =	vsel vm6, $0x905, v12  }
0x50: {  	v13 =	vsel vm6, $0x985, v13;
	v14 =	vsel vm6, $0xC05, v14;
	v15 =	vsel vm6, $0xC85, v15  }
0x51: {  	v16 =	vsel vm6, $0xD05, v16;
	v17 =	vsel vm6, $0xD85, v17;
	v18 =	vsel vm6, $0x10D, v18  }
0x52: {  	v19 =	vsel vm6, $0x18D, v19;
	v20 =	vsel vm6, $0x40D, v20;
	v21 =	vsel vm6, $0x48D, v21  }
0x53: {  	v22 =	vsel vm6, $0x50D, v22;
	v23 =	vsel vm6, $0x58D, v23;
	v24 =	vsel vm6, $0x80D, v24  }
0x54: {  	v25 =	vsel vm6, $0x88D, v25;
	v26 =	vsel vm6, $0x90D, v26;
	v27 =	vsel vm6, $0x98D, v27  }
0x55: {  	v28 =	vsel vm6, $0xC0D, v28;
	v29 =	vsel vm6, $0xC8D, v29;
	v30 =	vsel vm6, $0xD0D, v30  }
0x56: {  	v31 =	vsel vm6, $0xD8D, v31;
	v2 =	vsel vm10, $0x289, v2;
	v3 =	vsel vm14, $0x285, v3  }
0x57: {  	v32 =	vsel vm14, $0x20D, v1;
	v6 =	vsel vm4, $0x403, v6;
	v4 =	vsel vm7, $0x106, v4  }
0x58: {  	v5 =	vsel vm7, $0x186, v5;
	v7 =	vsel vm7, $0x486, v7;
	v8 =	vsel vm7, $0x506, v8  }
0x59: {  	v9 =	vsel vm7, $0x586, v9;
	v10 =	vsel vm7, $0x806, v10;
	v11 =	vsel vm7, $0x886, v11  }
0x5a: {  	v12 =	vsel vm7, $0x906, v12;
	v13 =	vsel vm7, $0x986, v13;
	v14 =	vsel vm7, $0xC06, v14  }
0x5b: {  	v15 =	vsel vm7, $0xC86, v15;
	v16 =	vsel vm7, $0xD06, v16;
	v17 =	vsel vm7, $0xD86, v17  }
0x5c: {  	v18 =	vsel vm7, $0x10E, v18;
	v19 =	vsel vm7, $0x18E, v19;
	v20 =	vsel vm7, $0x40E, v20  }
0x5d: {  	v21 =	vsel vm7, $0x48E, v21;
	v22 =	vsel vm7, $0x50E, v22;
	v23 =	vsel vm7, $0x58E, v23  }
0x5e: {  	v24 =	vsel vm7, $0x80E, v24;
	v25 =	vsel vm7, $0x88E, v25;
	v26 =	vsel vm7, $0x90E, v26  }
0x5f: {  	v27 =	vsel vm7, $0x98E, v27;
	v28 =	vsel vm7, $0xC0E, v28;
	v29 =	vsel vm7, $0xC8E, v29  }
0x60: {  	v30 =	vsel vm7, $0xD0E, v30;
	v31 =	vsel vm7, $0xD8E, v31;
	v2 =	vsel vm11, $0x28A, v2  }
0x61: {  	v1 =	vsel vm15, $0x286, v3;
	v6 =	vsel vm5, $0x404, v6;
	v4 =	vsel vm8, $0x107, v4  }
0x62: {  	v5 =	vsel vm8, $0x187, v5;
	v7 =	vsel vm8, $0x487, v7;
	v8 =	vsel vm8, $0x507, v8  }
0x63: {  	v9 =	vsel vm8, $0x587, v9;
	v10 =	vsel vm8, $0x807, v10;
	v11 =	vsel vm8, $0x887, v11  }
0x64: {  	v12 =	vsel vm8, $0x907, v12;
	v13 =	vsel vm8, $0x987, v13;
	v14 =	vsel vm8, $0xC07, v14  }
0x65: {  	v15 =	vsel vm8, $0xC87, v15;
	v16 =	vsel vm8, $0xD07, v16;
	v17 =	vsel vm8, $0xD87, v17  }
0x66: {  	v18 =	vsel vm8, $0x10F, v18;
	v19 =	vsel vm8, $0x18F, v19;
	v20 =	vsel vm8, $0x40F, v20  }
0x67: {  	v21 =	vsel vm8, $0x48F, v21;
	v22 =	vsel vm8, $0x50F, v22;
	v23 =	vsel vm8, $0x58F, v23  }
0x68: {  	v24 =	vsel vm8, $0x80F, v24;
	v25 =	vsel vm8, $0x88F, v25;
	v26 =	vsel vm8, $0x90F, v26  }
0x69: {  	v27 =	vsel vm8, $0x98F, v27;
	v28 =	vsel vm8, $0xC0F, v28;
	v29 =	vsel vm8, $0xC8F, v29  }
0x6a: {  	v30 =	vsel vm8, $0xD0F, v30;
	v31 =	vsel vm8, $0xD8F, v31;
	v2 =	vsel vm12, $0x28B, v2  }
0x6b: {  	v6 =	vsel vm6, $0x405, v6;
	v4 =	vsel vm9, $0x300, v4;
	v5 =	vsel vm9, $0x380, v5  }
0x6c: {  	v7 =	vsel vm9, $0x680, v7;
	v8 =	vsel vm9, $0x700, v8;
	v9 =	vsel vm9, $0x780, v9  }
0x6d: {  	v10 =	vsel vm9, $0xA00, v10;
	v11 =	vsel vm9, $0xA80, v11;
	v12 =	vsel vm9, $0xB00, v12  }
0x6e: {  	v13 =	vsel vm9, $0xB80, v13;
	v14 =	vsel vm9, $0xE00, v14;
	v15 =	vsel vm9, $0xE80, v15  }
0x6f: {  	v16 =	vsel vm9, $0xF00, v16;
	v17 =	vsel vm9, $0xF80, v17;
	v18 =	vsel vm9, $0x308, v18  }
0x70: {  	v19 =	vsel vm9, $0x388, v19;
	v20 =	vsel vm9, $0x608, v20;
	v21 =	vsel vm9, $0x688, v21  }
0x71: {  	v22 =	vsel vm9, $0x708, v22;
	v23 =	vsel vm9, $0x788, v23;
	v24 =	vsel vm9, $0xA08, v24  }
0x72: {  	v25 =	vsel vm9, $0xA88, v25;
	v26 =	vsel vm9, $0xB08, v26;
	v27 =	vsel vm9, $0xB88, v27  }
0x73: {  	v28 =	vsel vm9, $0xE08, v28;
	v29 =	vsel vm9, $0xE88, v29;
	v30 =	vsel vm9, $0xF08, v30  }
0x74: {  	v31 =	vsel vm9, $0xF88, v31;
	v2 =	vsel vm13, $0x28C, v2;
	v6 =	vsel vm7, $0x406, v6  }
0x75: {  	v4 =	vsel vm10, $0x301, v4;
	v5 =	vsel vm10, $0x381, v5;
	v7 =	vsel vm10, $0x681, v7  }
0x76: {  	v8 =	vsel vm10, $0x701, v8;
	v9 =	vsel vm10, $0x781, v9;
	v10 =	vsel vm10, $0xA01, v10  }
0x77: {  	v11 =	vsel vm10, $0xA81, v11;
	v12 =	vsel vm10, $0xB01, v12;
	v13 =	vsel vm10, $0xB81, v13  }
0x78: {  	v14 =	vsel vm10, $0xE01, v14;
	v15 =	vsel vm10, $0xE81, v15;
	v16 =	vsel vm10, $0xF01, v16  }
0x79: {  	v17 =	vsel vm10, $0xF81, v17;
	v18 =	vsel vm10, $0x309, v18;
	v19 =	vsel vm10, $0x389, v19  }
0x7a: {  	v20 =	vsel vm10, $0x609, v20;
	v21 =	vsel vm10, $0x689, v21;
	v22 =	vsel vm10, $0x709, v22  }
0x7b: {  	v23 =	vsel vm10, $0x789, v23;
	v24 =	vsel vm10, $0xA09, v24;
	v25 =	vsel vm10, $0xA89, v25  }
0x7c: {  	v26 =	vsel vm10, $0xB09, v26;
	v27 =	vsel vm10, $0xB89, v27;
	v28 =	vsel vm10, $0xE09, v28  }
0x7d: {  	v29 =	vsel vm10, $0xE89, v29;
	v30 =	vsel vm10, $0xF09, v30;
	v31 =	vsel vm10, $0xF89, v31  }
0x7e: {  	v2 =	vsel vm14, $0x28D, v2;
	v6 =	vsel vm8, $0x407, v6;
	v4 =	vsel vm11, $0x302, v4  }
0x7f: {  	v5 =	vsel vm11, $0x382, v5;
	v7 =	vsel vm11, $0x682, v7;
	v8 =	vsel vm11, $0x702, v8  }
0x80: {  	v9 =	vsel vm11, $0x782, v9;
	v10 =	vsel vm11, $0xA02, v10;
	v11 =	vsel vm11, $0xA82, v11  }
0x81: {  	v12 =	vsel vm11, $0xB02, v12;
	v13 =	vsel vm11, $0xB82, v13;
	v14 =	vsel vm11, $0xE02, v14  }
0x82: {  	v15 =	vsel vm11, $0xE82, v15;
	v16 =	vsel vm11, $0xF02, v16;
	v17 =	vsel vm11, $0xF82, v17  }
0x83: {  	v18 =	vsel vm11, $0x30A, v18;
	v19 =	vsel vm11, $0x38A, v19;
	v20 =	vsel vm11, $0x60A, v20  }
0x84: {  	v21 =	vsel vm11, $0x68A, v21;
	v22 =	vsel vm11, $0x70A, v22;
	v23 =	vsel vm11, $0x78A, v23  }
0x85: {  	v24 =	vsel vm11, $0xA0A, v24;
	v25 =	vsel vm11, $0xA8A, v25;
	v26 =	vsel vm11, $0xB0A, v26  }
0x86: {  	v27 =	vsel vm11, $0xB8A, v27;
	v28 =	vsel vm11, $0xE0A, v28;
	v29 =	vsel vm11, $0xE8A, v29  }
0x87: {  	v30 =	vsel vm11, $0xF0A, v30;
	v31 =	vsel vm11, $0xF8A, v31;
	v6 =	vsel vm9, $0x600, v6  }
0x88: {  	v4 =	vsel vm12, $0x303, v4;
	v5 =	vsel vm12, $0x383, v5;
	v7 =	vsel vm12, $0x683, v7  }
0x89: {  	v8 =	vsel vm12, $0x703, v8;
	v9 =	vsel vm12, $0x783, v9;
	v10 =	vsel vm12, $0xA03, v10  }
0x8a: {  	v11 =	vsel vm12, $0xA83, v11;
	v12 =	vsel vm12, $0xB03, v12;
	v13 =	vsel vm12, $0xB83, v13  }
0x8b: {  	v14 =	vsel vm12, $0xE03, v14;
	v15 =	vsel vm12, $0xE83, v15;
	v16 =	vsel vm12, $0xF03, v16  }
0x8c: {  	v17 =	vsel vm12, $0xF83, v17;
	v18 =	vsel vm12, $0x30B, v18;
	v19 =	vsel vm12, $0x38B, v19  }
0x8d: {  	v20 =	vsel vm12, $0x60B, v20;
	v21 =	vsel vm12, $0x68B, v21;
	v22 =	vsel vm12, $0x70B, v22  }
0x8e: {  	v23 =	vsel vm12, $0x78B, v23;
	v24 =	vsel vm12, $0xA0B, v24;
	v25 =	vsel vm12, $0xA8B, v25  }
0x8f: {  	v26 =	vsel vm12, $0xB0B, v26;
	v27 =	vsel vm12, $0xB8B, v27;
	v28 =	vsel vm12, $0xE0B, v28  }
0x90: {  	v29 =	vsel vm12, $0xE8B, v29;
	v30 =	vsel vm12, $0xF0B, v30;
	v31 =	vsel vm12, $0xF8B, v31  }
0x91: {  	v6 =	vsel vm10, $0x601, v6;
	v4 =	vsel vm13, $0x304, v4;
	v5 =	vsel vm13, $0x384, v5  }
0x92: {  	v7 =	vsel vm13, $0x684, v7;
	v8 =	vsel vm13, $0x704, v8;
	v9 =	vsel vm13, $0x784, v9  }
0x93: {  	v10 =	vsel vm13, $0xA04, v10;
	v11 =	vsel vm13, $0xA84, v11;
	v12 =	vsel vm13, $0xB04, v12  }
0x94: {  	v13 =	vsel vm13, $0xB84, v13;
	v14 =	vsel vm13, $0xE04, v14;
	v15 =	vsel vm13, $0xE84, v15  }
0x95: {  	v16 =	vsel vm13, $0xF04, v16;
	v17 =	vsel vm13, $0xF84, v17;
	v18 =	vsel vm13, $0x30C, v18  }
0x96: {  	v19 =	vsel vm13, $0x38C, v19;
	v20 =	vsel vm13, $0x60C, v20;
	v6 =	vsel vm11, $0x602, v6  }
0x97: {  	v21 =	vsel vm13, $0x68C, v21;
	v4 =	vsel vm14, $0x305, v4;
	v6 =	vsel vm12, $0x603, v6  }
0x98: {  	[tilespmem:$0x1FEA0] =	vst v0;
	v5 =	vsel vm14, $0x385, v5;
	v0 =	vsel vm15, $0x306, v4;
	v6 =	vsel vm13, $0x604, v6  }
0x99: {  	v22 =	vsel vm13, $0x70C, v22;
	[tilespmem:$0x1FEB0] =	vst v0;
	v0 =	vsel vm15, $0x386, v5;
	v6 =	vsel vm14, $0x605, v6  }
0x9a: {  	v23 =	vsel vm13, $0x78C, v23;
	v7 =	vsel vm14, $0x685, v7;
	[tilespmem:$0x1FEC0] =	vst v0;
	v0 =	vsel vm15, $0x606, v6  }
0x9b: {  	s2 =	simm.s32 $0x0;
	v24 =	vsel vm13, $0xA0C, v24;
	v8 =	vsel vm14, $0x705, v8;
	[tilespmem:$0x1FED0] =	vst v0;
	v0 =	vsel vm15, $0x686, v7  }
0x9c: {  	[smem:$0x7FF] =	sst s2;
	v25 =	vsel vm13, $0xA8C, v25;
	v9 =	vsel vm14, $0x785, v9;
	[tilespmem:$0x1FEE0] =	vst v0;
	v0 =	vsel vm15, $0x706, v8  }
0x9d: {  	s0 =	rddreg [dreg:$0x0];
	v26 =	vsel vm13, $0xB0C, v26;
	v10 =	vsel vm14, $0xA05, v10;
	_ =	strace $0x80000047;
	[tilespmem:$0x1FEF0] =	vst v0;
	v0 =	vsel vm15, $0x786, v9  }
0x9e: {  	v27 =	vsel vm13, $0xB8C, v27;
	v11 =	vsel vm14, $0xA85, v11;
	[tilespmem:$0x1FF00] =	vst v0;
	v0 =	vsel vm15, $0xA06, v10  }
0x9f: {  	v28 =	vsel vm13, $0xE0C, v28;
	v12 =	vsel vm14, $0xB05, v12;
	[tilespmem:$0x1FF10] =	vst v0;
	v0 =	vsel vm15, $0xA86, v11  }
0xa0: {  	v29 =	vsel vm13, $0xE8C, v29;
	v13 =	vsel vm14, $0xB85, v13;
	[tilespmem:$0x1FF20] =	vst v0;
	v0 =	vsel vm15, $0xB06, v12  }
0xa1: {  	v30 =	vsel vm13, $0xF0C, v30;
	v14 =	vsel vm14, $0xE05, v14;
	[tilespmem:$0x1FF30] =	vst v0;
	v0 =	vsel vm15, $0xB86, v13  }
0xa2: {  	v31 =	vsel vm13, $0xF8C, v31;
	v15 =	vsel vm14, $0xE85, v15;
	[tilespmem:$0x1FF40] =	vst v0;
	v0 =	vsel vm15, $0xE06, v14  }
0xa3: {  	v16 =	vsel vm14, $0xF05, v16;
	v17 =	vsel vm14, $0xF85, v17;
	[tilespmem:$0x1FF50] =	vst v0;
	v0 =	vsel vm15, $0xE86, v15  }
0xa4: {  	v18 =	vsel vm14, $0x30D, v18;
	v19 =	vsel vm14, $0x38D, v19;
	[tilespmem:$0x1FF60] =	vst v0;
	v0 =	vsel vm15, $0xF06, v16  }
0xa5: {  	v20 =	vsel vm14, $0x60D, v20;
	v21 =	vsel vm14, $0x68D, v21;
	[tilespmem:$0x1FF70] =	vst v0;
	v0 =	vsel vm15, $0xF86, v17  }
0xa6: {  	v22 =	vsel vm14, $0x70D, v22;
	v23 =	vsel vm14, $0x78D, v23;
	[tilespmem:$0x1FF80] =	vst v0;
	v0 =	vsel vm15, $0x20E, v32  }
0xa7: {  	v24 =	vsel vm14, $0xA0D, v24;
	v25 =	vsel vm14, $0xA8D, v25;
	[tilespmem:$0x1FF90] =	vst v0;
	v0 =	vsel vm15, $0x28E, v2  }
0xa8: {  	v33 =	vsel vm14, $0xB0D, v26;
	v34 =	vsel vm14, $0xB8D, v27;
	[tilespmem:$0x1FFA0] =	vst v0;
	v0 =	vsel vm15, $0x30E, v18  }
0xa9: {  	s1 =	srdreg.scid;
	s3 =	stileid.u32;
	v35 =	vsel vm14, $0xE0D, v28;
	v36 =	vsel vm14, $0xE8D, v29;
	[tilespmem:$0x1FFB0] =	vst v0;
	v0 =	vsel vm15, $0x38E, v19  }
0xaa: {  	s22 =	simm.s32 $0x400;
	s23 =	simm.s32 $0x6400;
	s1 =	sand.u32 $0x1, s1;
	v37 =	vsel vm14, $0xF0D, v30;
	v38 =	vsel vm14, $0xF8D, v31;
	[tilespmem:$0x1FFC0] =	vst v0;
	v0 =	vsel vm15, $0x60E, v20  }
0xab: {  	s3 =	sshll.u32 s3, $0x8;
	s4 =	sshll.u32 s1, $0x7;
	s1 =	ssub.s32 $0x2, s1;
	v26 =	vlaneseq.u32;
	v23 =	vsel vm15, $0x78E, v23;
	[tilespmem:$0x1FFD0] =	vst v0;
	v0 =	vsel vm15, $0x68E, v21  }
0xac: {  	s5 =	sadd.s32 $0x400, s0;
	s6 =	sadd.s32 $0xC80400, s0;
	s24 =	sshrl.u32 s1, $0x1;
	v24 =	vsel vm15, $0xA0E, v24;
	v25 =	vsel vm15, $0xA8E, v25;
	[tilespmem:$0x1FFE0] =	vst v0;
	v0 =	vsel vm15, $0x70E, v22  }
0xad: {  	s0 =	sadd.s32 $0xE06E00, s0;
	s25 =	ssub.s32 s1, s24;
	v27 =	vsel vm15, $0xB0E, v33;
	v28 =	vsel vm15, $0xB8E, v34;
	[dreg:$0x3] =	wrdreg s5;
	[tilespmem:$0x1FFF0] =	vst v0;
	v0 =	vshrl.u32 v26, $0x3  }
0xae: {  	v29 =	vsel vm15, $0xE0E, v35;
	v30 =	vsel vm15, $0xE8E, v36;
	s5 =	sor.u32 s4, s3;
	[dreg:$0x5] =	wrdreg s0;
	s0 =	smax.u32 s25, $0x1;
	v31 =	vmul.u32 $0x200, v0  }
0xaf: {  	v33 =	vsel vm15, $0xF8E, v38;
	v34 =	vand.u32 $0x7, v26;
	s4 =	smul.u32 $0x6400, s5;
	s26 =	sshll.u32 s5, $0x1;
	[dreg:$0xa] =	wrdreg s0;
	v32 =	vsel vm15, $0xF0E, v37  }
0xb0: {  	s31 =	simm.s32 $0x1;
	s13 =	simm.s32 $0x1300;
	[dreg:$0x6] =	wrdreg s26;
	v35 =	vor.u32 $0x100, v31;
	v36 =	vor.u32 $0x180, v31;
	v37 =	vor.u32 $0x400, v31  }
0xb1: {  	s14 =	simm.s32 $0x2;
	s28 =	sadd.s32 $0x32000, s4;
	[dreg:$0x4] =	wrdreg s4;
	v38 =	vor.u32 $0x480, v31;
	v39 =	vor.u32 $0x500, v31;
	v40 =	vor.u32 $0x580, v31  }
0xb2: {  	s9 =	simm.s32 $0x1280;
	s29 =	sadd.s32 $0x2BC000, s4;
	[dreg:$0x7] =	wrdreg s28;
	v41 =	vor.u32 $0x800, v31;
	v42 =	vor.u32 $0x880, v31;
	v43 =	vor.u32 $0x900, v31  }
0xb3: {  	s7 =	simm.s32 $0x1380;
	s30 =	sadd.s32 $0x2EE000, s4;
	[dreg:$0x8] =	wrdreg s29;
	v44 =	vor.u32 $0x980, v31;
	v45 =	vor.u32 $0xC00, v31;
	v46 =	vor.u32 $0xC80, v31  }
0xb4: {  	s3 =	simm.s32 $0x1200;
	s4 =	simm.s32 $0x0;
	[dreg:$0x9] =	wrdreg s30;
	v47 =	vor.u32 $0xD00, v31;
	v48 =	vor.u32 $0xD80, v31;
	v49 =	vor.u32 $0x80, v31  }
.LBB2_1:
0xb5: {  	[dreg:$0xb] =	wrdreg s4;
	s26 =	simm.s32 $0x0  }
.LBB2_2:
0xb6: {  	s0 =	sshll.u32 s26, $0x11;
	s1 =	rddreg [dreg:$0x6]  }
0xb7: {  	s29 =	rddreg [dreg:$0x1];
	s0 =	sor.u32 s1, s0  }
0xb8: {  	s12 =	simm.s32 $0x0;
	s30 =	simm.s32 $0x100;
	s0 =	sshrl.u32 s0, $0x3  }
0xb9: {  	s4 =	simm.s32 $0x2000;
	s8 =	simm.s32 $0x7;
	s0 =	sadd.s32 s29, s0  }
0xba: {  	[tilespmem:s12], [sflag:$0x7] =	stream.strided.gather [hbm4b:s0+s30], $0x1000, s4, s30, $0x38;
	[tilespmem:$0x11400] =	vst v63  }
0xbb: {  	_ =	swait.ge [sflag:s8], $0x1000  }
0xbc: {  	v0 =	vld [tilespmem:$0x1FEA0];
	_ =	sdelay $0x5  }
0xbd: {  	[sflag:s8] =	ssyncset.done $0x0  }
0xbe: {  	[sflag:s8] =	ssyncadd.s32 $0xFFFFF000  }
0xbf: {  	v0 =	vld.idx.msk [tilespmem:v0+s12+$0x0], $0xffff;
	_ =	sdelay $0x4  }
0xc0: {  	[tilespmem:$0x1000] =	vst v0  }
0xc1: {  	v0 =	vld.idx.msk [tilespmem:v1+s12+$0x0], $0xffff;
	_ =	sdelay $0x4  }
0xc2: {  	[tilespmem:$0x1200] =	vst v0;
	v0 =	vld [tilespmem:$0x1FEB0];
	_ =	sdelay $0x7  }
0xc3: {  	v0 =	vld.idx.msk [tilespmem:v0+s12+$0x0], $0xffff;
	_ =	sdelay $0x4  }
0xc4: {  	[tilespmem:$0x1100] =	vst v0;
	v0 =	vld [tilespmem:$0x1FEC0];
	_ =	sdelay $0x7  }
0xc5: {  	v0 =	vld.idx.msk [tilespmem:v0+s12+$0x0], $0xffff;
	_ =	sdelay $0x4  }
0xc6: {  	[tilespmem:$0x1300] =	vst v0;
	v0 =	vld [tilespmem:$0x1FED0];
	_ =	sdelay $0x7  }
0xc7: {  	v0 =	vld.idx.msk [tilespmem:v0+s12+$0x0], $0xffff;
	_ =	sdelay $0x4  }
0xc8: {  	[tilespmem:$0x1010] =	vst v0;
	v0 =	vld [tilespmem:$0x1FEE0];
	_ =	sdelay $0x7  }
0xc9: {  	v0 =	vld.idx.msk [tilespmem:v0+s12+$0x0], $0xffff;
	_ =	sdelay $0x4  }
0xca: {  	[tilespmem:$0x1210] =	vst v0;
	v0 =	vld [tilespmem:$0x1FEF0];
	_ =	sdelay $0x7  }
0xcb: {  	v0 =	vld.idx.msk [tilespmem:v0+s12+$0x0], $0xffff;
	_ =	sdelay $0x4  }
0xcc: {  	[tilespmem:$0x1110] =	vst v0;
	v0 =	vld [tilespmem:$0x1FF00];
	_ =	sdelay $0x7  }
0xcd: {  	v0 =	vld.idx.msk [tilespmem:v0+s12+$0x0], $0xffff;
	_ =	sdelay $0x4  }
0xce: {  	[tilespmem:$0x1310] =	vst v0;
	v0 =	vld [tilespmem:$0x1FF10];
	_ =	sdelay $0x7  }
0xcf: {  	v0 =	vld.idx.msk [tilespmem:v0+s12+$0x0], $0xffff;
	_ =	sdelay $0x4  }
0xd0: {  	[tilespmem:$0x1020] =	vst v0;
	v0 =	vld [tilespmem:$0x1FF20];
	_ =	sdelay $0x7  }
0xd1: {  	v0 =	vld.idx.msk [tilespmem:v0+s12+$0x0], $0xffff;
	_ =	sdelay $0x4  }
0xd2: {  	[tilespmem:$0x1220] =	vst v0;
	v0 =	vld [tilespmem:$0x1FF30];
	_ =	sdelay $0x7  }
0xd3: {  	v0 =	vld.idx.msk [tilespmem:v0+s12+$0x0], $0xffff;
	_ =	sdelay $0x4  }
0xd4: {  	[tilespmem:$0x1120] =	vst v0;
	v0 =	vld [tilespmem:$0x1FF40];
	_ =	sdelay $0x7  }
0xd5: {  	v0 =	vld.idx.msk [tilespmem:v0+s12+$0x0], $0xffff;
	_ =	sdelay $0x4  }
0xd6: {  	[tilespmem:$0x1320] =	vst v0;
	v0 =	vld [tilespmem:$0x1FF50];
	_ =	sdelay $0x7  }
0xd7: {  	v0 =	vld.idx.msk [tilespmem:v0+s12+$0x0], $0xffff;
	_ =	sdelay $0x4  }
0xd8: {  	[tilespmem:$0x1030] =	vst v0;
	v0 =	vld [tilespmem:$0x1FF60];
	_ =	sdelay $0x7  }
0xd9: {  	v0 =	vld.idx.msk [tilespmem:v0+s12+$0x0], $0xffff;
	_ =	sdelay $0x4  }
0xda: {  	[tilespmem:$0x1230] =	vst v0;
	v0 =	vld [tilespmem:$0x1FF70];
	_ =	sdelay $0x7  }
0xdb: {  	v0 =	vld.idx.msk [tilespmem:v0+s12+$0x0], $0xffff;
	_ =	sdelay $0x4  }
0xdc: {  	[tilespmem:$0x1130] =	vst v0;
	v0 =	vld [tilespmem:$0x1FF80];
	_ =	sdelay $0x7  }
0xdd: {  	v0 =	vld.idx.msk [tilespmem:v0+s12+$0x0], $0xffff;
	_ =	sdelay $0x4  }
0xde: {  	s10 =	simm.s32 $0x1000;
	s11 =	simm.s32 $0x1400;
	s8 =	simm.s32 $0x40;
	[tilespmem:$0x1330] =	vst v0;
	v0 =	vld [tilespmem:$0x1FF90]  }
0xdf: {  	[tilespmem:s11], [sflag:$0x1] =	stream.indirect.gather [hbm4b:s6+s8], $0x80, s10, s8, $0xb8;
	[tilespmem:$0x11400] =	vst v63  }
0xe0: {  	s17 =	rddreg [dreg:$0x4];
	s11 =	sshll.u32 s26, $0xA  }
0xe1: {  	s15 =	simm.s32 $0x1100;
	s16 =	simm.s32 $0x5400;
	s0 =	sor.u32 s17, s11  }
0xe2: {  	[tilespmem:s16], [sflag:$0x1] =	stream.indirect.gather [hbm4b:s6+s8], $0x80, s15, s8, $0xb8;
	[tilespmem:$0x11400] =	vst v63  }
0xe3: {  	s18 =	rddreg [dreg:$0x3];
	s0 =	sshrl.u32 s0, $0x3  }
0xe4: {  	s19 =	simm.s32 $0x9400;
	s0 =	sadd.s32 s18, s0  }
0xe5: {  	[tilespmem:s19], [sflag:$0x3] =	stream.strided.gather [hbm4b:s0+s22], $0x2000, s23, s22, $0x38;
	[tilespmem:$0x11400] =	vst v63  }
0xe6: {  	v0 =	vld.idx.msk [tilespmem:v0+s12+$0x0], $0xffff;
	_ =	sdelay $0x4  }
0xe7: {  	[tilespmem:$0x1080] =	vst v0;
	v0 =	vld [tilespmem:$0x1FFA0];
	_ =	sdelay $0x7  }
0xe8: {  	v0 =	vld.idx.msk [tilespmem:v0+s12+$0x0], $0xffff;
	_ =	sdelay $0x4  }
0xe9: {  	[tilespmem:$0x1280] =	vst v0;
	v0 =	vld [tilespmem:$0x1FFB0];
	_ =	sdelay $0x7  }
0xea: {  	v0 =	vld.idx.msk [tilespmem:v0+s12+$0x0], $0xffff;
	_ =	sdelay $0x4  }
0xeb: {  	[tilespmem:$0x1180] =	vst v0;
	v0 =	vld [tilespmem:$0x1FFC0];
	_ =	sdelay $0x7  }
0xec: {  	v0 =	vld.idx.msk [tilespmem:v0+s12+$0x0], $0xffff;
	_ =	sdelay $0x4  }
0xed: {  	[tilespmem:$0x1380] =	vst v0;
	v0 =	vld [tilespmem:$0x1FFD0];
	_ =	sdelay $0x7  }
0xee: {  	v0 =	vld.idx.msk [tilespmem:v0+s12+$0x0], $0xffff;
	_ =	sdelay $0x4  }
0xef: {  	[tilespmem:$0x1090] =	vst v0;
	v0 =	vld [tilespmem:$0x1FFE0];
	_ =	sdelay $0x7  }
0xf0: {  	v0 =	vld.idx.msk [tilespmem:v0+s12+$0x0], $0xffff;
	_ =	sdelay $0x4  }
0xf1: {  	[tilespmem:$0x1290] =	vst v0;
	v0 =	vld [tilespmem:$0x1FFF0];
	_ =	sdelay $0x7  }
0xf2: {  	v0 =	vld.idx.msk [tilespmem:v0+s12+$0x0], $0xffff;
	_ =	sdelay $0x4  }
0xf3: {  	[tilespmem:$0x1190] =	vst v0  }
0xf4: {  	v0 =	vld.idx.msk [tilespmem:v23+s12+$0x0], $0xffff;
	_ =	sdelay $0x4  }
0xf5: {  	[tilespmem:$0x1390] =	vst v0  }
0xf6: {  	v0 =	vld.idx.msk [tilespmem:v24+s12+$0x0], $0xffff;
	_ =	sdelay $0x4  }
0xf7: {  	[tilespmem:$0x10A0] =	vst v0  }
0xf8: {  	v0 =	vld.idx.msk [tilespmem:v25+s12+$0x0], $0xffff;
	_ =	sdelay $0x4  }
0xf9: {  	[tilespmem:$0x12A0] =	vst v0  }
0xfa: {  	v0 =	vld.idx.msk [tilespmem:v27+s12+$0x0], $0xffff;
	_ =	sdelay $0x4  }
0xfb: {  	[tilespmem:$0x11A0] =	vst v0  }
0xfc: {  	v0 =	vld.idx.msk [tilespmem:v28+s12+$0x0], $0xffff;
	_ =	sdelay $0x4  }
0xfd: {  	[tilespmem:$0x13A0] =	vst v0  }
0xfe: {  	v0 =	vld.idx.msk [tilespmem:v29+s12+$0x0], $0xffff;
	_ =	sdelay $0x4  }
0xff: {  	[tilespmem:$0x10B0] =	vst v0  }
0x100: {  	v0 =	vld.idx.msk [tilespmem:v30+s12+$0x0], $0xffff;
	_ =	sdelay $0x4  }
0x101: {  	[tilespmem:$0x12B0] =	vst v0  }
0x102: {  	v0 =	vld.idx.msk [tilespmem:v32+s12+$0x0], $0xffff;
	_ =	sdelay $0x4  }
0x103: {  	[tilespmem:$0x11B0] =	vst v0  }
0x104: {  	v0 =	vld.idx.msk [tilespmem:v33+s12+$0x0], $0xffff;
	_ =	sdelay $0x3  }
0x105: {  	s20 =	simm.s32 $0x1080;
	s21 =	simm.s32 $0x3400;
	s28 =	rddreg [dreg:$0x7]  }
0x106: {  	s24 =	simm.s32 $0x1180;
	s25 =	simm.s32 $0x7400;
	s0 =	sadd.s32 s28, s11;
	[tilespmem:$0x13B0] =	vst v0  }
0x107: {  	[tilespmem:s21], [sflag:$0x2] =	stream.indirect.gather [hbm4b:s6+s8], $0x80, s20, s8, $0xb8;
	[tilespmem:$0x11400] =	vst v63  }
0x108: {  	s29 =	simm.s32 $0xB400;
	s30 =	sshll.u32 s26, $0x4;
	s0 =	sshrl.u32 s0, $0x3  }
0x109: {  	[tilespmem:s25], [sflag:$0x2] =	stream.indirect.gather [hbm4b:s6+s8], $0x80, s24, s8, $0xb8;
	[tilespmem:$0x11400] =	vst v63  }
0x10a: {  	[dreg:$0xc] =	wrdreg s30;
	s19 =	simm.s32 $0x0;
	s0 =	sadd.s32 s18, s0  }
0x10b: {  	[tilespmem:s29], [sflag:$0x4] =	stream.strided.gather [hbm4b:s0+s22], $0x2000, s23, s22, $0x38;
	[tilespmem:$0x11400] =	vst v63  }
.LBB2_3:
0x10c: {  	_ =	swait.ge [sflag:s31], $0x2000  }
0x10d: {  	[sflag:s31] =	ssyncset.done $0x0  }
0x10e: {  	[sflag:s31] =	ssyncadd.s32 $0xFFFFE000  }
0x10f: {  	_ =	swait.ge [sflag:s31], $0x2000  }
0x110: {  	[sflag:s31] =	ssyncset.done $0x0  }
0x111: {  	s4 =	simm.s32 $0x3;
	[sflag:s31] =	ssyncadd.s32 $0xFFFFE000  }
0x112: {  	s0 =	sor.u32 s26, s19;
	s1 =	simm.s32 $0x3;
	v0 =	vmov s12;
	_ =	swait.ge [sflag:s4], $0x2000  }
0x113: {  	s20 =	simm.s32 $0x1;
	p0 =	seq.s32 s0, $0x0;
	v2 =	vmov s1;
	v0 =	vand.u32 $0xFFFFFFFC, v0;
	[sflag:s4] =	ssyncset.done $0x0  }
0x114: {  	s21 =	simm.s32 $0x2;
	v3 =	vmov s20;
	s1 =	simm.s32 @!p0 $0x5;
	v0 =	vbroadcast v0, $0x0;
	[sflag:s4] =	ssyncadd.s32 $0xFFFFE000  }
0x115: {  	v4 =	vmov s21;
	v3 =	vand.u32 $0xFFFFFFFD, v3;
	_ =	swait.ge @!p0 [sflag:s1], $0x2000  }
0x116: {  	v4 =	vand.u32 $0xFFFFFFFE, v4;
	v3 =	vbroadcast v3, $0x0;
	[sflag:s1] =	ssyncset.done @!p0 $0x0  }
0x117: {  	v4 =	vbroadcast v4, $0x0;
	[sflag:s1] =	ssyncadd.s32 @!p0 $0xFFFFE000  }
0x118: {  	v5 =	vld.idx.msk [tilespmem:v2+s13+$0x0], $0xffff  }
0x119: {  	v2 =	vld.idx.msk [tilespmem:v2+s3+$0x0], $0xffff  }
0x11a: {  	v6 =	vld.idx.msk [tilespmem:v0+s13+$0x0], $0xffff  }
0x11b: {  	v0 =	vld.idx.msk [tilespmem:v0+s3+$0x0], $0xffff  }
0x11c: {  	v7 =	vld.idx.msk [tilespmem:v3+s13+$0x0], $0xffff  }
0x11d: {  	v50 =	vld.idx.msk [tilespmem:v4+s3+$0x0], $0xffff  }
0x11e: {  	v3 =	vld.idx.msk [tilespmem:v3+s3+$0x0], $0xffff  }
0x11f: {  	s28 =	simm.s32 $0x1500;
	s24 =	simm.s32 $0x800;
	v4 =	vld.idx.msk [tilespmem:v4+s13+$0x0], $0xffff  }
0x120: {  	s25 =	sand.u32 $0x380, s12;
	s0 =	sand.u32 $0x1800, s24;
	s1 =	simm.s32 $0x5500;
	v51 =	vld [tilespmem:s28+$0x0]  }
0x121: {  	s20 =	sor.u32 s25, s0;
	v52 =	vld [tilespmem:s1+$0x0]  }
0x122: {  	v53 =	vld [tilespmem:s20+$0x9400]  }
0x123: {  	s8 =	simm.s32 $0x400;
	v54 =	vld [tilespmem:s28+$0xFFFFFF00];
	v59 =	vcvt.s32.f32 v50  }
0x124: {  	s10 =	simm.s32 $0xC00;
	s0 =	sand.u32 $0x1400, s8;
	v55 =	vld [tilespmem:s28+$0xFFFFFF80]  }
0x125: {  	s17 =	smov.u32 s26;
	s10 =	sand.u32 $0x1C00, s10;
	s26 =	sor.u32 s25, s0;
	v9 =	vld [tilespmem:s28+$0x80];
	v4 =	vcvt.s32.f32 v4;
	v50 =	vmul.f32 v59, v51  }
0x126: {  	s15 =	sand.u32 $0x1000, s12;
	s21 =	sor.u32 s25, s10;
	v56 =	vld [tilespmem:s26+$0x9400]  }
0x127: {  	s24 =	sor.u32 s25, s15;
	v57 =	vld [tilespmem:s21+$0x9400];
	v10 =	vmul.f32 v4, v52;
	v50 =	vadd.f32 v50, v53  }
0x128: {  	v58 =	vld [tilespmem:s24+$0x9400]  }
0x129: {  	v52 =	vcvt.s32.f32 v0;
	v0 =	vld [tilespmem:s1+$0xFFFFFF00];
	v60 =	vadd.f32 v10, v50  }
0x12a: {  	v53 =	vcvt.s32.f32 v3;
	v3 =	vld [tilespmem:s1+$0xFFFFFF80]  }
0x12b: {  	v50 =	vcvt.s32.f32 v2;
	v2 =	vld [tilespmem:s1+$0x80];
	[tilespmem:s20+$0xD400] =	vst v60  }
0x12c: {  	v61 =	vmul.f32 v52, v54;
	v54 =	vcvt.s32.f32 v6;
	v6 =	vld [tilespmem:s28+$0x10]  }
0x12d: {  	v11 =	vmul.f32 v53, v55;
	v55 =	vcvt.s32.f32 v7;
	v7 =	vld [tilespmem:s20+$0x9410]  }
0x12e: {  	v62 =	vmul.f32 v50, v9;
	v12 =	vld [tilespmem:s1+$0x10]  }
0x12f: {  	v13 =	vld [tilespmem:s26+$0x9410];
	v51 =	vcvt.s32.f32 v5;
	v5 =	vadd.f32 v11, v56;
	v3 =	vmul.f32 v55, v3  }
0x130: {  	v14 =	vld [tilespmem:s21+$0x9410];
	v58 =	vadd.f32 v61, v58;
	v0 =	vmul.f32 v54, v0;
	v57 =	vadd.f32 v62, v57  }
0x131: {  	v15 =	vld [tilespmem:s24+$0x9410];
	v2 =	vmul.f32 v51, v2;
	v3 =	vadd.f32 v3, v5;
	v5 =	vmul.f32 v59, v6  }
0x132: {  	v19 =	vld [tilespmem:s24+$0x9420];
	v0 =	vadd.f32 v0, v58  }
0x133: {  	v58 =	vld [tilespmem:s24+$0x9430];
	v2 =	vadd.f32 v2, v57;
	[tilespmem:s26+$0xD400] =	vst v3;
	v3 =	vadd.f32 v5, v7;
	v5 =	vmul.f32 v4, v12  }
0x134: {  	[tilespmem:s24+$0xD400] =	vst v0;
	v7 =	vld [tilespmem:s28+$0xFFFFFF90]  }
0x135: {  	v6 =	vld [tilespmem:s28+$0xFFFFFF10];
	[tilespmem:s21+$0xD400] =	vst v2;
	v2 =	vadd.f32 v5, v3  }
0x136: {  	v5 =	vld [tilespmem:s1+$0xFFFFFF90]  }
0x137: {  	v16 =	vld [tilespmem:s1+$0xFFFFFF10];
	[tilespmem:s20+$0xD410] =	vst v2  }
0x138: {  	v17 =	vld [tilespmem:s28+$0x20]  }
0x139: {  	v2 =	vmul.f32 v53, v7;
	v7 =	vld [tilespmem:s20+$0x9420]  }
0x13a: {  	v6 =	vmul.f32 v52, v6;
	v18 =	vld [tilespmem:s1+$0x20]  }
0x13b: {  	v3 =	vld [tilespmem:s28+$0x90];
	v56 =	vadd.f32 v2, v13;
	v5 =	vmul.f32 v55, v5  }
0x13c: {  	v0 =	vld [tilespmem:s26+$0x9420];
	v57 =	vmul.f32 v54, v16;
	v6 =	vadd.f32 v6, v15  }
0x13d: {  	v63 =	vld [tilespmem:s1+$0x90];
	v5 =	vadd.f32 v5, v56;
	v12 =	vmul.f32 v59, v17  }
0x13e: {  	v16 =	vld [tilespmem:s20+$0x9430];
	v6 =	vadd.f32 v57, v6  }
0x13f: {  	v2 =	vld [tilespmem:s21+$0x9420];
	[tilespmem:s26+$0xD410] =	vst v5;
	v5 =	vadd.f32 v12, v7;
	v7 =	vmul.f32 v4, v18  }
0x140: {  	v3 =	vmul.f32 v50, v3;
	[tilespmem:s24+$0xD410] =	vst v6;
	v6 =	vld [tilespmem:s28+$0xFFFFFFA0]  }
0x141: {  	v13 =	vld [tilespmem:s28+$0xFFFFFF20];
	v5 =	vadd.f32 v7, v5  }
0x142: {  	v3 =	vadd.f32 v3, v14;
	v14 =	vld [tilespmem:s1+$0xFFFFFFA0];
	v7 =	vmul.f32 v51, v63  }
0x143: {  	v15 =	vld [tilespmem:s1+$0xFFFFFF20];
	[tilespmem:s20+$0xD420] =	vst v5  }
0x144: {  	s16 =	simm.s32 $0x7;
	v3 =	vadd.f32 v7, v3;
	v5 =	vld [tilespmem:s28+$0x30]  }
0x145: {  	v57 =	vld [tilespmem:s26+$0x9430];
	v7 =	vmov s16;
	v6 =	vmul.f32 v53, v6  }
0x146: {  	v17 =	vld [tilespmem:s1+$0x30];
	[tilespmem:s21+$0xD410] =	vst v3;
	v3 =	vmul.f32 v52, v13  }
0x147: {  	s18 =	simm.s32 $0x4;
	v0 =	vadd.f32 v6, v0;
	v6 =	vmul.f32 v55, v14;
	v8 =	vld [tilespmem:s28+$0xA0]  }
0x148: {  	v18 =	vmov s18;
	v62 =	vmul.f32 v54, v15;
	v60 =	vadd.f32 v3, v19;
	v3 =	vld [tilespmem:s1+$0xA0]  }
0x149: {  	s25 =	simm.s32 $0x5;
	v56 =	vld [tilespmem:s21+$0x9430];
	v9 =	vand.u32 $0xFFFFFFFC, v18;
	v0 =	vadd.f32 v6, v0;
	v6 =	vmul.f32 v59, v5  }
0x14a: {  	v10 =	vmov s25;
	v59 =	vld.idx.msk [tilespmem:v7+s13+$0x0], $0xffff;
	v11 =	vadd.f32 v62, v60;
	v5 =	vbroadcast v9, $0x0  }
0x14b: {  	s30 =	simm.s32 $0x0;
	s29 =	simm.s32 $0x0;
	v19 =	vand.u32 $0xFFFFFFFD, v10;
	v62 =	vld.idx.msk [tilespmem:v7+s3+$0x0], $0xffff;
	v60 =	vmul.f32 v4, v17;
	[tilespmem:s26+$0xD420] =	vst v0;
	v61 =	vadd.f32 v6, v16  }
0x14c: {  	s10 =	simm.s32 $0x8;
	s0 =	simm.s32 $0x6;
	s25 =	sshll.u32 s19, $0x1;
	v6 =	vbroadcast v19, $0x0;
	[tilespmem:s24+$0xD420] =	vst v11;
	v63 =	vld [tilespmem:s28+$0xFFFFFFB0];
	v0 =	vmul.f32 v50, v8  }
.LBB2_4:
0x14d: {  	p0 =	slt.u32 s10, $0x3C;
	v4 =	vmov s0;
	v7 =	vld [tilespmem:s28+$0xFFFFFF30];
	v8 =	vadd.f32 v60, v61;
	v3 =	vmul.f32 v51, v3  }
0x14e: {  	v4 =	vand.u32 $0xFFFFFFFE, v4;
	v9 =	vld [tilespmem:s1+$0xFFFFFFB0];
	v0 =	vadd.f32 v0, v2  }
0x14f: {  	v2 =	vbroadcast v4, $0x0;
	v4 =	vld [tilespmem:s1+$0xFFFFFF30];
	[tilespmem:s20+$0xD430] =	vst v8  }
0x150: {  	v8 =	vld.idx.msk [tilespmem:v5+s13+$0x0], $0xffff;
	v0 =	vadd.f32 v3, v0  }
0x151: {  	v3 =	vld.idx.msk [tilespmem:v5+s3+$0x0], $0xffff;
	v5 =	vmul.f32 v53, v63  }
0x152: {  	v10 =	vld.idx.msk [tilespmem:v6+s13+$0x0], $0xffff;
	v7 =	vmul.f32 v52, v7;
	[tilespmem:s21+$0xD420] =	vst v0  }
0x153: {  	v0 =	vadd.f32 v5, v57;
	v5 =	vmul.f32 v55, v9;
	v9 =	vld [tilespmem:s28+$0xB0]  }
0x154: {  	v7 =	vadd.f32 v7, v58;
	v4 =	vmul.f32 v54, v4;
	v11 =	vld [tilespmem:s1+$0xB0]  }
0x155: {  	v52 =	vld.idx.msk [tilespmem:v2+s3+$0x0], $0xffff;
	v0 =	vadd.f32 v5, v0  }
0x156: {  	s30 =	sadd.s32 $0x1000, s30;
	v5 =	vld.idx.msk [tilespmem:v6+s3+$0x0], $0xffff;
	v4 =	vadd.f32 v4, v7  }
0x157: {  	s29 =	sadd.s32 $0x40, s29;
	s0 =	sadd.s32 $0x800, s30;
	s28 =	sadd.s32 $0x200, s28;
	v2 =	vld.idx.msk [tilespmem:v2+s13+$0x0], $0xffff;
	[tilespmem:s26+$0xD430] =	vst v0  }
0x158: {  	s4 =	sand.u32 $0x380, s29;
	s0 =	sand.u32 $0x1800, s0;
	s1 =	sadd.s32 $0x200, s1;
	v6 =	vld [tilespmem:s28+$0x0];
	[tilespmem:s24+$0xD430] =	vst v4;
	v0 =	vmul.f32 v50, v9  }
0x159: {  	s15 =	sadd.s32 $0x400, s30;
	s20 =	sor.u32 s4, s0;
	s0 =	sadd.s32 $0xC00, s30;
	v4 =	vld [tilespmem:s1+$0x0];
	v7 =	vmul.f32 v51, v11  }
0x15a: {  	s16 =	sand.u32 $0x1000, s30;
	s15 =	sand.u32 $0x1400, s15;
	s0 =	sand.u32 $0x1C00, s0;
	v9 =	vld [tilespmem:s20+$0x9400];
	v0 =	vadd.f32 v0, v56  }
0x15b: {  	s0 =	sor.u32 s4, s0;
	s26 =	sor.u32 s4, s15;
	s24 =	sor.u32 s4, s16;
	v60 =	vcvt.s32.f32 v52;
	v11 =	vld [tilespmem:s28+$0xFFFFFF00]  }
0x15c: {  	v51 =	vld [tilespmem:s28+$0xFFFFFF80];
	v7 =	vadd.f32 v7, v0  }
0x15d: {  	v0 =	vcvt.s32.f32 v2;
	v2 =	vmul.f32 v60, v6;
	v6 =	vld [tilespmem:s28+$0x80]  }
0x15e: {  	v52 =	vcvt.s32.f32 v3;
	v3 =	vld [tilespmem:s26+$0x9400];
	[tilespmem:s21+$0xD430] =	vst v7;
	s21 =	smov.u32 s0  }
0x15f: {  	v53 =	vcvt.s32.f32 v5;
	v4 =	vmul.f32 v0, v4;
	v2 =	vadd.f32 v2, v9;
	v5 =	vld [tilespmem:s21+$0x9400]  }
0x160: {  	v50 =	vcvt.s32.f32 v62;
	v7 =	vld [tilespmem:s24+$0x9400];
	v9 =	vmul.f32 v52, v11  }
0x161: {  	v11 =	vld [tilespmem:s1+$0xFFFFFF00];
	v51 =	vmul.f32 v53, v51;
	v2 =	vadd.f32 v4, v2  }
0x162: {  	v4 =	vld [tilespmem:s1+$0xFFFFFF80];
	v6 =	vmul.f32 v50, v6  }
0x163: {  	v3 =	vadd.f32 v51, v3;
	[tilespmem:s20+$0xD400] =	vst v2;
	v2 =	vld [tilespmem:s1+$0x80]  }
0x164: {  	v54 =	vcvt.s32.f32 v8;
	v8 =	vld [tilespmem:s28+$0x10];
	v5 =	vadd.f32 v6, v5  }
0x165: {  	v55 =	vcvt.s32.f32 v10;
	v6 =	vadd.f32 v9, v7;
	v7 =	vld [tilespmem:s20+$0x9410]  }
0x166: {  	v51 =	vcvt.s32.f32 v59;
	v9 =	vmul.f32 v54, v11;
	v10 =	vld [tilespmem:s1+$0x10]  }
0x167: {  	v4 =	vmul.f32 v55, v4;
	v11 =	vld [tilespmem:s26+$0x9410]  }
0x168: {  	v6 =	vadd.f32 v9, v6;
	v2 =	vmul.f32 v51, v2;
	v9 =	vld [tilespmem:s21+$0x9410]  }
0x169: {  	v56 =	vld [tilespmem:s24+$0x9410];
	v3 =	vadd.f32 v4, v3;
	v4 =	vmul.f32 v60, v8  }
0x16a: {  	[tilespmem:s24+$0xD400] =	vst v6;
	v6 =	vld [tilespmem:s26+$0x9420];
	v2 =	vadd.f32 v2, v5  }
0x16b: {  	v5 =	vld [tilespmem:s28+$0xFFFFFF10];
	[tilespmem:s26+$0xD400] =	vst v3;
	v3 =	vadd.f32 v4, v7;
	v4 =	vmul.f32 v0, v10  }
0x16c: {  	v7 =	vld [tilespmem:s28+$0xFFFFFF90];
	[tilespmem:s21+$0xD400] =	vst v2  }
0x16d: {  	v2 =	vadd.f32 v4, v3;
	v3 =	vld [tilespmem:s28+$0x90]  }
0x16e: {  	v4 =	vld [tilespmem:s1+$0xFFFFFF90]  }
0x16f: {  	v8 =	vld [tilespmem:s1+$0xFFFFFF10];
	[tilespmem:s20+$0xD410] =	vst v2  }
0x170: {  	v2 =	vmul.f32 v52, v5;
	v5 =	vld [tilespmem:s28+$0x20]  }
0x171: {  	v7 =	vmul.f32 v53, v7;
	v10 =	vld [tilespmem:s20+$0x9420]  }
0x172: {  	v56 =	vadd.f32 v2, v56;
	v58 =	vld [tilespmem:s1+$0x20];
	v2 =	vmul.f32 v50, v3  }
0x173: {  	v3 =	vadd.f32 v7, v11;
	v4 =	vmul.f32 v55, v4;
	v7 =	vld [tilespmem:s1+$0x90]  }
0x174: {  	v8 =	vmul.f32 v54, v8;
	v9 =	vadd.f32 v2, v9;
	v2 =	vld [tilespmem:s21+$0x9420]  }
0x175: {  	v11 =	vld [tilespmem:s24+$0x9420];
	v3 =	vadd.f32 v4, v3;
	v4 =	vmul.f32 v60, v5  }
0x176: {  	v5 =	vadd.f32 v8, v56;
	v57 =	vld [tilespmem:s26+$0x9430]  }
0x177: {  	[tilespmem:s26+$0xD410] =	vst v3;
	v3 =	vadd.f32 v4, v10;
	v4 =	vmul.f32 v0, v58;
	v56 =	vld [tilespmem:s21+$0x9430]  }
0x178: {  	[tilespmem:s24+$0xD410] =	vst v5;
	v5 =	vld [tilespmem:s28+$0xFFFFFFA0];
	v7 =	vmul.f32 v51, v7  }
0x179: {  	v8 =	vld [tilespmem:s28+$0xFFFFFF20];
	v3 =	vadd.f32 v4, v3  }
0x17a: {  	v4 =	vld [tilespmem:s1+$0xFFFFFFA0];
	v7 =	vadd.f32 v7, v9  }
0x17b: {  	v9 =	vld [tilespmem:s1+$0xFFFFFF20];
	[tilespmem:s20+$0xD420] =	vst v3  }
0x17c: {  	s0 =	sadd.s32 $0x3, s10;
	v10 =	vld [tilespmem:s28+$0x30];
	[tilespmem:s21+$0xD410] =	vst v7  }
0x17d: {  	v7 =	vmov s0;
	v3 =	vmul.f32 v53, v5;
	v61 =	vld [tilespmem:s20+$0x9430]  }
0x17e: {  	v5 =	vmul.f32 v52, v8;
	v8 =	vld [tilespmem:s1+$0x30]  }
0x17f: {  	v6 =	vadd.f32 v3, v6;
	v4 =	vmul.f32 v55, v4;
	v12 =	vld [tilespmem:s28+$0xA0]  }
.Ltmp0:
0x180: {  	v58 =	vmov s10;
	v11 =	vadd.f32 v5, v11;
	v9 =	vmul.f32 v54, v9;
	v3 =	vld [tilespmem:s1+$0xA0];
	(pc) =	sbr.rel @p0 .LBB2_4-.Ltmp0, $4  }
0x181: {  	s0 =	sadd.s32 $0x1, s10;
	v5 =	vand.u32 $0xFFFFFFFC, v58;
	v58 =	vld [tilespmem:s24+$0x9430];
	v4 =	vadd.f32 v4, v6;
	v6 =	vmul.f32 v60, v10  }
0x182: {  	v5 =	vbroadcast v5, $0x0;
	v10 =	vmov s0;
	v59 =	vld.idx.msk [tilespmem:v7+s13+$0x0], $0xffff;
	v9 =	vadd.f32 v9, v11  }
0x183: {  	v10 =	vand.u32 $0xFFFFFFFD, v10;
	v62 =	vld.idx.msk [tilespmem:v7+s3+$0x0], $0xffff;
	[tilespmem:s26+$0xD420] =	vst v4;
	v61 =	vadd.f32 v6, v61;
	v60 =	vmul.f32 v0, v8  }
0x184: {  	s0 =	sadd.s32 $0x2, s10;
	s10 =	sadd.s32 $0x4, s10;
	v6 =	vbroadcast v10, $0x0;
	[tilespmem:s24+$0xD420] =	vst v9;
	v63 =	vld [tilespmem:s28+$0xFFFFFFB0];
	v0 =	vmul.f32 v50, v12  }
0x185: {  	_ =	sdelay $0x1  }
0x186: {  	v4 =	vld [tilespmem:s28+$0xFFFFFF30]  }
0x187: {  	v8 =	vmul.f32 v51, v3;
	v3 =	vld [tilespmem:s1+$0xFFFFFFB0]  }
0x188: {  	v7 =	vmov s0;
	v9 =	vld.idx.msk [tilespmem:v5+s13+$0x0], $0xffff  }
0x189: {  	v7 =	vand.u32 $0xFFFFFFFE, v7;
	v0 =	vadd.f32 v0, v2;
	v2 =	vld [tilespmem:s1+$0xFFFFFF30]  }
0x18a: {  	v10 =	vld.idx.msk [tilespmem:v6+s13+$0x0], $0xffff;
	v7 =	vbroadcast v7, $0x0  }
0x18b: {  	s15 =	sadd.s32 $0x200, s1;
	v6 =	vld.idx.msk [tilespmem:v6+s3+$0x0], $0xffff  }
0x18c: {  	v13 =	vld [tilespmem:s15+$0x0];
	v0 =	vadd.f32 v8, v0  }
0x18d: {  	v19 =	vld [tilespmem:s15+$0xFFFFFF00]  }
0x18e: {  	v8 =	vld.idx.msk [tilespmem:v5+s3+$0x0], $0xffff;
	[tilespmem:s21+$0xD420] =	vst v0  }
0x18f: {  	v5 =	vld [tilespmem:s28+$0xB0]  }
0x190: {  	s4 =	sadd.s32 $0x1000, s30;
	s28 =	sadd.s32 $0x200, s28;
	v11 =	vld.idx.msk [tilespmem:v7+s3+$0x0], $0xffff  }
0x191: {  	s10 =	sadd.s32 $0x40, s29;
	s8 =	sadd.s32 $0x800, s4;
	v12 =	vld [tilespmem:s28+$0x0]  }
0x192: {  	s16 =	sand.u32 $0x380, s10;
	s0 =	sand.u32 $0x1800, s8;
	v7 =	vld.idx.msk [tilespmem:v7+s13+$0x0], $0xffff  }
0x193: {  	s29 =	sand.u32 $0x1000, s4;
	v0 =	vld [tilespmem:s1+$0xB0];
	s1 =	sor.u32 s16, s0  }
0x194: {  	s18 =	sor.u32 s16, s29;
	v14 =	vld [tilespmem:s1+$0x9400]  }
0x195: {  	s10 =	sadd.s32 $0x400, s4;
	v18 =	vld [tilespmem:s18+$0x9400];
	v11 =	vcvt.s32.f32 v11  }
0x196: {  	s0 =	sand.u32 $0x1400, s10;
	v15 =	vld [tilespmem:s28+$0xFFFFFF00]  }
0x197: {  	s10 =	sor.u32 s16, s0;
	v16 =	vld [tilespmem:s28+$0xFFFFFF80];
	v7 =	vcvt.s32.f32 v7;
	v12 =	vmul.f32 v11, v12  }
0x198: {  	v17 =	vld [tilespmem:s10+$0x9400]  }
0x199: {  	s4 =	sadd.s32 $0xC00, s4;
	v13 =	vmul.f32 v7, v13;
	v12 =	vadd.f32 v12, v14;
	v14 =	vld [tilespmem:s15+$0xFFFFFF80]  }
0x19a: {  	s4 =	sand.u32 $0x1C00, s4;
	v6 =	vcvt.s32.f32 v6;
	v8 =	vcvt.s32.f32 v8  }
0x19b: {  	v9 =	vcvt.s32.f32 v9;
	v10 =	vcvt.s32.f32 v10;
	s16 =	sor.u32 s16, s4;
	v20 =	vld [tilespmem:s28+$0x80];
	v12 =	vadd.f32 v13, v12  }
0x19c: {  	v16 =	vmul.f32 v6, v16;
	v15 =	vmul.f32 v8, v15;
	v13 =	vld [tilespmem:s16+$0x9400]  }
0x19d: {  	v62 =	vcvt.s32.f32 v62;
	v19 =	vmul.f32 v9, v19;
	[tilespmem:s1+$0xD400] =	vst v12;
	v12 =	vld [tilespmem:s15+$0x80]  }
0x19e: {  	v16 =	vadd.f32 v16, v17;
	v15 =	vadd.f32 v15, v18;
	v18 =	vld [tilespmem:s1+$0x9410];
	v14 =	vmul.f32 v10, v14  }
0x19f: {  	v59 =	vcvt.s32.f32 v59;
	v17 =	vld [tilespmem:s28+$0x10]  }
0x1a0: {  	v20 =	vmul.f32 v62, v20;
	v15 =	vadd.f32 v19, v15;
	v19 =	vld [tilespmem:s18+$0x9410];
	v14 =	vadd.f32 v14, v16  }
0x1a1: {  	v21 =	vld [tilespmem:s15+$0x10]  }
0x1a2: {  	v16 =	vld [tilespmem:s10+$0x9410];
	v13 =	vadd.f32 v20, v13;
	v12 =	vmul.f32 v59, v12;
	[tilespmem:s10+$0xD400] =	vst v14  }
0x1a3: {  	[tilespmem:s18+$0xD400] =	vst v15;
	v14 =	vld [tilespmem:s28+$0xFFFFFF90]  }
0x1a4: {  	v15 =	vmul.f32 v11, v17;
	v12 =	vadd.f32 v12, v13;
	v13 =	vld [tilespmem:s28+$0xFFFFFF10]  }
0x1a5: {  	v17 =	vld [tilespmem:s15+$0xFFFFFF90]  }
0x1a6: {  	v15 =	vadd.f32 v15, v18;
	v18 =	vmul.f32 v7, v21;
	[tilespmem:s16+$0xD400] =	vst v12;
	v12 =	vld [tilespmem:s15+$0xFFFFFF10]  }
0x1a7: {  	v20 =	vld [tilespmem:s28+$0x90]  }
0x1a8: {  	v21 =	vld [tilespmem:s16+$0x9410];
	v15 =	vadd.f32 v18, v15;
	v14 =	vmul.f32 v6, v14  }
0x1a9: {  	v18 =	vld [tilespmem:s15+$0x90];
	v13 =	vmul.f32 v8, v13  }
0x1aa: {  	v22 =	vld [tilespmem:s10+$0x9420];
	[tilespmem:s1+$0xD410] =	vst v15;
	v15 =	vmul.f32 v10, v17;
	v14 =	vadd.f32 v14, v16  }
0x1ab: {  	v17 =	vld [tilespmem:s1+$0x9420];
	v13 =	vadd.f32 v13, v19;
	v12 =	vmul.f32 v9, v12  }
0x1ac: {  	v16 =	vld [tilespmem:s28+$0x20];
	v19 =	vmul.f32 v62, v20;
	v14 =	vadd.f32 v15, v14  }
0x1ad: {  	v15 =	vld [tilespmem:s15+$0x20];
	v12 =	vadd.f32 v12, v13  }
0x1ae: {  	v13 =	vadd.f32 v19, v21;
	v19 =	vld [tilespmem:s18+$0x9420];
	[tilespmem:s10+$0xD410] =	vst v14;
	v14 =	vmul.f32 v59, v18  }
0x1af: {  	[tilespmem:s18+$0xD410] =	vst v12;
	v12 =	vld [tilespmem:s28+$0xFFFFFFA0]  }
0x1b0: {  	v18 =	vld [tilespmem:s28+$0xFFFFFF20];
	v13 =	vadd.f32 v14, v13  }
0x1b1: {  	v14 =	vmul.f32 v11, v16;
	v16 =	vld [tilespmem:s15+$0xFFFFFFA0]  }
0x1b2: {  	v20 =	vld [tilespmem:s15+$0xFFFFFF20];
	[tilespmem:s16+$0xD410] =	vst v13  }
0x1b3: {  	v13 =	vadd.f32 v14, v17;
	v14 =	vmul.f32 v7, v15;
	v15 =	vld [tilespmem:s28+$0xA0]  }
0x1b4: {  	v17 =	vld [tilespmem:s16+$0x9420]  }
0x1b5: {  	v13 =	vadd.f32 v14, v13;
	v12 =	vmul.f32 v6, v12;
	v14 =	vld [tilespmem:s15+$0xA0]  }
0x1b6: {  	v21 =	vld [tilespmem:s10+$0x9430];
	v18 =	vmul.f32 v8, v18  }
0x1b7: {  	v16 =	vmul.f32 v10, v16;
	[tilespmem:s1+$0xD420] =	vst v13;
	v12 =	vadd.f32 v12, v22;
	v13 =	vld [tilespmem:s16+$0x9430]  }
0x1b8: {  	v18 =	vadd.f32 v18, v19;
	v19 =	vld [tilespmem:s28+$0x30];
	v15 =	vmul.f32 v62, v15  }
0x1b9: {  	v20 =	vmul.f32 v9, v20;
	v12 =	vadd.f32 v16, v12;
	v16 =	vld [tilespmem:s1+$0x9430]  }
0x1ba: {  	v14 =	vmul.f32 v59, v14;
	v15 =	vadd.f32 v15, v17;
	v17 =	vld [tilespmem:s15+$0x30]  }
0x1bb: {  	v4 =	vmul.f32 v52, v4;
	v18 =	vadd.f32 v20, v18;
	[tilespmem:s10+$0xD420] =	vst v12;
	v12 =	vld [tilespmem:s18+$0x9430]  }
0x1bc: {  	v20 =	vmul.f32 v53, v63;
	v63 =	vld [tilespmem:s15+$0xFFFFFFB0];
	v14 =	vadd.f32 v14, v15  }
0x1bd: {  	v2 =	vmul.f32 v54, v2;
	v4 =	vadd.f32 v4, v58;
	[tilespmem:s18+$0xD420] =	vst v18;
	v15 =	vld [tilespmem:s28+$0xFFFFFFB0]  }
0x1be: {  	v5 =	vmul.f32 v50, v5;
	v57 =	vadd.f32 v20, v57;
	v20 =	vld [tilespmem:s28+$0xFFFFFF30];
	[tilespmem:s16+$0xD420] =	vst v14  }
0x1bf: {  	v3 =	vmul.f32 v55, v3;
	v2 =	vadd.f32 v2, v4;
	v4 =	vmul.f32 v11, v19;
	v52 =	vld [tilespmem:s28+$0xB0]  }
0x1c0: {  	v0 =	vmul.f32 v51, v0;
	v5 =	vadd.f32 v5, v56;
	v53 =	vld [tilespmem:s15+$0xFFFFFF30]  }
0x1c1: {  	v3 =	vadd.f32 v3, v57;
	v4 =	vadd.f32 v4, v16;
	v54 =	vld [tilespmem:s15+$0xB0];
	v7 =	vmul.f32 v7, v17  }
0x1c2: {  	v0 =	vadd.f32 v0, v5;
	v6 =	vmul.f32 v6, v15  }
0x1c3: {  	v22 =	vadd.f32 v60, v61;
	[tilespmem:s26+$0xD430] =	vst v3;
	v8 =	vmul.f32 v8, v20;
	v3 =	vadd.f32 v7, v4  }
0x1c4: {  	[tilespmem:s24+$0xD430] =	vst v2;
	v5 =	vadd.f32 v6, v21;
	v6 =	vmul.f32 v10, v63;
	v7 =	vmul.f32 v62, v52  }
0x1c5: {  	[tilespmem:s20+$0xD430] =	vst v22;
	s20 =	sshll.u32 s19, $0x4;
	v2 =	vmul.f32 v9, v53;
	v4 =	vadd.f32 v8, v12  }
0x1c6: {  	[tilespmem:s21+$0xD430] =	vst v0;
	s4 =	sadd.s32 $0x10, s20;
	v0 =	vmul.f32 v59, v54;
	v5 =	vadd.f32 v6, v5;
	v7 =	vadd.f32 v7, v13  }
0x1c7: {  	s8 =	sadd.s32 s5, s20;
	[tilespmem:s1+$0xD430] =	vst v3;
	v6 =	vor.u32 s4, v26;
	v2 =	vadd.f32 v2, v4  }
0x1c8: {  	s15 =	smul.u32 $0x6400, s8;
	v6 =	vand.u32 $0xF7, v6;
	[tilespmem:s10+$0xD430] =	vst v5;
	v0 =	vadd.f32 v0, v7  }
0x1c9: {  	v3 =	vor.u32 v31, v6;
	[tilespmem:s18+$0xD430] =	vst v2  }
0x1ca: {  	s10 =	sadd.s32 s11, s15;
	[tilespmem:s16+$0xD430] =	vst v0  }
0x1cb: {  	s15 =	sshrl.u32 s10, $0x3;
	s18 =	rddreg [dreg:$0x5]  }
0x1cc: {  	s21 =	simm.s32 $0xD400;
	s0 =	sadd.s32 s18, s15  }
0x1cd: {  	v0 =	vmov s4;
	[hbm4b:s0+s22] =	stream.strided.scatter [tilespmem:s21], [sflag:$0x5], $0x2000, s23, s22, $0x38;
	[tilespmem:$0x11400] =	vst v63  }
0x1ce: {  	v0 =	vand.u32 $0xF7, v0;
	v2 =	vld.idx.msk [tilespmem:v3+s2+$0x0], $0xffff  }
0x1cf: {  	v3 =	vadd.s32 v1, v0;
	_ =	sdelay $0x3  }
0x1d0: {  	[tilespmem:$0x1000] =	vst v2  }
0x1d1: {  	v2 =	vld.idx.msk [tilespmem:v3+s2+$0x0], $0xffff  }
0x1d2: {  	v3 =	vor.u32 v35, v6;
	_ =	sdelay $0x3  }
0x1d3: {  	[tilespmem:$0x1200] =	vst v2  }
0x1d4: {  	v0 =	vor.u32 v34, v0;
	v2 =	vld.idx.msk [tilespmem:v3+s2+$0x0], $0xffff  }
0x1d5: {  	v3 =	vadd.s32 v36, v0;
	_ =	sdelay $0x3  }
0x1d6: {  	[tilespmem:$0x1100] =	vst v2  }
0x1d7: {  	v2 =	vld.idx.msk [tilespmem:v3+s2+$0x0], $0xffff  }
0x1d8: {  	v3 =	vor.u32 v37, v6;
	_ =	sdelay $0x3  }
0x1d9: {  	[tilespmem:$0x1300] =	vst v2  }
0x1da: {  	v2 =	vld.idx.msk [tilespmem:v3+s2+$0x0], $0xffff  }
0x1db: {  	v3 =	vadd.s32 v38, v0;
	_ =	sdelay $0x3  }
0x1dc: {  	[tilespmem:$0x1010] =	vst v2  }
0x1dd: {  	v2 =	vld.idx.msk [tilespmem:v3+s2+$0x0], $0xffff  }
0x1de: {  	v3 =	vor.u32 v39, v6;
	_ =	sdelay $0x3  }
0x1df: {  	[tilespmem:$0x1210] =	vst v2  }
0x1e0: {  	v2 =	vld.idx.msk [tilespmem:v3+s2+$0x0], $0xffff  }
0x1e1: {  	v3 =	vadd.s32 v40, v0;
	_ =	sdelay $0x3  }
0x1e2: {  	[tilespmem:$0x1110] =	vst v2  }
0x1e3: {  	v2 =	vld.idx.msk [tilespmem:v3+s2+$0x0], $0xffff  }
0x1e4: {  	v3 =	vor.u32 v41, v6;
	_ =	sdelay $0x3  }
0x1e5: {  	[tilespmem:$0x1310] =	vst v2  }
0x1e6: {  	v2 =	vld.idx.msk [tilespmem:v3+s2+$0x0], $0xffff  }
0x1e7: {  	v3 =	vadd.s32 v42, v0;
	_ =	sdelay $0x3  }
0x1e8: {  	[tilespmem:$0x1020] =	vst v2  }
0x1e9: {  	v2 =	vld.idx.msk [tilespmem:v3+s2+$0x0], $0xffff  }
0x1ea: {  	v3 =	vor.u32 v43, v6;
	_ =	sdelay $0x3  }
0x1eb: {  	[tilespmem:$0x1220] =	vst v2  }
0x1ec: {  	v2 =	vld.idx.msk [tilespmem:v3+s2+$0x0], $0xffff  }
0x1ed: {  	v3 =	vadd.s32 v44, v0;
	_ =	sdelay $0x3  }
0x1ee: {  	[tilespmem:$0x1120] =	vst v2  }
0x1ef: {  	v2 =	vld.idx.msk [tilespmem:v3+s2+$0x0], $0xffff  }
0x1f0: {  	v3 =	vor.u32 v45, v6;
	_ =	sdelay $0x3  }
0x1f1: {  	[tilespmem:$0x1320] =	vst v2  }
0x1f2: {  	v2 =	vld.idx.msk [tilespmem:v3+s2+$0x0], $0xffff  }
0x1f3: {  	v3 =	vadd.s32 v46, v0;
	_ =	sdelay $0x3  }
0x1f4: {  	[tilespmem:$0x1030] =	vst v2  }
0x1f5: {  	v2 =	vld.idx.msk [tilespmem:v3+s2+$0x0], $0xffff  }
0x1f6: {  	v3 =	vor.u32 v47, v6;
	_ =	sdelay $0x3  }
0x1f7: {  	[tilespmem:$0x1230] =	vst v2  }
0x1f8: {  	v2 =	vld.idx.msk [tilespmem:v3+s2+$0x0], $0xffff  }
0x1f9: {  	v0 =	vadd.s32 v48, v0;
	_ =	sdelay $0x3  }
0x1fa: {  	[tilespmem:$0x1130] =	vst v2  }
0x1fb: {  	v0 =	vld.idx.msk [tilespmem:v0+s2+$0x0], $0xffff;
	_ =	sdelay $0x1  }
0x1fc: {  	s10 =	sadd.s32 s5, s4  }
0x1fd: {  	s0 =	smul.u32 $0x6400, s10  }
0x1fe: {  	s24 =	simm.s32 $0x1000;
	s26 =	simm.s32 $0x1400  }
0x1ff: {  	s8 =	simm.s32 $0x40;
	s16 =	simm.s32 $0x5400;
	s0 =	sadd.s32 s11, s0;
	[tilespmem:$0x1330] =	vst v0  }
0x200: {  	[tilespmem:s26], [sflag:$0x1] =	stream.indirect.gather [hbm4b:s6+s8], $0x80, s24, s8, $0xb8;
	[tilespmem:$0x11400] =	vst v63  }
0x201: {  	s15 =	simm.s32 $0x1100;
	s18 =	rddreg [dreg:$0x3];
	s0 =	sshrl.u32 s0, $0x3  }
0x202: {  	[tilespmem:s16], [sflag:$0x1] =	stream.indirect.gather [hbm4b:s6+s8], $0x80, s15, s8, $0xb8;
	[tilespmem:$0x11400] =	vst v63  }
0x203: {  	s21 =	simm.s32 $0x9400;
	s0 =	sadd.s32 s18, s0  }
0x204: {  	[tilespmem:s21], [sflag:$0x3] =	stream.strided.gather [hbm4b:s0+s22], $0x2000, s23, s22, $0x38;
	[tilespmem:$0x11400] =	vst v63  }
0x205: {  	_ =	swait.ge [sflag:s14], $0x2000  }
0x206: {  	[sflag:s14] =	ssyncset.done $0x0  }
0x207: {  	[sflag:s14] =	ssyncadd.s32 $0xFFFFE000  }
0x208: {  	_ =	swait.ge [sflag:s14], $0x2000  }
0x209: {  	[sflag:s14] =	ssyncset.done $0x0  }
0x20a: {  	s24 =	simm.s32 $0x4;
	[sflag:s14] =	ssyncadd.s32 $0xFFFFE000  }
0x20b: {  	_ =	swait.ge [sflag:s24], $0x2000  }
0x20c: {  	s1 =	simm.s32 $0x0;
	s21 =	sor.u32 $0x1, s25;
	s25 =	rddreg [dreg:$0xc]  }
0x20d: {  	v0 =	vmov s1;
	s26 =	simm.s32 $0x3;
	s0 =	sadd.s32 s25, s21  }
0x20e: {  	s10 =	simm.s32 $0x1;
	v0 =	vand.u32 $0xFFFFFFFC, v0;
	v2 =	vmov s26;
	[sflag:s24] =	ssyncset.done $0x0;
	p0 =	seq.s32 s0, $0x1  }
0x20f: {  	v3 =	vmov s10;
	v0 =	vbroadcast v0, $0x0;
	s15 =	simm.s32 $0x2;
	[sflag:s24] =	ssyncadd.s32 $0xFFFFE000;
	s4 =	simm.s32 @!p0 $0x6  }
0x210: {  	v3 =	vand.u32 $0xFFFFFFFD, v3;
	v4 =	vmov s15;
	_ =	swait.ge @!p0 [sflag:s4], $0x2000  }
0x211: {  	v3 =	vbroadcast v3, $0x0;
	v4 =	vand.u32 $0xFFFFFFFE, v4;
	[sflag:s4] =	ssyncset.done @!p0 $0x0  }
0x212: {  	v4 =	vbroadcast v4, $0x0;
	[sflag:s4] =	ssyncadd.s32 @!p0 $0xFFFFE000  }
0x213: {  	v5 =	vld.idx.msk [tilespmem:v2+s7+$0x0], $0xffff  }
0x214: {  	v2 =	vld.idx.msk [tilespmem:v2+s9+$0x0], $0xffff  }
0x215: {  	v6 =	vld.idx.msk [tilespmem:v0+s7+$0x0], $0xffff  }
0x216: {  	v0 =	vld.idx.msk [tilespmem:v0+s9+$0x0], $0xffff  }
0x217: {  	v7 =	vld.idx.msk [tilespmem:v3+s7+$0x0], $0xffff  }
0x218: {  	v8 =	vld.idx.msk [tilespmem:v4+s9+$0x0], $0xffff  }
0x219: {  	v3 =	vld.idx.msk [tilespmem:v3+s9+$0x0], $0xffff  }
0x21a: {  	s29 =	simm.s32 $0x3500;
	s16 =	simm.s32 $0x800;
	v4 =	vld.idx.msk [tilespmem:v4+s7+$0x0], $0xffff  }
0x21b: {  	s28 =	simm.s32 $0x7500;
	s18 =	sand.u32 $0x380, s1;
	s0 =	sand.u32 $0x1800, s16;
	v55 =	vld [tilespmem:s29+$0x0]  }
0x21c: {  	s30 =	sor.u32 s18, s0;
	v56 =	vld [tilespmem:s28+$0x0]  }
0x21d: {  	v57 =	vld [tilespmem:s30+$0xB400]  }
0x21e: {  	s25 =	simm.s32 $0x400;
	v58 =	vld [tilespmem:s29+$0xFFFFFF00];
	v8 =	vcvt.s32.f32 v8  }
0x21f: {  	s26 =	simm.s32 $0xC00;
	s0 =	sand.u32 $0x1400, s25;
	v59 =	vld [tilespmem:s29+$0xFFFFFF80]  }
0x220: {  	s10 =	sand.u32 $0x1C00, s26;
	s26 =	sor.u32 s18, s0;
	v60 =	vld [tilespmem:s29+$0x80];
	v14 =	vcvt.s32.f32 v4;
	v4 =	vmul.f32 v8, v55  }
0x221: {  	s8 =	sand.u32 $0x1000, s1;
	s24 =	sor.u32 s18, s10;
	v61 =	vld [tilespmem:s26+$0xB400]  }
0x222: {  	s25 =	sor.u32 s18, s8;
	v62 =	vld [tilespmem:s24+$0xB400];
	v10 =	vmul.f32 v14, v56;
	v4 =	vadd.f32 v4, v57  }
0x223: {  	v63 =	vld [tilespmem:s25+$0xB400]  }
0x224: {  	v51 =	vcvt.s32.f32 v0;
	v0 =	vld [tilespmem:s28+$0xFFFFFF00];
	v4 =	vadd.f32 v10, v4  }
0x225: {  	v53 =	vcvt.s32.f32 v3;
	v3 =	vld [tilespmem:s28+$0xFFFFFF80]  }
0x226: {  	v50 =	vcvt.s32.f32 v2;
	v2 =	vld [tilespmem:s28+$0x80];
	[tilespmem:s30+$0xF400] =	vst v4  }
0x227: {  	v54 =	vcvt.s32.f32 v6;
	v6 =	vld [tilespmem:s29+$0x10]  }
0x228: {  	v55 =	vcvt.s32.f32 v7;
	v7 =	vld [tilespmem:s30+$0xB410];
	v4 =	vmul.f32 v53, v59  }
0x229: {  	v17 =	vmul.f32 v51, v58;
	v9 =	vmul.f32 v50, v60;
	v18 =	vld [tilespmem:s28+$0x10]  }
0x22a: {  	v19 =	vld [tilespmem:s24+$0xB410];
	v52 =	vcvt.s32.f32 v5;
	v3 =	vmul.f32 v55, v3;
	v4 =	vadd.f32 v4, v61  }
0x22b: {  	v5 =	vld [tilespmem:s26+$0xB410];
	v9 =	vadd.f32 v9, v62;
	v0 =	vmul.f32 v54, v0;
	v10 =	vadd.f32 v17, v63  }
0x22c: {  	v58 =	vld [tilespmem:s25+$0xB410];
	v2 =	vmul.f32 v52, v2;
	v3 =	vadd.f32 v3, v4;
	v4 =	vmul.f32 v8, v6  }
0x22d: {  	v60 =	vld [tilespmem:s30+$0xB420];
	v0 =	vadd.f32 v0, v10  }
0x22e: {  	v56 =	vld [tilespmem:s24+$0xB430];
	v2 =	vadd.f32 v2, v9;
	[tilespmem:s26+$0xF400] =	vst v3;
	v3 =	vadd.f32 v4, v7;
	v4 =	vmul.f32 v14, v18  }
0x22f: {  	[tilespmem:s25+$0xF400] =	vst v0;
	v7 =	vld [tilespmem:s29+$0xFFFFFF90]  }
0x230: {  	[tilespmem:s24+$0xF400] =	vst v2;
	v6 =	vld [tilespmem:s29+$0xFFFFFF10];
	v2 =	vadd.f32 v4, v3  }
0x231: {  	v4 =	vld [tilespmem:s28+$0xFFFFFF90]  }
0x232: {  	v59 =	vld [tilespmem:s28+$0xFFFFFF10];
	[tilespmem:s30+$0xF410] =	vst v2  }
0x233: {  	v2 =	vld [tilespmem:s29+$0x20]  }
0x234: {  	v62 =	vld [tilespmem:s25+$0xB420];
	v7 =	vmul.f32 v53, v7  }
0x235: {  	v6 =	vmul.f32 v51, v6;
	v61 =	vld [tilespmem:s28+$0x20]  }
0x236: {  	v3 =	vld [tilespmem:s29+$0x90];
	v5 =	vadd.f32 v7, v5;
	v4 =	vmul.f32 v55, v4  }
0x237: {  	v57 =	vld [tilespmem:s26+$0xB430];
	v9 =	vmul.f32 v54, v59;
	v6 =	vadd.f32 v6, v58  }
0x238: {  	v7 =	vld [tilespmem:s28+$0x90];
	v4 =	vadd.f32 v4, v5;
	v2 =	vmul.f32 v8, v2  }
0x239: {  	v0 =	vld [tilespmem:s26+$0xB420];
	v5 =	vadd.f32 v9, v6  }
0x23a: {  	v59 =	vld [tilespmem:s25+$0xB430];
	[tilespmem:s26+$0xF410] =	vst v4;
	v4 =	vmul.f32 v14, v61;
	v2 =	vadd.f32 v2, v60  }
0x23b: {  	v3 =	vmul.f32 v50, v3;
	[tilespmem:s25+$0xF410] =	vst v5;
	v5 =	vld [tilespmem:s29+$0xFFFFFFA0]  }
0x23c: {  	v6 =	vld [tilespmem:s29+$0xFFFFFF20];
	v2 =	vadd.f32 v4, v2  }
0x23d: {  	v3 =	vadd.f32 v3, v19;
	v4 =	vmul.f32 v52, v7;
	v7 =	vld [tilespmem:s28+$0xFFFFFFA0]  }
0x23e: {  	v63 =	vld [tilespmem:s28+$0xFFFFFF20];
	[tilespmem:s30+$0xF420] =	vst v2  }
0x23f: {  	s15 =	simm.s32 $0x7;
	v2 =	vadd.f32 v4, v3;
	v3 =	vld [tilespmem:s29+$0x30]  }
0x240: {  	v16 =	vmov s15;
	v4 =	vmul.f32 v53, v5;
	v5 =	vld [tilespmem:s30+$0xB430]  }
0x241: {  	[tilespmem:s24+$0xF410] =	vst v2;
	v2 =	vmul.f32 v51, v6;
	v6 =	vld [tilespmem:s28+$0x30]  }
0x242: {  	s16 =	simm.s32 $0x4;
	v4 =	vadd.f32 v4, v0;
	v7 =	vmul.f32 v55, v7;
	v17 =	vld [tilespmem:s29+$0xA0]  }
0x243: {  	v18 =	vmov s16;
	v9 =	vmul.f32 v54, v63;
	v0 =	vld [tilespmem:s28+$0xA0];
	v2 =	vadd.f32 v2, v62  }
0x244: {  	s18 =	simm.s32 $0x5;
	v58 =	vld [tilespmem:s24+$0xB420];
	v19 =	vand.u32 $0xFFFFFFFC, v18;
	v7 =	vadd.f32 v7, v4;
	v3 =	vmul.f32 v8, v3  }
0x245: {  	v60 =	vld.idx.msk [tilespmem:v16+s7+$0x0], $0xffff;
	v4 =	vbroadcast v19, $0x0;
	v8 =	vmov s18;
	v9 =	vadd.f32 v9, v2  }
0x246: {  	v2 =	vld.idx.msk [tilespmem:v16+s9+$0x0], $0xffff;
	v8 =	vand.u32 $0xFFFFFFFD, v8;
	[tilespmem:s26+$0xF420] =	vst v7;
	v62 =	vmul.f32 v14, v6;
	v61 =	vadd.f32 v3, v5  }
0x247: {  	s10 =	simm.s32 $0x0;
	s0 =	simm.s32 $0x6;
	s16 =	simm.s32 $0x8;
	v3 =	vbroadcast v8, $0x0;
	[tilespmem:s25+$0xF420] =	vst v9;
	v63 =	vld [tilespmem:s29+$0xFFFFFFB0];
	v7 =	vmul.f32 v50, v17  }
.LBB2_6:
0x248: {  	p0 =	slt.u32 s16, $0x3C;
	v5 =	vmov s0;
	v6 =	vld [tilespmem:s29+$0xFFFFFF30];
	v8 =	vadd.f32 v62, v61;
	v0 =	vmul.f32 v52, v0  }
0x249: {  	v5 =	vand.u32 $0xFFFFFFFE, v5;
	v9 =	vld [tilespmem:s28+$0xFFFFFFB0];
	v7 =	vadd.f32 v7, v58  }
0x24a: {  	v5 =	vbroadcast v5, $0x0;
	v10 =	vld [tilespmem:s28+$0xFFFFFF30];
	[tilespmem:s30+$0xF430] =	vst v8  }
0x24b: {  	v8 =	vld.idx.msk [tilespmem:v4+s7+$0x0], $0xffff;
	v0 =	vadd.f32 v0, v7  }
0x24c: {  	v4 =	vld.idx.msk [tilespmem:v4+s9+$0x0], $0xffff;
	v7 =	vmul.f32 v53, v63  }
0x24d: {  	v11 =	vld.idx.msk [tilespmem:v3+s7+$0x0], $0xffff;
	v6 =	vmul.f32 v51, v6;
	[tilespmem:s24+$0xF420] =	vst v0  }
0x24e: {  	v0 =	vadd.f32 v7, v57;
	v7 =	vmul.f32 v55, v9;
	v9 =	vld [tilespmem:s29+$0xB0]  }
0x24f: {  	v6 =	vadd.f32 v6, v59;
	v10 =	vmul.f32 v54, v10;
	v12 =	vld [tilespmem:s28+$0xB0]  }
0x250: {  	v13 =	vld.idx.msk [tilespmem:v5+s9+$0x0], $0xffff;
	v0 =	vadd.f32 v7, v0  }
0x251: {  	s1 =	sadd.s32 $0x1000, s1;
	v3 =	vld.idx.msk [tilespmem:v3+s9+$0x0], $0xffff;
	v6 =	vadd.f32 v10, v6  }
0x252: {  	s10 =	sadd.s32 $0x40, s10;
	s0 =	sadd.s32 $0x800, s1;
	s29 =	sadd.s32 $0x200, s29;
	v5 =	vld.idx.msk [tilespmem:v5+s7+$0x0], $0xffff;
	[tilespmem:s26+$0xF430] =	vst v0  }
0x253: {  	s4 =	sand.u32 $0x380, s10;
	s0 =	sand.u32 $0x1800, s0;
	s28 =	sadd.s32 $0x200, s28;
	v0 =	vld [tilespmem:s29+$0x0];
	[tilespmem:s25+$0xF430] =	vst v6;
	v6 =	vmul.f32 v50, v9  }
0x254: {  	s15 =	sadd.s32 $0x400, s1;
	s30 =	sor.u32 s4, s0;
	s0 =	sadd.s32 $0xC00, s1;
	v7 =	vld [tilespmem:s28+$0x0];
	v9 =	vmul.f32 v52, v12  }
0x255: {  	s15 =	sand.u32 $0x1400, s15;
	s0 =	sand.u32 $0x1C00, s0;
	s25 =	sand.u32 $0x1000, s1;
	v10 =	vld [tilespmem:s30+$0xB400];
	v6 =	vadd.f32 v6, v56  }
0x256: {  	s0 =	sor.u32 s4, s0;
	s26 =	sor.u32 s4, s15;
	s25 =	sor.u32 s4, s25;
	v61 =	vcvt.s32.f32 v13;
	v12 =	vld [tilespmem:s29+$0xFFFFFF00]  }
0x257: {  	v13 =	vld [tilespmem:s29+$0xFFFFFF80];
	v6 =	vadd.f32 v9, v6  }
0x258: {  	v62 =	vcvt.s32.f32 v5;
	v0 =	vmul.f32 v61, v0;
	v5 =	vld [tilespmem:s29+$0x80]  }
0x259: {  	v51 =	vcvt.s32.f32 v4;
	v4 =	vld [tilespmem:s26+$0xB400];
	[tilespmem:s24+$0xF430] =	vst v6;
	s24 =	smov.u32 s0  }
0x25a: {  	v53 =	vcvt.s32.f32 v3;
	v3 =	vmul.f32 v62, v7;
	v0 =	vadd.f32 v0, v10;
	v6 =	vld [tilespmem:s24+$0xB400]  }
0x25b: {  	v50 =	vcvt.s32.f32 v2;
	v7 =	vld [tilespmem:s25+$0xB400];
	v9 =	vmul.f32 v51, v12  }
0x25c: {  	v2 =	vld [tilespmem:s28+$0xFFFFFF00];
	v10 =	vmul.f32 v53, v13;
	v0 =	vadd.f32 v3, v0  }
0x25d: {  	v3 =	vld [tilespmem:s28+$0xFFFFFF80];
	v5 =	vmul.f32 v50, v5  }
0x25e: {  	v4 =	vadd.f32 v10, v4;
	[tilespmem:s30+$0xF400] =	vst v0;
	v0 =	vld [tilespmem:s28+$0x80]  }
0x25f: {  	v54 =	vcvt.s32.f32 v8;
	v8 =	vld [tilespmem:s29+$0x10];
	v5 =	vadd.f32 v5, v6  }
0x260: {  	v55 =	vcvt.s32.f32 v11;
	v6 =	vadd.f32 v9, v7;
	v7 =	vld [tilespmem:s30+$0xB410]  }
0x261: {  	v52 =	vcvt.s32.f32 v60;
	v2 =	vmul.f32 v54, v2;
	v9 =	vld [tilespmem:s28+$0x10]  }
0x262: {  	v3 =	vmul.f32 v55, v3;
	v10 =	vld [tilespmem:s26+$0xB410]  }
0x263: {  	v2 =	vadd.f32 v2, v6;
	v0 =	vmul.f32 v52, v0;
	v6 =	vld [tilespmem:s24+$0xB410]  }
0x264: {  	v11 =	vld [tilespmem:s25+$0xB410];
	v3 =	vadd.f32 v3, v4;
	v4 =	vmul.f32 v61, v8  }
0x265: {  	[tilespmem:s25+$0xF400] =	vst v2;
	v2 =	vld [tilespmem:s26+$0xB420];
	v0 =	vadd.f32 v0, v5  }
0x266: {  	v5 =	vld [tilespmem:s29+$0xFFFFFF10];
	[tilespmem:s26+$0xF400] =	vst v3;
	v3 =	vadd.f32 v4, v7;
	v4 =	vmul.f32 v62, v9  }
0x267: {  	v7 =	vld [tilespmem:s29+$0xFFFFFF90];
	[tilespmem:s24+$0xF400] =	vst v0  }
0x268: {  	v0 =	vadd.f32 v4, v3;
	v3 =	vld [tilespmem:s29+$0x90]  }
0x269: {  	v4 =	vld [tilespmem:s28+$0xFFFFFF90]  }
0x26a: {  	v8 =	vld [tilespmem:s28+$0xFFFFFF10];
	[tilespmem:s30+$0xF410] =	vst v0  }
0x26b: {  	v0 =	vmul.f32 v51, v5;
	v5 =	vld [tilespmem:s29+$0x20]  }
0x26c: {  	v7 =	vmul.f32 v53, v7;
	v9 =	vld [tilespmem:s30+$0xB420]  }
0x26d: {  	v0 =	vadd.f32 v0, v11;
	v11 =	vld [tilespmem:s28+$0x20];
	v3 =	vmul.f32 v50, v3  }
0x26e: {  	v7 =	vadd.f32 v7, v10;
	v4 =	vmul.f32 v55, v4;
	v10 =	vld [tilespmem:s28+$0x90]  }
0x26f: {  	v8 =	vmul.f32 v54, v8;
	v3 =	vadd.f32 v3, v6;
	v58 =	vld [tilespmem:s24+$0xB420]  }
0x270: {  	v6 =	vld [tilespmem:s25+$0xB420];
	v4 =	vadd.f32 v4, v7;
	v5 =	vmul.f32 v61, v5  }
0x271: {  	v0 =	vadd.f32 v8, v0;
	v57 =	vld [tilespmem:s26+$0xB430]  }
0x272: {  	[tilespmem:s26+$0xF410] =	vst v4;
	v4 =	vadd.f32 v5, v9;
	v5 =	vmul.f32 v62, v11;
	v56 =	vld [tilespmem:s24+$0xB430]  }
0x273: {  	[tilespmem:s25+$0xF410] =	vst v0;
	v0 =	vld [tilespmem:s29+$0xFFFFFFA0];
	v7 =	vmul.f32 v52, v10  }
0x274: {  	v8 =	vld [tilespmem:s29+$0xFFFFFF20];
	v4 =	vadd.f32 v5, v4  }
0x275: {  	v5 =	vld [tilespmem:s28+$0xFFFFFFA0];
	v3 =	vadd.f32 v7, v3  }
0x276: {  	v7 =	vld [tilespmem:s28+$0xFFFFFF20];
	[tilespmem:s30+$0xF420] =	vst v4  }
0x277: {  	s0 =	sadd.s32 $0x3, s16;
	v4 =	vld [tilespmem:s29+$0x30];
	[tilespmem:s24+$0xF410] =	vst v3  }
0x278: {  	v3 =	vmov s0;
	v0 =	vmul.f32 v53, v0;
	v9 =	vld [tilespmem:s30+$0xB430]  }
0x279: {  	v8 =	vmul.f32 v51, v8;
	v10 =	vld [tilespmem:s28+$0x30]  }
0x27a: {  	v2 =	vadd.f32 v0, v2;
	v5 =	vmul.f32 v55, v5;
	v11 =	vld [tilespmem:s29+$0xA0]  }
.Ltmp1:
0x27b: {  	v12 =	vmov s16;
	v6 =	vadd.f32 v8, v6;
	v7 =	vmul.f32 v54, v7;
	v0 =	vld [tilespmem:s28+$0xA0];
	(pc) =	sbr.rel @p0 .LBB2_6-.Ltmp1, $4  }
0x27c: {  	s0 =	sadd.s32 $0x1, s16;
	v8 =	vand.u32 $0xFFFFFFFC, v12;
	v59 =	vld [tilespmem:s25+$0xB430];
	v5 =	vadd.f32 v5, v2;
	v12 =	vmul.f32 v61, v4  }
0x27d: {  	v4 =	vbroadcast v8, $0x0;
	v2 =	vmov s0;
	v60 =	vld.idx.msk [tilespmem:v3+s7+$0x0], $0xffff;
	v6 =	vadd.f32 v7, v6  }
0x27e: {  	v7 =	vand.u32 $0xFFFFFFFD, v2;
	v2 =	vld.idx.msk [tilespmem:v3+s9+$0x0], $0xffff;
	[tilespmem:s26+$0xF420] =	vst v5;
	v61 =	vadd.f32 v12, v9;
	v62 =	vmul.f32 v62, v10  }
0x27f: {  	s0 =	sadd.s32 $0x2, s16;
	s16 =	sadd.s32 $0x4, s16;
	v3 =	vbroadcast v7, $0x0;
	[tilespmem:s25+$0xF420] =	vst v6;
	v63 =	vld [tilespmem:s29+$0xFFFFFFB0];
	v7 =	vmul.f32 v50, v11  }
0x280: {  	_ =	sdelay $0x2  }
0x281: {  	v5 =	vmov s0  }
0x282: {  	v8 =	vld.idx.msk [tilespmem:v4+s7+$0x0], $0xffff;
	v5 =	vand.u32 $0xFFFFFFFE, v5  }
0x283: {  	v6 =	vld.idx.msk [tilespmem:v4+s9+$0x0], $0xffff;
	v5 =	vbroadcast v5, $0x0  }
0x284: {  	v9 =	vld.idx.msk [tilespmem:v3+s7+$0x0], $0xffff  }
0x285: {  	s4 =	sadd.s32 $0x200, s29;
	v10 =	vld.idx.msk [tilespmem:v3+s9+$0x0], $0xffff  }
0x286: {  	s15 =	sadd.s32 $0x200, s28;
	v11 =	vld [tilespmem:s4+$0x0]  }
0x287: {  	v12 =	vld [tilespmem:s15+$0x0]  }
0x288: {  	v14 =	vld [tilespmem:s4+$0xFFFFFF00]  }
0x289: {  	s0 =	sadd.s32 $0x1000, s1;
	v19 =	vld.idx.msk [tilespmem:v5+s9+$0x0], $0xffff  }
0x28a: {  	s10 =	sadd.s32 $0x40, s10;
	s1 =	sadd.s32 $0x800, s0;
	v15 =	vld [tilespmem:s4+$0xFFFFFF80]  }
0x28b: {  	s8 =	sand.u32 $0x380, s10;
	s1 =	sand.u32 $0x1800, s1;
	v5 =	vld.idx.msk [tilespmem:v5+s7+$0x0], $0xffff  }
0x28c: {  	v16 =	vld [tilespmem:s4+$0x80];
	s1 =	sor.u32 s8, s1  }
0x28d: {  	s18 =	sadd.s32 $0x400, s0;
	s16 =	sadd.s32 $0xC00, s0;
	s0 =	sand.u32 $0x1000, s0;
	v13 =	vld [tilespmem:s1+$0xB400]  }
0x28e: {  	v20 =	vld [tilespmem:s15+$0x80];
	s10 =	sand.u32 $0x1400, s18;
	s0 =	sor.u32 s8, s0;
	v3 =	vcvt.s32.f32 v19  }
0x28f: {  	s10 =	sor.u32 s8, s10;
	v18 =	vld [tilespmem:s0+$0xB400]  }
0x290: {  	s18 =	sand.u32 $0x1C00, s16;
	v17 =	vld [tilespmem:s10+$0xB400];
	v4 =	vcvt.s32.f32 v5;
	v5 =	vmul.f32 v3, v11  }
0x291: {  	s18 =	sor.u32 s8, s18;
	v2 =	vcvt.s32.f32 v2;
	v10 =	vcvt.s32.f32 v10;
	v19 =	vld [tilespmem:s15+$0xFFFFFF80]  }
0x292: {  	v6 =	vcvt.s32.f32 v6;
	v11 =	vld [tilespmem:s18+$0xB400];
	v12 =	vmul.f32 v4, v12;
	v5 =	vadd.f32 v5, v13  }
0x293: {  	v22 =	vld [tilespmem:s0+$0xB430];
	v9 =	vcvt.s32.f32 v9;
	v15 =	vmul.f32 v10, v15  }
0x294: {  	v14 =	vmul.f32 v6, v14;
	v13 =	vld [tilespmem:s15+$0xFFFFFF00];
	v12 =	vadd.f32 v12, v5;
	v5 =	vcvt.s32.f32 v8  }
0x295: {  	v15 =	vadd.f32 v15, v17;
	v17 =	vld [tilespmem:s1+$0xB410];
	v8 =	vmul.f32 v2, v16;
	v16 =	vcvt.s32.f32 v60  }
0x296: {  	v14 =	vadd.f32 v14, v18;
	v18 =	vmul.f32 v9, v19;
	v19 =	vld [tilespmem:s10+$0xB410];
	[tilespmem:s1+$0xF400] =	vst v12  }
0x297: {  	v8 =	vadd.f32 v8, v11;
	v60 =	vmul.f32 v16, v20;
	v12 =	vld [tilespmem:s4+$0x10]  }
0x298: {  	v15 =	vadd.f32 v18, v15;
	v18 =	vld [tilespmem:s0+$0xB410]  }
0x299: {  	v13 =	vmul.f32 v5, v13;
	v11 =	vld [tilespmem:s15+$0x10];
	v8 =	vadd.f32 v60, v8  }
0x29a: {  	v20 =	vld [tilespmem:s18+$0xB410];
	[tilespmem:s10+$0xF400] =	vst v15  }
0x29b: {  	v60 =	vld [tilespmem:s4+$0xFFFFFF90];
	v13 =	vadd.f32 v13, v14;
	[tilespmem:s18+$0xF400] =	vst v8  }
0x29c: {  	v8 =	vld [tilespmem:s4+$0x90];
	v12 =	vmul.f32 v3, v12  }
0x29d: {  	v0 =	vmul.f32 v52, v0;
	v7 =	vadd.f32 v7, v58;
	v15 =	vld [tilespmem:s15+$0xFFFFFF90];
	[tilespmem:s0+$0xF400] =	vst v13  }
0x29e: {  	v13 =	vld [tilespmem:s4+$0xFFFFFF10];
	v11 =	vmul.f32 v4, v11;
	v12 =	vadd.f32 v12, v17  }
0x29f: {  	v0 =	vadd.f32 v0, v7;
	v14 =	vld [tilespmem:s15+$0x90]  }
0x2a0: {  	v17 =	vld [tilespmem:s15+$0xFFFFFF10];
	v11 =	vadd.f32 v11, v12  }
0x2a1: {  	[tilespmem:s24+$0xF420] =	vst v0;
	v0 =	vld [tilespmem:s29+$0xFFFFFF30];
	v60 =	vmul.f32 v10, v60;
	v8 =	vmul.f32 v2, v8  }
0x2a2: {  	v15 =	vmul.f32 v9, v15;
	[tilespmem:s1+$0xF410] =	vst v11;
	v11 =	vld [tilespmem:s10+$0xB420]  }
0x2a3: {  	v12 =	vadd.f32 v60, v19;
	v13 =	vmul.f32 v6, v13;
	v8 =	vadd.f32 v8, v20;
	v20 =	vld [tilespmem:s18+$0xB420]  }
0x2a4: {  	v14 =	vmul.f32 v16, v14;
	v60 =	vld [tilespmem:s4+$0x20]  }
0x2a5: {  	v12 =	vadd.f32 v15, v12;
	v13 =	vadd.f32 v13, v18;
	v18 =	vld [tilespmem:s1+$0xB420];
	v17 =	vmul.f32 v5, v17  }
0x2a6: {  	v15 =	vld [tilespmem:s15+$0x20]  }
0x2a7: {  	[tilespmem:s10+$0xF410] =	vst v12;
	v8 =	vadd.f32 v14, v8;
	v13 =	vadd.f32 v17, v13;
	v17 =	vld [tilespmem:s0+$0xB420]  }
0x2a8: {  	v12 =	vld [tilespmem:s4+$0xFFFFFFA0]  }
0x2a9: {  	v14 =	vld [tilespmem:s15+$0xFFFFFFA0];
	[tilespmem:s18+$0xF410] =	vst v8  }
0x2aa: {  	v8 =	vld [tilespmem:s4+$0xA0]  }
0x2ab: {  	[tilespmem:s0+$0xF410] =	vst v13;
	v19 =	vld [tilespmem:s15+$0xA0]  }
0x2ac: {  	v13 =	vld [tilespmem:s4+$0xFFFFFF20];
	v60 =	vmul.f32 v3, v60  }
0x2ad: {  	v21 =	vld [tilespmem:s15+$0xFFFFFF20]  }
0x2ae: {  	v12 =	vmul.f32 v10, v12;
	v7 =	vadd.f32 v60, v18;
	v18 =	vld [tilespmem:s29+$0xB0]  }
0x2af: {  	v15 =	vmul.f32 v4, v15;
	v58 =	vmul.f32 v9, v14;
	v14 =	vld [tilespmem:s28+$0xFFFFFFB0]  }
0x2b0: {  	v11 =	vadd.f32 v12, v11;
	v12 =	vld [tilespmem:s28+$0xFFFFFF30]  }
0x2b1: {  	v8 =	vmul.f32 v2, v8;
	v7 =	vadd.f32 v15, v7;
	v15 =	vld [tilespmem:s10+$0xB430];
	v13 =	vmul.f32 v6, v13  }
0x2b2: {  	v11 =	vadd.f32 v58, v11;
	v58 =	vmul.f32 v16, v19;
	v19 =	vld [tilespmem:s28+$0xB0]  }
0x2b3: {  	v60 =	vmul.f32 v5, v21;
	v8 =	vadd.f32 v8, v20;
	[tilespmem:s1+$0xF420] =	vst v7;
	v20 =	vld [tilespmem:s1+$0xB430];
	v13 =	vadd.f32 v13, v17  }
0x2b4: {  	v21 =	vld [tilespmem:s15+$0x30]  }
0x2b5: {  	[tilespmem:s10+$0xF420] =	vst v11;
	v8 =	vadd.f32 v58, v8;
	v58 =	vmul.f32 v53, v63;
	v60 =	vadd.f32 v60, v13;
	v13 =	vld [tilespmem:s4+$0x30]  }
0x2b6: {  	v7 =	vld [tilespmem:s4+$0xFFFFFFB0]  }
0x2b7: {  	[tilespmem:s18+$0xF420] =	vst v8;
	v17 =	vadd.f32 v58, v57;
	v58 =	vld [tilespmem:s18+$0xB430]  }
0x2b8: {  	v0 =	vmul.f32 v51, v0;
	v8 =	vld [tilespmem:s4+$0xB0]  }
0x2b9: {  	v18 =	vmul.f32 v50, v18;
	[tilespmem:s0+$0xF420] =	vst v60;
	v60 =	vld [tilespmem:s15+$0xFFFFFFB0]  }
0x2ba: {  	v0 =	vadd.f32 v0, v59;
	v12 =	vmul.f32 v54, v12;
	v11 =	vld [tilespmem:s4+$0xFFFFFF30]  }
0x2bb: {  	v61 =	vadd.f32 v62, v61;
	v14 =	vmul.f32 v55, v14;
	v57 =	vadd.f32 v18, v56;
	v63 =	vld [tilespmem:s15+$0xB0]  }
0x2bc: {  	v0 =	vadd.f32 v12, v0;
	v55 =	vmul.f32 v52, v19;
	v62 =	vld [tilespmem:s15+$0xFFFFFF30];
	v3 =	vmul.f32 v3, v13  }
0x2bd: {  	v14 =	vadd.f32 v14, v17;
	v4 =	vmul.f32 v4, v21;
	v7 =	vmul.f32 v10, v7  }
0x2be: {  	[tilespmem:s30+$0xF430] =	vst v61;
	v59 =	vadd.f32 v55, v57;
	v3 =	vadd.f32 v3, v20;
	v2 =	vmul.f32 v2, v8  }
0x2bf: {  	[tilespmem:s25+$0xF430] =	vst v0;
	v7 =	vadd.f32 v7, v15;
	v9 =	vmul.f32 v9, v60;
	v6 =	vmul.f32 v6, v11  }
0x2c0: {  	[tilespmem:s26+$0xF430] =	vst v14;
	v63 =	vmul.f32 v16, v63;
	v3 =	vadd.f32 v4, v3;
	v2 =	vadd.f32 v2, v58  }
0x2c1: {  	s30 =	sadd.s32 $0x18, s20;
	s29 =	sshll.u32 s21, $0x3;
	[tilespmem:s24+$0xF430] =	vst v59;
	v0 =	vmul.f32 v5, v62;
	v61 =	vadd.f32 v9, v7;
	v60 =	vadd.f32 v6, v22  }
0x2c2: {  	s8 =	sadd.s32 s5, s29;
	v62 =	vor.u32 s30, v34;
	[tilespmem:s1+$0xF430] =	vst v3;
	v2 =	vadd.f32 v63, v2  }
0x2c3: {  	s8 =	smul.u32 $0x6400, s8;
	v6 =	vand.u32 $0xFF, v62;
	[tilespmem:s10+$0xF430] =	vst v61;
	v0 =	vadd.f32 v0, v60  }
0x2c4: {  	v3 =	vor.u32 v31, v6;
	[tilespmem:s18+$0xF430] =	vst v2  }
0x2c5: {  	s8 =	sadd.s32 s11, s8;
	[tilespmem:s0+$0xF430] =	vst v0  }
0x2c6: {  	s15 =	sshrl.u32 s8, $0x3;
	s16 =	rddreg [dreg:$0x5]  }
0x2c7: {  	s18 =	simm.s32 $0xF400;
	v0 =	vmov s30;
	s0 =	sadd.s32 s16, s15  }
0x2c8: {  	v0 =	vand.u32 $0xFF, v0;
	[hbm4b:s0+s22] =	stream.strided.scatter [tilespmem:s18], [sflag:$0x6], $0x2000, s23, s22, $0x38;
	[tilespmem:$0x11400] =	vst v63  }
0x2c9: {  	v0 =	vor.u32 v34, v0;
	v2 =	vld.idx.msk [tilespmem:v3+s2+$0x0], $0xffff  }
0x2ca: {  	v3 =	vadd.s32 v49, v0;
	_ =	sdelay $0x3  }
0x2cb: {  	[tilespmem:$0x1080] =	vst v2  }
0x2cc: {  	v2 =	vld.idx.msk [tilespmem:v3+s2+$0x0], $0xffff  }
0x2cd: {  	v3 =	vor.u32 v35, v6;
	_ =	sdelay $0x3  }
0x2ce: {  	[tilespmem:$0x1280] =	vst v2  }
0x2cf: {  	v2 =	vld.idx.msk [tilespmem:v3+s2+$0x0], $0xffff  }
0x2d0: {  	v3 =	vadd.s32 v36, v0;
	_ =	sdelay $0x3  }
0x2d1: {  	[tilespmem:$0x1180] =	vst v2  }
0x2d2: {  	v2 =	vld.idx.msk [tilespmem:v3+s2+$0x0], $0xffff  }
0x2d3: {  	v3 =	vor.u32 v37, v6;
	_ =	sdelay $0x3  }
0x2d4: {  	[tilespmem:$0x1380] =	vst v2  }
0x2d5: {  	v2 =	vld.idx.msk [tilespmem:v3+s2+$0x0], $0xffff  }
0x2d6: {  	v3 =	vadd.s32 v38, v0;
	_ =	sdelay $0x3  }
0x2d7: {  	[tilespmem:$0x1090] =	vst v2  }
0x2d8: {  	v2 =	vld.idx.msk [tilespmem:v3+s2+$0x0], $0xffff  }
0x2d9: {  	v3 =	vor.u32 v39, v6;
	_ =	sdelay $0x3  }
0x2da: {  	[tilespmem:$0x1290] =	vst v2  }
0x2db: {  	v2 =	vld.idx.msk [tilespmem:v3+s2+$0x0], $0xffff  }
0x2dc: {  	v3 =	vadd.s32 v40, v0;
	_ =	sdelay $0x3  }
0x2dd: {  	[tilespmem:$0x1190] =	vst v2  }
0x2de: {  	v2 =	vld.idx.msk [tilespmem:v3+s2+$0x0], $0xffff  }
0x2df: {  	v3 =	vor.u32 v41, v6;
	_ =	sdelay $0x3  }
0x2e0: {  	[tilespmem:$0x1390] =	vst v2  }
0x2e1: {  	v2 =	vld.idx.msk [tilespmem:v3+s2+$0x0], $0xffff  }
0x2e2: {  	v3 =	vadd.s32 v42, v0;
	_ =	sdelay $0x3  }
0x2e3: {  	[tilespmem:$0x10A0] =	vst v2  }
0x2e4: {  	v2 =	vld.idx.msk [tilespmem:v3+s2+$0x0], $0xffff  }
0x2e5: {  	v3 =	vor.u32 v43, v6;
	_ =	sdelay $0x3  }
0x2e6: {  	[tilespmem:$0x12A0] =	vst v2  }
0x2e7: {  	v2 =	vld.idx.msk [tilespmem:v3+s2+$0x0], $0xffff  }
0x2e8: {  	v3 =	vadd.s32 v44, v0;
	_ =	sdelay $0x3  }
0x2e9: {  	[tilespmem:$0x11A0] =	vst v2  }
0x2ea: {  	v2 =	vld.idx.msk [tilespmem:v3+s2+$0x0], $0xffff  }
0x2eb: {  	v3 =	vor.u32 v45, v6;
	_ =	sdelay $0x3  }
0x2ec: {  	[tilespmem:$0x13A0] =	vst v2  }
0x2ed: {  	v2 =	vld.idx.msk [tilespmem:v3+s2+$0x0], $0xffff  }
0x2ee: {  	v3 =	vadd.s32 v46, v0;
	_ =	sdelay $0x3  }
0x2ef: {  	[tilespmem:$0x10B0] =	vst v2  }
0x2f0: {  	v2 =	vld.idx.msk [tilespmem:v3+s2+$0x0], $0xffff  }
0x2f1: {  	v3 =	vor.u32 v47, v6;
	_ =	sdelay $0x3  }
0x2f2: {  	[tilespmem:$0x12B0] =	vst v2  }
0x2f3: {  	v2 =	vld.idx.msk [tilespmem:v3+s2+$0x0], $0xffff  }
0x2f4: {  	v0 =	vadd.s32 v48, v0;
	_ =	sdelay $0x3  }
0x2f5: {  	[tilespmem:$0x11B0] =	vst v2  }
0x2f6: {  	v0 =	vld.idx.msk [tilespmem:v0+s2+$0x0], $0xffff;
	_ =	sdelay $0x2  }
0x2f7: {  	s19 =	sadd.s32 $0x1, s19  }
0x2f8: {  	p0 =	sne.s32 s19, $0x7;
	s20 =	simm.s32 $0x1080;
	s25 =	sadd.s32 s5, s30  }
0x2f9: {  	s21 =	simm.s32 $0x3400;
	s24 =	simm.s32 $0x40;
	s0 =	smul.u32 $0x6400, s25;
	[tilespmem:$0x13B0] =	vst v0  }
0x2fa: {  	[tilespmem:s21], [sflag:$0x2] =	stream.indirect.gather [hbm4b:s6+s24], $0x80, s20, s24, $0xb8;
	[tilespmem:$0x11400] =	vst v63  }
.Ltmp2:
0x2fb: {  	s28 =	simm.s32 $0x7400;
	s0 =	sadd.s32 s11, s0;
	(pc) =	sbr.rel @p0 .LBB2_3-.Ltmp2, $4  }
0x2fc: {  	s26 =	simm.s32 $0x1180;
	s29 =	rddreg [dreg:$0x3];
	s0 =	sshrl.u32 s0, $0x3  }
0x2fd: {  	[tilespmem:s28], [sflag:$0x2] =	stream.indirect.gather [hbm4b:s6+s24], $0x80, s26, s24, $0xb8;
	[tilespmem:$0x11400] =	vst v63  }
0x2fe: {  	s30 =	simm.s32 $0xB400;
	s0 =	sadd.s32 s29, s0;
	s26 =	smov.u32 s17  }
0x2ff: {  	[tilespmem:s30], [sflag:$0x4] =	stream.strided.gather [hbm4b:s0+s22], $0x2000, s23, s22, $0x38;
	[tilespmem:$0x11400] =	vst v63  }
0x300: {  	_ =	swait.ge [sflag:s31], $0x2000  }
0x301: {  	[sflag:s31] =	ssyncset.done $0x0  }
0x302: {  	[sflag:s31] =	ssyncadd.s32 $0xFFFFE000  }
0x303: {  	_ =	swait.ge [sflag:s31], $0x2000  }
0x304: {  	[sflag:s31] =	ssyncset.done $0x0  }
0x305: {  	s21 =	simm.s32 $0x0;
	s1 =	simm.s32 $0x3;
	[sflag:s31] =	ssyncadd.s32 $0xFFFFE000  }
0x306: {  	s0 =	simm.s32 $0x3;
	v0 =	vmov s21;
	_ =	swait.ge [sflag:s1], $0x2000  }
0x307: {  	s15 =	simm.s32 $0x1;
	v2 =	vmov s0;
	v0 =	vand.u32 $0xFFFFFFFC, v0;
	[sflag:s1] =	ssyncset.done $0x0  }
0x308: {  	s16 =	simm.s32 $0x2;
	s17 =	simm.s32 $0x5;
	v3 =	vmov s15;
	v0 =	vbroadcast v0, $0x0;
	[sflag:s1] =	ssyncadd.s32 $0xFFFFE000  }
0x309: {  	v4 =	vmov s16;
	v3 =	vand.u32 $0xFFFFFFFD, v3;
	_ =	swait.ge [sflag:s17], $0x2000  }
0x30a: {  	v4 =	vand.u32 $0xFFFFFFFE, v4;
	v3 =	vbroadcast v3, $0x0;
	[sflag:s17] =	ssyncset.done $0x0  }
0x30b: {  	v4 =	vbroadcast v4, $0x0;
	[sflag:s17] =	ssyncadd.s32 $0xFFFFE000  }
0x30c: {  	v5 =	vld.idx.msk [tilespmem:v2+s13+$0x0], $0xffff  }
0x30d: {  	v2 =	vld.idx.msk [tilespmem:v2+s3+$0x0], $0xffff  }
0x30e: {  	v6 =	vld.idx.msk [tilespmem:v0+s13+$0x0], $0xffff  }
0x30f: {  	v0 =	vld.idx.msk [tilespmem:v0+s3+$0x0], $0xffff  }
0x310: {  	v7 =	vld.idx.msk [tilespmem:v3+s13+$0x0], $0xffff  }
0x311: {  	v8 =	vld.idx.msk [tilespmem:v4+s3+$0x0], $0xffff  }
0x312: {  	v3 =	vld.idx.msk [tilespmem:v3+s3+$0x0], $0xffff  }
0x313: {  	s24 =	simm.s32 $0x1500;
	s18 =	simm.s32 $0x800;
	v4 =	vld.idx.msk [tilespmem:v4+s13+$0x0], $0xffff  }
0x314: {  	s4 =	sand.u32 $0x380, s21;
	s0 =	sand.u32 $0x1800, s18;
	s1 =	simm.s32 $0x5500;
	v9 =	vld [tilespmem:s24+$0x0]  }
0x315: {  	s20 =	sor.u32 s4, s0;
	v10 =	vld [tilespmem:s1+$0x0]  }
0x316: {  	v11 =	vld [tilespmem:s20+$0x9400]  }
0x317: {  	s19 =	simm.s32 $0x400;
	v12 =	vld [tilespmem:s24+$0xFFFFFF00];
	v8 =	vcvt.s32.f32 v8  }
0x318: {  	s8 =	simm.s32 $0xC00;
	s0 =	sand.u32 $0x1400, s19;
	v13 =	vld [tilespmem:s24+$0xFFFFFF80]  }
0x319: {  	s8 =	sand.u32 $0x1C00, s8;
	s19 =	sor.u32 s4, s0;
	v57 =	vld [tilespmem:s24+$0x80];
	v14 =	vcvt.s32.f32 v4;
	v4 =	vmul.f32 v8, v9  }
0x31a: {  	s25 =	sand.u32 $0x1000, s21;
	s12 =	sor.u32 s4, s8;
	v15 =	vld [tilespmem:s19+$0x9400]  }
0x31b: {  	s18 =	sor.u32 s4, s25;
	v58 =	vld [tilespmem:s12+$0x9400];
	v10 =	vmul.f32 v14, v10;
	v4 =	vadd.f32 v4, v11  }
0x31c: {  	v16 =	vld [tilespmem:s18+$0x9400]  }
0x31d: {  	v51 =	vcvt.s32.f32 v0;
	v0 =	vld [tilespmem:s1+$0xFFFFFF00];
	v4 =	vadd.f32 v10, v4  }
0x31e: {  	v53 =	vcvt.s32.f32 v3;
	v3 =	vld [tilespmem:s1+$0xFFFFFF80]  }
0x31f: {  	v50 =	vcvt.s32.f32 v2;
	v2 =	vld [tilespmem:s1+$0x80];
	[tilespmem:s20+$0xD400] =	vst v4  }
0x320: {  	v54 =	vcvt.s32.f32 v6;
	v6 =	vld [tilespmem:s24+$0x10]  }
0x321: {  	v55 =	vcvt.s32.f32 v7;
	v7 =	vld [tilespmem:s20+$0x9410];
	v4 =	vmul.f32 v53, v13  }
0x322: {  	v59 =	vmul.f32 v51, v12;
	v9 =	vmul.f32 v50, v57;
	v60 =	vld [tilespmem:s1+$0x10]  }
0x323: {  	v61 =	vld [tilespmem:s18+$0x9410];
	v52 =	vcvt.s32.f32 v5;
	v3 =	vmul.f32 v55, v3;
	v4 =	vadd.f32 v4, v15  }
0x324: {  	v56 =	vld [tilespmem:s12+$0x9430];
	v9 =	vadd.f32 v9, v58;
	v0 =	vmul.f32 v54, v0;
	v10 =	vadd.f32 v59, v16  }
0x325: {  	v5 =	vld [tilespmem:s19+$0x9410];
	v2 =	vmul.f32 v52, v2;
	v3 =	vadd.f32 v3, v4;
	v4 =	vmul.f32 v8, v6  }
0x326: {  	v57 =	vld [tilespmem:s19+$0x9430];
	v0 =	vadd.f32 v0, v10  }
0x327: {  	v58 =	vld [tilespmem:s18+$0x9430];
	v2 =	vadd.f32 v2, v9;
	[tilespmem:s19+$0xD400] =	vst v3;
	v3 =	vadd.f32 v4, v7;
	v4 =	vmul.f32 v14, v60  }
0x328: {  	[tilespmem:s18+$0xD400] =	vst v0;
	v7 =	vld [tilespmem:s24+$0xFFFFFF90]  }
0x329: {  	[tilespmem:s12+$0xD400] =	vst v2;
	v6 =	vld [tilespmem:s24+$0xFFFFFF10];
	v2 =	vadd.f32 v4, v3  }
0x32a: {  	v4 =	vld [tilespmem:s1+$0xFFFFFF90]  }
0x32b: {  	v62 =	vld [tilespmem:s1+$0xFFFFFF10];
	[tilespmem:s20+$0xD410] =	vst v2  }
0x32c: {  	v63 =	vld [tilespmem:s24+$0x20]  }
0x32d: {  	v2 =	vmul.f32 v53, v7;
	v7 =	vld [tilespmem:s20+$0x9420]  }
0x32e: {  	v6 =	vmul.f32 v51, v6;
	v18 =	vld [tilespmem:s1+$0x20]  }
0x32f: {  	v3 =	vld [tilespmem:s24+$0x90];
	v5 =	vadd.f32 v2, v5;
	v4 =	vmul.f32 v55, v4  }
0x330: {  	v10 =	vld [tilespmem:s12+$0x9410];
	v9 =	vmul.f32 v54, v62;
	v6 =	vadd.f32 v6, v61  }
0x331: {  	v19 =	vld [tilespmem:s1+$0x90];
	v4 =	vadd.f32 v4, v5;
	v5 =	vmul.f32 v8, v63  }
0x332: {  	v0 =	vld [tilespmem:s19+$0x9420];
	v6 =	vadd.f32 v9, v6  }
0x333: {  	v60 =	vld [tilespmem:s18+$0x9420];
	[tilespmem:s19+$0xD410] =	vst v4;
	v4 =	vadd.f32 v5, v7;
	v5 =	vmul.f32 v14, v18  }
0x334: {  	v3 =	vmul.f32 v50, v3;
	[tilespmem:s18+$0xD410] =	vst v6;
	v6 =	vld [tilespmem:s24+$0xFFFFFFA0]  }
0x335: {  	v7 =	vld [tilespmem:s24+$0xFFFFFF20];
	v4 =	vadd.f32 v5, v4  }
0x336: {  	v3 =	vadd.f32 v3, v10;
	v62 =	vld [tilespmem:s1+$0xFFFFFFA0];
	v5 =	vmul.f32 v52, v19  }
0x337: {  	v63 =	vld [tilespmem:s1+$0xFFFFFF20];
	[tilespmem:s20+$0xD420] =	vst v4  }
0x338: {  	s28 =	simm.s32 $0x7;
	v3 =	vadd.f32 v5, v3;
	v4 =	vld [tilespmem:s24+$0x30]  }
0x339: {  	v18 =	vmov s28;
	v5 =	vmul.f32 v53, v6;
	v6 =	vld [tilespmem:s20+$0x9430]  }
0x33a: {  	[tilespmem:s12+$0xD410] =	vst v3;
	v3 =	vmul.f32 v51, v7;
	v7 =	vld [tilespmem:s1+$0x30]  }
0x33b: {  	s29 =	simm.s32 $0x4;
	v9 =	vmul.f32 v55, v62;
	v0 =	vadd.f32 v5, v0;
	v19 =	vld [tilespmem:s24+$0xA0]  }
0x33c: {  	v61 =	vmov s29;
	v10 =	vmul.f32 v54, v63;
	v5 =	vld [tilespmem:s1+$0xA0];
	v3 =	vadd.f32 v3, v60  }
0x33d: {  	s30 =	simm.s32 $0x5;
	v2 =	vld [tilespmem:s12+$0x9420];
	v62 =	vand.u32 $0xFFFFFFFC, v61;
	v0 =	vadd.f32 v9, v0;
	v8 =	vmul.f32 v8, v4  }
0x33e: {  	v63 =	vmov s30;
	v59 =	vld.idx.msk [tilespmem:v18+s13+$0x0], $0xffff;
	v3 =	vadd.f32 v10, v3;
	v4 =	vbroadcast v62, $0x0  }
0x33f: {  	v9 =	vand.u32 $0xFFFFFFFD, v63;
	v62 =	vld.idx.msk [tilespmem:v18+s3+$0x0], $0xffff;
	[tilespmem:s19+$0xD420] =	vst v0;
	v61 =	vmul.f32 v14, v7;
	v60 =	vadd.f32 v8, v6  }
0x340: {  	s10 =	simm.s32 $0x8;
	s25 =	simm.s32 $0x0;
	s0 =	simm.s32 $0x6;
	v6 =	vbroadcast v9, $0x0;
	[tilespmem:s18+$0xD420] =	vst v3;
	v63 =	vld [tilespmem:s24+$0xFFFFFFB0];
	v7 =	vmul.f32 v50, v19  }
.LBB2_9:
0x341: {  	p0 =	slt.u32 s10, $0x3C;
	v0 =	vmov s0;
	v3 =	vld [tilespmem:s24+$0xFFFFFF30];
	v8 =	vadd.f32 v61, v60;
	v5 =	vmul.f32 v52, v5  }
0x342: {  	v0 =	vand.u32 $0xFFFFFFFE, v0;
	v9 =	vld [tilespmem:s1+$0xFFFFFFB0];
	v2 =	vadd.f32 v7, v2  }
0x343: {  	v0 =	vbroadcast v0, $0x0;
	v7 =	vld [tilespmem:s1+$0xFFFFFF30];
	[tilespmem:s20+$0xD430] =	vst v8  }
0x344: {  	v8 =	vld.idx.msk [tilespmem:v4+s13+$0x0], $0xffff;
	v2 =	vadd.f32 v5, v2  }
0x345: {  	v4 =	vld.idx.msk [tilespmem:v4+s3+$0x0], $0xffff;
	v5 =	vmul.f32 v53, v63  }
0x346: {  	v10 =	vld.idx.msk [tilespmem:v6+s13+$0x0], $0xffff;
	v3 =	vmul.f32 v51, v3;
	[tilespmem:s12+$0xD420] =	vst v2  }
0x347: {  	v2 =	vadd.f32 v5, v57;
	v5 =	vmul.f32 v55, v9;
	v9 =	vld [tilespmem:s24+$0xB0]  }
0x348: {  	v3 =	vadd.f32 v3, v58;
	v7 =	vmul.f32 v54, v7;
	v11 =	vld [tilespmem:s1+$0xB0]  }
0x349: {  	v12 =	vld.idx.msk [tilespmem:v0+s3+$0x0], $0xffff;
	v2 =	vadd.f32 v5, v2  }
0x34a: {  	s21 =	sadd.s32 $0x1000, s21;
	v5 =	vld.idx.msk [tilespmem:v6+s3+$0x0], $0xffff;
	v3 =	vadd.f32 v7, v3  }
0x34b: {  	s25 =	sadd.s32 $0x40, s25;
	s0 =	sadd.s32 $0x800, s21;
	s24 =	sadd.s32 $0x200, s24;
	v0 =	vld.idx.msk [tilespmem:v0+s13+$0x0], $0xffff;
	[tilespmem:s19+$0xD430] =	vst v2  }
0x34c: {  	s4 =	sand.u32 $0x380, s25;
	s0 =	sand.u32 $0x1800, s0;
	s1 =	sadd.s32 $0x200, s1;
	v2 =	vld [tilespmem:s24+$0x0];
	[tilespmem:s18+$0xD430] =	vst v3;
	v3 =	vmul.f32 v50, v9  }
0x34d: {  	s8 =	sadd.s32 $0x400, s21;
	s20 =	sor.u32 s4, s0;
	s0 =	sadd.s32 $0xC00, s21;
	v6 =	vld [tilespmem:s1+$0x0];
	v7 =	vmul.f32 v52, v11  }
0x34e: {  	s15 =	sand.u32 $0x1000, s21;
	s8 =	sand.u32 $0x1400, s8;
	s0 =	sand.u32 $0x1C00, s0;
	v9 =	vld [tilespmem:s20+$0x9400];
	v3 =	vadd.f32 v3, v56  }
0x34f: {  	s0 =	sor.u32 s4, s0;
	s19 =	sor.u32 s4, s8;
	s18 =	sor.u32 s4, s15;
	v60 =	vcvt.s32.f32 v12;
	v11 =	vld [tilespmem:s24+$0xFFFFFF00]  }
0x350: {  	v12 =	vld [tilespmem:s24+$0xFFFFFF80];
	v3 =	vadd.f32 v7, v3  }
0x351: {  	v0 =	vcvt.s32.f32 v0;
	v2 =	vmul.f32 v60, v2;
	v7 =	vld [tilespmem:s24+$0x80]  }
0x352: {  	v51 =	vcvt.s32.f32 v4;
	v4 =	vld [tilespmem:s19+$0x9400];
	[tilespmem:s12+$0xD430] =	vst v3;
	s12 =	smov.u32 s0  }
0x353: {  	v53 =	vcvt.s32.f32 v5;
	v3 =	vmul.f32 v0, v6;
	v2 =	vadd.f32 v2, v9;
	v5 =	vld [tilespmem:s12+$0x9400]  }
0x354: {  	v50 =	vcvt.s32.f32 v62;
	v6 =	vld [tilespmem:s18+$0x9400];
	v9 =	vmul.f32 v51, v11  }
0x355: {  	v11 =	vld [tilespmem:s1+$0xFFFFFF00];
	v12 =	vmul.f32 v53, v12;
	v2 =	vadd.f32 v3, v2  }
0x356: {  	v3 =	vld [tilespmem:s1+$0xFFFFFF80];
	v7 =	vmul.f32 v50, v7  }
0x357: {  	v4 =	vadd.f32 v12, v4;
	[tilespmem:s20+$0xD400] =	vst v2;
	v2 =	vld [tilespmem:s1+$0x80]  }
0x358: {  	v54 =	vcvt.s32.f32 v8;
	v8 =	vld [tilespmem:s24+$0x10];
	v5 =	vadd.f32 v7, v5  }
0x359: {  	v55 =	vcvt.s32.f32 v10;
	v6 =	vadd.f32 v9, v6;
	v7 =	vld [tilespmem:s20+$0x9410]  }
0x35a: {  	v52 =	vcvt.s32.f32 v59;
	v9 =	vmul.f32 v54, v11;
	v10 =	vld [tilespmem:s1+$0x10]  }
0x35b: {  	v3 =	vmul.f32 v55, v3;
	v11 =	vld [tilespmem:s19+$0x9410]  }
0x35c: {  	v6 =	vadd.f32 v9, v6;
	v2 =	vmul.f32 v52, v2;
	v9 =	vld [tilespmem:s12+$0x9410]  }
0x35d: {  	v12 =	vld [tilespmem:s18+$0x9410];
	v3 =	vadd.f32 v3, v4;
	v4 =	vmul.f32 v60, v8  }
0x35e: {  	[tilespmem:s18+$0xD400] =	vst v6;
	v6 =	vld [tilespmem:s19+$0x9420];
	v2 =	vadd.f32 v2, v5  }
0x35f: {  	v5 =	vld [tilespmem:s24+$0xFFFFFF10];
	[tilespmem:s19+$0xD400] =	vst v3;
	v3 =	vadd.f32 v4, v7;
	v4 =	vmul.f32 v0, v10  }
0x360: {  	v7 =	vld [tilespmem:s24+$0xFFFFFF90];
	[tilespmem:s12+$0xD400] =	vst v2  }
0x361: {  	v2 =	vadd.f32 v4, v3;
	v3 =	vld [tilespmem:s24+$0x90]  }
0x362: {  	v4 =	vld [tilespmem:s1+$0xFFFFFF90]  }
0x363: {  	v8 =	vld [tilespmem:s1+$0xFFFFFF10];
	[tilespmem:s20+$0xD410] =	vst v2  }
0x364: {  	v2 =	vmul.f32 v51, v5;
	v5 =	vld [tilespmem:s24+$0x20]  }
0x365: {  	v7 =	vmul.f32 v53, v7;
	v10 =	vld [tilespmem:s20+$0x9420]  }
0x366: {  	v12 =	vadd.f32 v2, v12;
	v13 =	vld [tilespmem:s1+$0x20];
	v2 =	vmul.f32 v50, v3  }
0x367: {  	v3 =	vadd.f32 v7, v11;
	v4 =	vmul.f32 v55, v4;
	v7 =	vld [tilespmem:s1+$0x90]  }
0x368: {  	v8 =	vmul.f32 v54, v8;
	v9 =	vadd.f32 v2, v9;
	v2 =	vld [tilespmem:s12+$0x9420]  }
0x369: {  	v11 =	vld [tilespmem:s18+$0x9420];
	v3 =	vadd.f32 v4, v3;
	v4 =	vmul.f32 v60, v5  }
0x36a: {  	v5 =	vadd.f32 v8, v12;
	v57 =	vld [tilespmem:s19+$0x9430]  }
0x36b: {  	[tilespmem:s19+$0xD410] =	vst v3;
	v3 =	vadd.f32 v4, v10;
	v4 =	vmul.f32 v0, v13;
	v56 =	vld [tilespmem:s12+$0x9430]  }
0x36c: {  	[tilespmem:s18+$0xD410] =	vst v5;
	v5 =	vld [tilespmem:s24+$0xFFFFFFA0];
	v7 =	vmul.f32 v52, v7  }
0x36d: {  	v8 =	vld [tilespmem:s24+$0xFFFFFF20];
	v3 =	vadd.f32 v4, v3  }
0x36e: {  	v4 =	vld [tilespmem:s1+$0xFFFFFFA0];
	v7 =	vadd.f32 v7, v9  }
0x36f: {  	v9 =	vld [tilespmem:s1+$0xFFFFFF20];
	[tilespmem:s20+$0xD420] =	vst v3  }
0x370: {  	s0 =	sadd.s32 $0x3, s10;
	v3 =	vld [tilespmem:s24+$0x30];
	[tilespmem:s12+$0xD410] =	vst v7  }
0x371: {  	v7 =	vmov s0;
	v5 =	vmul.f32 v53, v5;
	v10 =	vld [tilespmem:s20+$0x9430]  }
0x372: {  	v8 =	vmul.f32 v51, v8;
	v12 =	vld [tilespmem:s1+$0x30]  }
0x373: {  	v6 =	vadd.f32 v5, v6;
	v4 =	vmul.f32 v55, v4;
	v13 =	vld [tilespmem:s24+$0xA0]  }
.Ltmp3:
0x374: {  	v14 =	vmov s10;
	v8 =	vadd.f32 v8, v11;
	v9 =	vmul.f32 v54, v9;
	v5 =	vld [tilespmem:s1+$0xA0];
	(pc) =	sbr.rel @p0 .LBB2_9-.Ltmp3, $4  }
0x375: {  	s0 =	sadd.s32 $0x1, s10;
	v11 =	vand.u32 $0xFFFFFFFC, v14;
	v58 =	vld [tilespmem:s18+$0x9430];
	v6 =	vadd.f32 v4, v6;
	v3 =	vmul.f32 v60, v3  }
0x376: {  	v4 =	vbroadcast v11, $0x0;
	v11 =	vmov s0;
	v59 =	vld.idx.msk [tilespmem:v7+s13+$0x0], $0xffff;
	v8 =	vadd.f32 v9, v8  }
0x377: {  	v9 =	vand.u32 $0xFFFFFFFD, v11;
	v62 =	vld.idx.msk [tilespmem:v7+s3+$0x0], $0xffff;
	[tilespmem:s19+$0xD420] =	vst v6;
	v60 =	vadd.f32 v3, v10;
	v61 =	vmul.f32 v0, v12  }
0x378: {  	s0 =	sadd.s32 $0x2, s10;
	s10 =	sadd.s32 $0x4, s10;
	v6 =	vbroadcast v9, $0x0;
	[tilespmem:s18+$0xD420] =	vst v8;
	v63 =	vld [tilespmem:s24+$0xFFFFFFB0];
	v7 =	vmul.f32 v50, v13  }
0x379: {  	_ =	sdelay $0x2  }
0x37a: {  	v3 =	vld [tilespmem:s24+$0xFFFFFF30]  }
0x37b: {  	v0 =	vmov s0;
	v9 =	vld.idx.msk [tilespmem:v4+s13+$0x0], $0xffff  }
0x37c: {  	v8 =	vand.u32 $0xFFFFFFFE, v0;
	v0 =	vld [tilespmem:s1+$0xFFFFFFB0]  }
0x37d: {  	v7 =	vadd.f32 v7, v2;
	v2 =	vld [tilespmem:s1+$0xFFFFFF30]  }
0x37e: {  	v10 =	vld.idx.msk [tilespmem:v6+s13+$0x0], $0xffff;
	v8 =	vbroadcast v8, $0x0  }
0x37f: {  	s17 =	sadd.s32 $0x200, s24;
	v12 =	vld.idx.msk [tilespmem:v6+s3+$0x0], $0xffff  }
0x380: {  	v5 =	vmul.f32 v52, v5;
	s4 =	sadd.s32 $0x1000, s21;
	v15 =	vld [tilespmem:s17+$0xFFFFFF00]  }
0x381: {  	s16 =	sadd.s32 $0x800, s4;
	v16 =	vld [tilespmem:s17+$0xFFFFFF80]  }
0x382: {  	s0 =	sand.u32 $0x1800, s16;
	s16 =	sadd.s32 $0x200, s1;
	v5 =	vadd.f32 v5, v7;
	v7 =	vld.idx.msk [tilespmem:v4+s3+$0x0], $0xffff  }
0x383: {  	v13 =	vld [tilespmem:s16+$0x0]  }
0x384: {  	s8 =	sadd.s32 $0x40, s25;
	v11 =	vld.idx.msk [tilespmem:v8+s3+$0x0], $0xffff  }
0x385: {  	s8 =	sand.u32 $0x380, s8;
	s15 =	sand.u32 $0x1000, s4;
	v6 =	vld.idx.msk [tilespmem:v8+s13+$0x0], $0xffff  }
0x386: {  	s25 =	sor.u32 s8, s15;
	v8 =	vld [tilespmem:s17+$0x0]  }
0x387: {  	s0 =	sor.u32 s8, s0;
	v18 =	vld [tilespmem:s25+$0x9400]  }
0x388: {  	v14 =	vld [tilespmem:s0+$0x9400];
	[tilespmem:s12+$0xD420] =	vst v5  }
0x389: {  	v5 =	vld [tilespmem:s24+$0xB0];
	s24 =	sadd.s32 $0x400, s4;
	v11 =	vcvt.s32.f32 v11  }
0x38a: {  	v4 =	vld [tilespmem:s1+$0xB0];
	s1 =	sand.u32 $0x1400, s24  }
0x38b: {  	v19 =	vld [tilespmem:s16+$0xFFFFFF00];
	s10 =	sor.u32 s8, s1;
	v6 =	vcvt.s32.f32 v6;
	v8 =	vmul.f32 v11, v8  }
0x38c: {  	v17 =	vld [tilespmem:s10+$0x9400]  }
0x38d: {  	s4 =	sadd.s32 $0xC00, s4;
	v13 =	vmul.f32 v6, v13;
	v8 =	vadd.f32 v8, v14;
	v14 =	vld [tilespmem:s16+$0xFFFFFF80]  }
0x38e: {  	v12 =	vcvt.s32.f32 v12;
	s4 =	sand.u32 $0x1C00, s4;
	v7 =	vcvt.s32.f32 v7  }
0x38f: {  	v20 =	vld [tilespmem:s17+$0x80];
	v9 =	vcvt.s32.f32 v9;
	v10 =	vcvt.s32.f32 v10;
	s28 =	sor.u32 s8, s4;
	v8 =	vadd.f32 v13, v8  }
0x390: {  	v16 =	vmul.f32 v12, v16;
	v15 =	vmul.f32 v7, v15;
	v13 =	vld [tilespmem:s28+$0x9400]  }
0x391: {  	v21 =	vcvt.s32.f32 v62;
	v19 =	vmul.f32 v9, v19;
	[tilespmem:s0+$0xD400] =	vst v8;
	v8 =	vld [tilespmem:s16+$0x80]  }
0x392: {  	v15 =	vadd.f32 v15, v18;
	v18 =	vld [tilespmem:s0+$0x9410];
	v16 =	vadd.f32 v16, v17;
	v14 =	vmul.f32 v10, v14  }
0x393: {  	v59 =	vcvt.s32.f32 v59;
	v62 =	vld [tilespmem:s17+$0x10]  }
0x394: {  	v20 =	vmul.f32 v21, v20;
	v15 =	vadd.f32 v19, v15;
	v19 =	vld [tilespmem:s25+$0x9410];
	v14 =	vadd.f32 v14, v16  }
0x395: {  	v22 =	vld [tilespmem:s16+$0x10]  }
0x396: {  	v16 =	vld [tilespmem:s10+$0x9410];
	v13 =	vadd.f32 v20, v13;
	v8 =	vmul.f32 v59, v8;
	[tilespmem:s10+$0xD400] =	vst v14  }
0x397: {  	[tilespmem:s25+$0xD400] =	vst v15;
	v14 =	vld [tilespmem:s17+$0xFFFFFF90]  }
0x398: {  	v62 =	vmul.f32 v11, v62;
	v8 =	vadd.f32 v8, v13;
	v13 =	vld [tilespmem:s17+$0xFFFFFF10]  }
0x399: {  	v17 =	vld [tilespmem:s16+$0xFFFFFF90]  }
0x39a: {  	v15 =	vadd.f32 v62, v18;
	v62 =	vmul.f32 v6, v22;
	[tilespmem:s28+$0xD400] =	vst v8;
	v8 =	vld [tilespmem:s16+$0xFFFFFF10]  }
0x39b: {  	v20 =	vld [tilespmem:s17+$0x90]  }
0x39c: {  	v22 =	vld [tilespmem:s28+$0x9410];
	v15 =	vadd.f32 v62, v15;
	v14 =	vmul.f32 v12, v14  }
0x39d: {  	v18 =	vld [tilespmem:s16+$0x90];
	v13 =	vmul.f32 v7, v13  }
0x39e: {  	v62 =	vld [tilespmem:s10+$0x9420];
	[tilespmem:s0+$0xD410] =	vst v15;
	v15 =	vmul.f32 v10, v17;
	v14 =	vadd.f32 v14, v16  }
0x39f: {  	v17 =	vld [tilespmem:s0+$0x9420];
	v13 =	vadd.f32 v13, v19;
	v8 =	vmul.f32 v9, v8  }
0x3a0: {  	v16 =	vld [tilespmem:s17+$0x20];
	v19 =	vmul.f32 v21, v20;
	v14 =	vadd.f32 v15, v14  }
0x3a1: {  	v15 =	vld [tilespmem:s16+$0x20];
	v8 =	vadd.f32 v8, v13  }
0x3a2: {  	v13 =	vadd.f32 v19, v22;
	v19 =	vld [tilespmem:s25+$0x9420];
	[tilespmem:s10+$0xD410] =	vst v14;
	v14 =	vmul.f32 v59, v18  }
0x3a3: {  	[tilespmem:s25+$0xD410] =	vst v8;
	v8 =	vld [tilespmem:s17+$0xFFFFFFA0]  }
0x3a4: {  	v18 =	vld [tilespmem:s17+$0xFFFFFF20];
	v13 =	vadd.f32 v14, v13  }
0x3a5: {  	v14 =	vmul.f32 v11, v16;
	v16 =	vld [tilespmem:s16+$0xFFFFFFA0]  }
0x3a6: {  	v20 =	vld [tilespmem:s16+$0xFFFFFF20];
	[tilespmem:s28+$0xD410] =	vst v13  }
0x3a7: {  	v13 =	vadd.f32 v14, v17;
	v14 =	vmul.f32 v6, v15;
	v15 =	vld [tilespmem:s17+$0xA0]  }
0x3a8: {  	v17 =	vld [tilespmem:s28+$0x9420]  }
0x3a9: {  	v13 =	vadd.f32 v14, v13;
	v8 =	vmul.f32 v12, v8;
	v14 =	vld [tilespmem:s16+$0xA0]  }
0x3aa: {  	v22 =	vld [tilespmem:s10+$0x9430];
	v18 =	vmul.f32 v7, v18  }
0x3ab: {  	v16 =	vmul.f32 v10, v16;
	[tilespmem:s0+$0xD420] =	vst v13;
	v8 =	vadd.f32 v8, v62;
	v13 =	vld [tilespmem:s28+$0x9430]  }
0x3ac: {  	v20 =	vmul.f32 v9, v20;
	v18 =	vadd.f32 v18, v19;
	v19 =	vld [tilespmem:s17+$0x30];
	v15 =	vmul.f32 v21, v15  }
0x3ad: {  	v8 =	vadd.f32 v16, v8;
	v16 =	vld [tilespmem:s0+$0x9430]  }
0x3ae: {  	v18 =	vadd.f32 v20, v18;
	v14 =	vmul.f32 v59, v14;
	v15 =	vadd.f32 v15, v17;
	v17 =	vld [tilespmem:s16+$0x30]  }
0x3af: {  	[tilespmem:s10+$0xD420] =	vst v8;
	v8 =	vld [tilespmem:s25+$0x9430]  }
0x3b0: {  	[tilespmem:s25+$0xD420] =	vst v18;
	v14 =	vadd.f32 v14, v15;
	v15 =	vld [tilespmem:s17+$0xFFFFFFB0]  }
0x3b1: {  	v3 =	vmul.f32 v51, v3;
	v20 =	vld [tilespmem:s17+$0xFFFFFF30]  }
0x3b2: {  	v53 =	vmul.f32 v53, v63;
	v5 =	vmul.f32 v50, v5;
	[tilespmem:s28+$0xD420] =	vst v14;
	v14 =	vld [tilespmem:s16+$0xFFFFFFB0]  }
0x3b3: {  	v0 =	vmul.f32 v55, v0;
	v2 =	vmul.f32 v54, v2;
	v3 =	vadd.f32 v3, v58;
	v58 =	vld [tilespmem:s17+$0xB0]  }
0x3b4: {  	v4 =	vmul.f32 v52, v4;
	v5 =	vadd.f32 v5, v56;
	v18 =	vadd.f32 v53, v57;
	v62 =	vld [tilespmem:s16+$0xFFFFFF30]  }
0x3b5: {  	v63 =	vadd.f32 v61, v60;
	v2 =	vadd.f32 v2, v3;
	v11 =	vmul.f32 v11, v19;
	v53 =	vld [tilespmem:s16+$0xB0]  }
0x3b6: {  	v3 =	vadd.f32 v4, v5;
	v0 =	vadd.f32 v0, v18;
	v4 =	vmul.f32 v12, v15  }
0x3b7: {  	[tilespmem:s20+$0xD430] =	vst v63;
	v5 =	vadd.f32 v11, v16;
	v6 =	vmul.f32 v6, v17;
	v7 =	vmul.f32 v7, v20  }
0x3b8: {  	[tilespmem:s19+$0xD430] =	vst v0;
	v0 =	vadd.f32 v4, v22;
	v4 =	vmul.f32 v10, v14;
	v54 =	vmul.f32 v21, v58  }
0x3b9: {  	[tilespmem:s18+$0xD430] =	vst v2;
	v2 =	vadd.f32 v6, v5;
	v6 =	vmul.f32 v9, v62;
	v5 =	vadd.f32 v7, v8  }
0x3ba: {  	[tilespmem:s12+$0xD430] =	vst v3;
	v3 =	vmul.f32 v59, v53;
	v0 =	vadd.f32 v4, v0;
	v4 =	vadd.f32 v54, v13  }
0x3bb: {  	[tilespmem:s0+$0xD430] =	vst v2;
	v2 =	vadd.f32 v6, v5  }
0x3bc: {  	[tilespmem:s10+$0xD430] =	vst v0;
	v0 =	vadd.f32 v3, v4  }
0x3bd: {  	s0 =	rddreg [dreg:$0x8];
	[tilespmem:s25+$0xD430] =	vst v2  }
0x3be: {  	s0 =	sadd.s32 s0, s11;
	[tilespmem:s28+$0xD430] =	vst v0  }
0x3bf: {  	s0 =	sshrl.u32 s0, $0x3;
	s1 =	rddreg [dreg:$0x5]  }
0x3c0: {  	s29 =	simm.s32 $0xD400;
	s0 =	sadd.s32 s1, s0  }
0x3c1: {  	[hbm4b:s0+s22] =	stream.strided.scatter [tilespmem:s29], [sflag:$0x5], $0x2000, s23, s22, $0x38;
	[tilespmem:$0x11400] =	vst v63  }
0x3c2: {  	_ =	swait.ge [sflag:s14], $0x2000  }
0x3c3: {  	[sflag:s14] =	ssyncset.done $0x0  }
0x3c4: {  	[sflag:s14] =	ssyncadd.s32 $0xFFFFE000  }
0x3c5: {  	_ =	swait.ge [sflag:s14], $0x2000  }
0x3c6: {  	[sflag:s14] =	ssyncset.done $0x0  }
0x3c7: {  	s30 =	simm.s32 $0x4;
	s1 =	simm.s32 $0x0;
	[sflag:s14] =	ssyncadd.s32 $0xFFFFE000  }
0x3c8: {  	s8 =	simm.s32 $0x3;
	v0 =	vmov s1;
	_ =	swait.ge [sflag:s30], $0x2000  }
0x3c9: {  	s10 =	simm.s32 $0x1;
	v2 =	vmov s8;
	v0 =	vand.u32 $0xFFFFFFFC, v0;
	[sflag:s30] =	ssyncset.done $0x0  }
0x3ca: {  	s15 =	simm.s32 $0x6;
	s12 =	simm.s32 $0x2;
	v3 =	vmov s10;
	v0 =	vbroadcast v0, $0x0;
	[sflag:s30] =	ssyncadd.s32 $0xFFFFE000  }
0x3cb: {  	v4 =	vmov s12;
	v3 =	vand.u32 $0xFFFFFFFD, v3;
	_ =	swait.ge [sflag:s15], $0x2000  }
0x3cc: {  	v4 =	vand.u32 $0xFFFFFFFE, v4;
	v3 =	vbroadcast v3, $0x0;
	[sflag:s15] =	ssyncset.done $0x0  }
0x3cd: {  	v4 =	vbroadcast v4, $0x0;
	[sflag:s15] =	ssyncadd.s32 $0xFFFFE000  }
0x3ce: {  	v5 =	vld.idx.msk [tilespmem:v2+s7+$0x0], $0xffff  }
0x3cf: {  	v2 =	vld.idx.msk [tilespmem:v2+s9+$0x0], $0xffff  }
0x3d0: {  	v6 =	vld.idx.msk [tilespmem:v0+s7+$0x0], $0xffff  }
0x3d1: {  	v0 =	vld.idx.msk [tilespmem:v0+s9+$0x0], $0xffff  }
0x3d2: {  	v7 =	vld.idx.msk [tilespmem:v3+s7+$0x0], $0xffff  }
0x3d3: {  	v8 =	vld.idx.msk [tilespmem:v4+s9+$0x0], $0xffff  }
0x3d4: {  	v3 =	vld.idx.msk [tilespmem:v3+s9+$0x0], $0xffff  }
0x3d5: {  	s21 =	simm.s32 $0x3500;
	s16 =	simm.s32 $0x800;
	v4 =	vld.idx.msk [tilespmem:v4+s7+$0x0], $0xffff  }
0x3d6: {  	s19 =	simm.s32 $0x7500;
	s17 =	sand.u32 $0x380, s1;
	s0 =	sand.u32 $0x1800, s16;
	v55 =	vld [tilespmem:s21+$0x0]  }
0x3d7: {  	s24 =	sor.u32 s17, s0;
	v56 =	vld [tilespmem:s19+$0x0]  }
0x3d8: {  	v57 =	vld [tilespmem:s24+$0xB400]  }
0x3d9: {  	s18 =	simm.s32 $0x400;
	v58 =	vld [tilespmem:s21+$0xFFFFFF00];
	v8 =	vcvt.s32.f32 v8  }
0x3da: {  	s20 =	simm.s32 $0xC00;
	s0 =	sand.u32 $0x1400, s18;
	v59 =	vld [tilespmem:s21+$0xFFFFFF80]  }
0x3db: {  	s8 =	sand.u32 $0x1C00, s20;
	s20 =	sor.u32 s17, s0;
	v60 =	vld [tilespmem:s21+$0x80];
	v14 =	vcvt.s32.f32 v4;
	v4 =	vmul.f32 v8, v55  }
0x3dc: {  	s25 =	sand.u32 $0x1000, s1;
	s12 =	sor.u32 s17, s8;
	v61 =	vld [tilespmem:s20+$0xB400]  }
0x3dd: {  	s18 =	sor.u32 s17, s25;
	v62 =	vld [tilespmem:s12+$0xB400];
	v10 =	vmul.f32 v14, v56;
	v4 =	vadd.f32 v4, v57  }
0x3de: {  	v63 =	vld [tilespmem:s18+$0xB400]  }
0x3df: {  	v51 =	vcvt.s32.f32 v0;
	v0 =	vld [tilespmem:s19+$0xFFFFFF00];
	v4 =	vadd.f32 v10, v4  }
0x3e0: {  	v53 =	vcvt.s32.f32 v3;
	v3 =	vld [tilespmem:s19+$0xFFFFFF80]  }
0x3e1: {  	v50 =	vcvt.s32.f32 v2;
	v2 =	vld [tilespmem:s19+$0x80];
	[tilespmem:s24+$0xF400] =	vst v4  }
0x3e2: {  	v54 =	vcvt.s32.f32 v6;
	v6 =	vld [tilespmem:s21+$0x10]  }
0x3e3: {  	v55 =	vcvt.s32.f32 v7;
	v7 =	vld [tilespmem:s24+$0xB410];
	v4 =	vmul.f32 v53, v59  }
0x3e4: {  	v17 =	vmul.f32 v51, v58;
	v9 =	vmul.f32 v50, v60;
	v18 =	vld [tilespmem:s19+$0x10]  }
0x3e5: {  	v19 =	vld [tilespmem:s12+$0xB410];
	v52 =	vcvt.s32.f32 v5;
	v3 =	vmul.f32 v55, v3;
	v4 =	vadd.f32 v4, v61  }
0x3e6: {  	v5 =	vld [tilespmem:s20+$0xB410];
	v9 =	vadd.f32 v9, v62;
	v0 =	vmul.f32 v54, v0;
	v10 =	vadd.f32 v17, v63  }
0x3e7: {  	v58 =	vld [tilespmem:s18+$0xB410];
	v2 =	vmul.f32 v52, v2;
	v3 =	vadd.f32 v3, v4;
	v4 =	vmul.f32 v8, v6  }
0x3e8: {  	v60 =	vld [tilespmem:s24+$0xB420];
	v0 =	vadd.f32 v0, v10  }
0x3e9: {  	v56 =	vld [tilespmem:s12+$0xB430];
	v2 =	vadd.f32 v2, v9;
	[tilespmem:s20+$0xF400] =	vst v3;
	v3 =	vadd.f32 v4, v7;
	v4 =	vmul.f32 v14, v18  }
0x3ea: {  	[tilespmem:s18+$0xF400] =	vst v0;
	v7 =	vld [tilespmem:s21+$0xFFFFFF90]  }
0x3eb: {  	[tilespmem:s12+$0xF400] =	vst v2;
	v6 =	vld [tilespmem:s21+$0xFFFFFF10];
	v2 =	vadd.f32 v4, v3  }
0x3ec: {  	v4 =	vld [tilespmem:s19+$0xFFFFFF90]  }
0x3ed: {  	v59 =	vld [tilespmem:s19+$0xFFFFFF10];
	[tilespmem:s24+$0xF410] =	vst v2  }
0x3ee: {  	v2 =	vld [tilespmem:s21+$0x20]  }
0x3ef: {  	v62 =	vld [tilespmem:s18+$0xB420];
	v7 =	vmul.f32 v53, v7  }
0x3f0: {  	v6 =	vmul.f32 v51, v6;
	v61 =	vld [tilespmem:s19+$0x20]  }
0x3f1: {  	v3 =	vld [tilespmem:s21+$0x90];
	v5 =	vadd.f32 v7, v5;
	v4 =	vmul.f32 v55, v4  }
0x3f2: {  	v57 =	vld [tilespmem:s20+$0xB430];
	v9 =	vmul.f32 v54, v59;
	v6 =	vadd.f32 v6, v58  }
0x3f3: {  	v7 =	vld [tilespmem:s19+$0x90];
	v4 =	vadd.f32 v4, v5;
	v2 =	vmul.f32 v8, v2  }
0x3f4: {  	v0 =	vld [tilespmem:s20+$0xB420];
	v5 =	vadd.f32 v9, v6  }
0x3f5: {  	v59 =	vld [tilespmem:s18+$0xB430];
	[tilespmem:s20+$0xF410] =	vst v4;
	v4 =	vmul.f32 v14, v61;
	v2 =	vadd.f32 v2, v60  }
0x3f6: {  	v3 =	vmul.f32 v50, v3;
	[tilespmem:s18+$0xF410] =	vst v5;
	v5 =	vld [tilespmem:s21+$0xFFFFFFA0]  }
0x3f7: {  	v6 =	vld [tilespmem:s21+$0xFFFFFF20];
	v2 =	vadd.f32 v4, v2  }
0x3f8: {  	v3 =	vadd.f32 v3, v19;
	v4 =	vmul.f32 v52, v7;
	v7 =	vld [tilespmem:s19+$0xFFFFFFA0]  }
0x3f9: {  	v63 =	vld [tilespmem:s19+$0xFFFFFF20];
	[tilespmem:s24+$0xF420] =	vst v2  }
0x3fa: {  	s28 =	simm.s32 $0x7;
	v2 =	vadd.f32 v4, v3;
	v3 =	vld [tilespmem:s21+$0x30]  }
0x3fb: {  	v16 =	vmov s28;
	v4 =	vmul.f32 v53, v5;
	v5 =	vld [tilespmem:s24+$0xB430]  }
0x3fc: {  	[tilespmem:s12+$0xF410] =	vst v2;
	v2 =	vmul.f32 v51, v6;
	v6 =	vld [tilespmem:s19+$0x30]  }
0x3fd: {  	s29 =	simm.s32 $0x4;
	v4 =	vadd.f32 v4, v0;
	v7 =	vmul.f32 v55, v7;
	v17 =	vld [tilespmem:s21+$0xA0]  }
0x3fe: {  	v18 =	vmov s29;
	v9 =	vmul.f32 v54, v63;
	v0 =	vld [tilespmem:s19+$0xA0];
	v2 =	vadd.f32 v2, v62  }
0x3ff: {  	s30 =	simm.s32 $0x5;
	v58 =	vld [tilespmem:s12+$0xB420];
	v19 =	vand.u32 $0xFFFFFFFC, v18;
	v7 =	vadd.f32 v7, v4;
	v3 =	vmul.f32 v8, v3  }
0x400: {  	v60 =	vld.idx.msk [tilespmem:v16+s7+$0x0], $0xffff;
	v4 =	vbroadcast v19, $0x0;
	v8 =	vmov s30;
	v9 =	vadd.f32 v9, v2  }
0x401: {  	v2 =	vld.idx.msk [tilespmem:v16+s9+$0x0], $0xffff;
	v8 =	vand.u32 $0xFFFFFFFD, v8;
	[tilespmem:s20+$0xF420] =	vst v7;
	v62 =	vmul.f32 v14, v6;
	v61 =	vadd.f32 v3, v5  }
0x402: {  	s10 =	simm.s32 $0x0;
	s16 =	simm.s32 $0x8;
	s0 =	simm.s32 $0x6;
	v3 =	vbroadcast v8, $0x0;
	[tilespmem:s18+$0xF420] =	vst v9;
	v63 =	vld [tilespmem:s21+$0xFFFFFFB0];
	v6 =	vmul.f32 v50, v17  }
.LBB2_11:
0x403: {  	p0 =	slt.u32 s16, $0x3C;
	v5 =	vmov s0;
	v7 =	vld [tilespmem:s21+$0xFFFFFF30];
	v8 =	vadd.f32 v62, v61;
	v0 =	vmul.f32 v52, v0  }
0x404: {  	v5 =	vand.u32 $0xFFFFFFFE, v5;
	v9 =	vld [tilespmem:s19+$0xFFFFFFB0];
	v6 =	vadd.f32 v6, v58  }
0x405: {  	v5 =	vbroadcast v5, $0x0;
	v10 =	vld [tilespmem:s19+$0xFFFFFF30];
	[tilespmem:s24+$0xF430] =	vst v8  }
0x406: {  	v8 =	vld.idx.msk [tilespmem:v4+s7+$0x0], $0xffff;
	v0 =	vadd.f32 v0, v6  }
0x407: {  	v4 =	vld.idx.msk [tilespmem:v4+s9+$0x0], $0xffff;
	v6 =	vmul.f32 v53, v63  }
0x408: {  	v11 =	vld.idx.msk [tilespmem:v3+s7+$0x0], $0xffff;
	v7 =	vmul.f32 v51, v7;
	[tilespmem:s12+$0xF420] =	vst v0  }
0x409: {  	v0 =	vadd.f32 v6, v57;
	v6 =	vmul.f32 v55, v9;
	v9 =	vld [tilespmem:s21+$0xB0]  }
0x40a: {  	v7 =	vadd.f32 v7, v59;
	v10 =	vmul.f32 v54, v10;
	v12 =	vld [tilespmem:s19+$0xB0]  }
0x40b: {  	v13 =	vld.idx.msk [tilespmem:v5+s9+$0x0], $0xffff;
	v0 =	vadd.f32 v6, v0  }
0x40c: {  	s1 =	sadd.s32 $0x1000, s1;
	v3 =	vld.idx.msk [tilespmem:v3+s9+$0x0], $0xffff;
	v6 =	vadd.f32 v10, v7  }
0x40d: {  	s10 =	sadd.s32 $0x40, s10;
	s0 =	sadd.s32 $0x800, s1;
	s21 =	sadd.s32 $0x200, s21;
	v5 =	vld.idx.msk [tilespmem:v5+s7+$0x0], $0xffff;
	[tilespmem:s20+$0xF430] =	vst v0  }
0x40e: {  	s4 =	sand.u32 $0x380, s10;
	s0 =	sand.u32 $0x1800, s0;
	s19 =	sadd.s32 $0x200, s19;
	v0 =	vld [tilespmem:s21+$0x0];
	[tilespmem:s18+$0xF430] =	vst v6;
	v6 =	vmul.f32 v50, v9  }
0x40f: {  	s8 =	sadd.s32 $0x400, s1;
	s24 =	sor.u32 s4, s0;
	s0 =	sadd.s32 $0xC00, s1;
	v7 =	vld [tilespmem:s19+$0x0];
	v9 =	vmul.f32 v52, v12  }
0x410: {  	s15 =	sand.u32 $0x1000, s1;
	s8 =	sand.u32 $0x1400, s8;
	s0 =	sand.u32 $0x1C00, s0;
	v10 =	vld [tilespmem:s24+$0xB400];
	v6 =	vadd.f32 v6, v56  }
0x411: {  	s0 =	sor.u32 s4, s0;
	s20 =	sor.u32 s4, s8;
	s18 =	sor.u32 s4, s15;
	v61 =	vcvt.s32.f32 v13;
	v12 =	vld [tilespmem:s21+$0xFFFFFF00]  }
0x412: {  	v13 =	vld [tilespmem:s21+$0xFFFFFF80];
	v6 =	vadd.f32 v9, v6  }
0x413: {  	v62 =	vcvt.s32.f32 v5;
	v0 =	vmul.f32 v61, v0;
	v5 =	vld [tilespmem:s21+$0x80]  }
0x414: {  	v51 =	vcvt.s32.f32 v4;
	v4 =	vld [tilespmem:s20+$0xB400];
	[tilespmem:s12+$0xF430] =	vst v6;
	s12 =	smov.u32 s0  }
0x415: {  	v53 =	vcvt.s32.f32 v3;
	v3 =	vmul.f32 v62, v7;
	v0 =	vadd.f32 v0, v10;
	v6 =	vld [tilespmem:s12+$0xB400]  }
0x416: {  	v50 =	vcvt.s32.f32 v2;
	v7 =	vld [tilespmem:s18+$0xB400];
	v9 =	vmul.f32 v51, v12  }
0x417: {  	v2 =	vld [tilespmem:s19+$0xFFFFFF00];
	v10 =	vmul.f32 v53, v13;
	v0 =	vadd.f32 v3, v0  }
0x418: {  	v3 =	vld [tilespmem:s19+$0xFFFFFF80];
	v5 =	vmul.f32 v50, v5  }
0x419: {  	v4 =	vadd.f32 v10, v4;
	[tilespmem:s24+$0xF400] =	vst v0;
	v0 =	vld [tilespmem:s19+$0x80]  }
0x41a: {  	v54 =	vcvt.s32.f32 v8;
	v8 =	vld [tilespmem:s21+$0x10];
	v5 =	vadd.f32 v5, v6  }
0x41b: {  	v55 =	vcvt.s32.f32 v11;
	v6 =	vadd.f32 v9, v7;
	v7 =	vld [tilespmem:s24+$0xB410]  }
0x41c: {  	v52 =	vcvt.s32.f32 v60;
	v2 =	vmul.f32 v54, v2;
	v9 =	vld [tilespmem:s19+$0x10]  }
0x41d: {  	v3 =	vmul.f32 v55, v3;
	v10 =	vld [tilespmem:s20+$0xB410]  }
0x41e: {  	v2 =	vadd.f32 v2, v6;
	v0 =	vmul.f32 v52, v0;
	v6 =	vld [tilespmem:s12+$0xB410]  }
0x41f: {  	v11 =	vld [tilespmem:s18+$0xB410];
	v3 =	vadd.f32 v3, v4;
	v4 =	vmul.f32 v61, v8  }
0x420: {  	[tilespmem:s18+$0xF400] =	vst v2;
	v2 =	vld [tilespmem:s20+$0xB420];
	v0 =	vadd.f32 v0, v5  }
0x421: {  	v5 =	vld [tilespmem:s21+$0xFFFFFF10];
	[tilespmem:s20+$0xF400] =	vst v3;
	v3 =	vadd.f32 v4, v7;
	v4 =	vmul.f32 v62, v9  }
0x422: {  	v7 =	vld [tilespmem:s21+$0xFFFFFF90];
	[tilespmem:s12+$0xF400] =	vst v0  }
0x423: {  	v0 =	vadd.f32 v4, v3;
	v3 =	vld [tilespmem:s21+$0x90]  }
0x424: {  	v4 =	vld [tilespmem:s19+$0xFFFFFF90]  }
0x425: {  	v8 =	vld [tilespmem:s19+$0xFFFFFF10];
	[tilespmem:s24+$0xF410] =	vst v0  }
0x426: {  	v0 =	vmul.f32 v51, v5;
	v5 =	vld [tilespmem:s21+$0x20]  }
0x427: {  	v7 =	vmul.f32 v53, v7;
	v9 =	vld [tilespmem:s24+$0xB420]  }
0x428: {  	v0 =	vadd.f32 v0, v11;
	v11 =	vld [tilespmem:s19+$0x20];
	v3 =	vmul.f32 v50, v3  }
0x429: {  	v7 =	vadd.f32 v7, v10;
	v4 =	vmul.f32 v55, v4;
	v10 =	vld [tilespmem:s19+$0x90]  }
0x42a: {  	v8 =	vmul.f32 v54, v8;
	v3 =	vadd.f32 v3, v6;
	v58 =	vld [tilespmem:s12+$0xB420]  }
0x42b: {  	v6 =	vld [tilespmem:s18+$0xB420];
	v4 =	vadd.f32 v4, v7;
	v5 =	vmul.f32 v61, v5  }
0x42c: {  	v0 =	vadd.f32 v8, v0;
	v57 =	vld [tilespmem:s20+$0xB430]  }
0x42d: {  	[tilespmem:s20+$0xF410] =	vst v4;
	v4 =	vadd.f32 v5, v9;
	v5 =	vmul.f32 v62, v11;
	v56 =	vld [tilespmem:s12+$0xB430]  }
0x42e: {  	[tilespmem:s18+$0xF410] =	vst v0;
	v0 =	vld [tilespmem:s21+$0xFFFFFFA0];
	v7 =	vmul.f32 v52, v10  }
0x42f: {  	v8 =	vld [tilespmem:s21+$0xFFFFFF20];
	v4 =	vadd.f32 v5, v4  }
0x430: {  	v5 =	vld [tilespmem:s19+$0xFFFFFFA0];
	v3 =	vadd.f32 v7, v3  }
0x431: {  	v7 =	vld [tilespmem:s19+$0xFFFFFF20];
	[tilespmem:s24+$0xF420] =	vst v4  }
0x432: {  	s0 =	sadd.s32 $0x3, s16;
	v4 =	vld [tilespmem:s21+$0x30];
	[tilespmem:s12+$0xF410] =	vst v3  }
0x433: {  	v3 =	vmov s0;
	v0 =	vmul.f32 v53, v0;
	v9 =	vld [tilespmem:s24+$0xB430]  }
0x434: {  	v8 =	vmul.f32 v51, v8;
	v10 =	vld [tilespmem:s19+$0x30]  }
0x435: {  	v2 =	vadd.f32 v0, v2;
	v5 =	vmul.f32 v55, v5;
	v11 =	vld [tilespmem:s21+$0xA0]  }
.Ltmp4:
0x436: {  	v12 =	vmov s16;
	v6 =	vadd.f32 v8, v6;
	v7 =	vmul.f32 v54, v7;
	v0 =	vld [tilespmem:s19+$0xA0];
	(pc) =	sbr.rel @p0 .LBB2_11-.Ltmp4, $4  }
0x437: {  	s0 =	sadd.s32 $0x1, s16;
	v8 =	vand.u32 $0xFFFFFFFC, v12;
	v59 =	vld [tilespmem:s18+$0xB430];
	v5 =	vadd.f32 v5, v2;
	v12 =	vmul.f32 v61, v4  }
0x438: {  	v4 =	vbroadcast v8, $0x0;
	v2 =	vmov s0;
	v60 =	vld.idx.msk [tilespmem:v3+s7+$0x0], $0xffff;
	v6 =	vadd.f32 v7, v6  }
0x439: {  	v7 =	vand.u32 $0xFFFFFFFD, v2;
	v2 =	vld.idx.msk [tilespmem:v3+s9+$0x0], $0xffff;
	[tilespmem:s20+$0xF420] =	vst v5;
	v61 =	vadd.f32 v12, v9;
	v62 =	vmul.f32 v62, v10  }
0x43a: {  	s0 =	sadd.s32 $0x2, s16;
	s16 =	sadd.s32 $0x4, s16;
	v3 =	vbroadcast v7, $0x0;
	[tilespmem:s18+$0xF420] =	vst v6;
	v63 =	vld [tilespmem:s21+$0xFFFFFFB0];
	v6 =	vmul.f32 v50, v11  }
0x43b: {  	_ =	sdelay $0x1  }
0x43c: {  	v5 =	vmov s0  }
0x43d: {  	v5 =	vand.u32 $0xFFFFFFFE, v5  }
0x43e: {  	v7 =	vld.idx.msk [tilespmem:v4+s7+$0x0], $0xffff;
	v5 =	vbroadcast v5, $0x0  }
0x43f: {  	v8 =	vld.idx.msk [tilespmem:v4+s9+$0x0], $0xffff  }
0x440: {  	v9 =	vld.idx.msk [tilespmem:v3+s7+$0x0], $0xffff  }
0x441: {  	s25 =	sadd.s32 $0x200, s19;
	v10 =	vld.idx.msk [tilespmem:v3+s9+$0x0], $0xffff  }
0x442: {  	s4 =	sadd.s32 $0x200, s21;
	v11 =	vld [tilespmem:s25+$0x0]  }
0x443: {  	v13 =	vld [tilespmem:s4+$0xFFFFFF00]  }
0x444: {  	s17 =	sadd.s32 $0x1000, s1;
	v19 =	vld.idx.msk [tilespmem:v5+s9+$0x0], $0xffff  }
0x445: {  	s8 =	sadd.s32 $0x40, s10;
	s1 =	sadd.s32 $0x800, s17;
	v3 =	vld.idx.msk [tilespmem:v5+s7+$0x0], $0xffff  }
0x446: {  	s8 =	sand.u32 $0x380, s8;
	s1 =	sand.u32 $0x1800, s1;
	v5 =	vld [tilespmem:s4+$0x0]  }
0x447: {  	s28 =	sadd.s32 $0x400, s17;
	v14 =	vld [tilespmem:s4+$0xFFFFFF80];
	s1 =	sor.u32 s8, s1  }
0x448: {  	s15 =	sadd.s32 $0xC00, s17;
	s10 =	sand.u32 $0x1400, s28;
	v12 =	vld [tilespmem:s1+$0xB400]  }
0x449: {  	v15 =	vld [tilespmem:s4+$0x80];
	s15 =	sand.u32 $0x1C00, s15;
	s10 =	sor.u32 s8, s10;
	v4 =	vcvt.s32.f32 v19  }
0x44a: {  	s16 =	sand.u32 $0x1000, s17;
	s29 =	sor.u32 s8, s15;
	v16 =	vld [tilespmem:s10+$0xB400]  }
0x44b: {  	s16 =	sor.u32 s8, s16;
	v18 =	vld [tilespmem:s29+$0xB400];
	v3 =	vcvt.s32.f32 v3;
	v17 =	vmul.f32 v4, v5  }
0x44c: {  	v0 =	vmul.f32 v52, v0;
	v6 =	vadd.f32 v6, v58;
	v19 =	vld [tilespmem:s16+$0xB400]  }
0x44d: {  	v5 =	vcvt.s32.f32 v8;
	v11 =	vmul.f32 v3, v11;
	v8 =	vadd.f32 v17, v12;
	v12 =	vld [tilespmem:s25+$0xFFFFFF00]  }
0x44e: {  	v2 =	vcvt.s32.f32 v2;
	v0 =	vadd.f32 v0, v6;
	v17 =	vld [tilespmem:s25+$0xFFFFFF80]  }
0x44f: {  	v7 =	vcvt.s32.f32 v7;
	v10 =	vcvt.s32.f32 v10;
	v8 =	vadd.f32 v11, v8;
	v11 =	vld [tilespmem:s25+$0x80]  }
0x450: {  	v20 =	vld [tilespmem:s29+$0xB410];
	[tilespmem:s12+$0xF420] =	vst v0;
	v15 =	vmul.f32 v2, v15;
	v13 =	vmul.f32 v5, v13  }
0x451: {  	v0 =	vld [tilespmem:s21+$0xFFFFFF30];
	v14 =	vmul.f32 v10, v14;
	[tilespmem:s1+$0xF400] =	vst v8;
	v8 =	vcvt.s32.f32 v9  }
0x452: {  	v13 =	vadd.f32 v13, v19;
	v19 =	vcvt.s32.f32 v60;
	v9 =	vld [tilespmem:s4+$0x10];
	v12 =	vmul.f32 v7, v12  }
0x453: {  	v14 =	vadd.f32 v14, v16;
	v16 =	vld [tilespmem:s1+$0xB410];
	v17 =	vmul.f32 v8, v17  }
0x454: {  	v15 =	vadd.f32 v15, v18;
	v60 =	vld [tilespmem:s25+$0x10];
	v12 =	vadd.f32 v12, v13;
	v11 =	vmul.f32 v19, v11  }
0x455: {  	v13 =	vld [tilespmem:s10+$0xB410];
	v14 =	vadd.f32 v17, v14  }
0x456: {  	v17 =	vld [tilespmem:s16+$0xB410];
	[tilespmem:s16+$0xF400] =	vst v12;
	v11 =	vadd.f32 v11, v15  }
0x457: {  	v12 =	vld [tilespmem:s4+$0xFFFFFF10];
	[tilespmem:s10+$0xF400] =	vst v14;
	v9 =	vmul.f32 v4, v9  }
0x458: {  	v14 =	vld [tilespmem:s4+$0xFFFFFF90];
	[tilespmem:s29+$0xF400] =	vst v11  }
0x459: {  	v60 =	vmul.f32 v3, v60;
	v11 =	vld [tilespmem:s4+$0x90];
	v9 =	vadd.f32 v9, v16  }
0x45a: {  	v18 =	vld [tilespmem:s25+$0xFFFFFF10]  }
0x45b: {  	v16 =	vld [tilespmem:s25+$0xFFFFFF90];
	v9 =	vadd.f32 v60, v9  }
0x45c: {  	v60 =	vld [tilespmem:s25+$0x90];
	v12 =	vmul.f32 v5, v12  }
0x45d: {  	v14 =	vmul.f32 v10, v14;
	[tilespmem:s1+$0xF410] =	vst v9;
	v9 =	vld [tilespmem:s10+$0xB420]  }
0x45e: {  	v12 =	vadd.f32 v12, v17;
	v17 =	vld [tilespmem:s1+$0xB420];
	v11 =	vmul.f32 v2, v11  }
0x45f: {  	v18 =	vmul.f32 v7, v18;
	v13 =	vadd.f32 v14, v13;
	v14 =	vld [tilespmem:s4+$0x20]  }
0x460: {  	v16 =	vmul.f32 v8, v16;
	v11 =	vadd.f32 v11, v20;
	v20 =	vld [tilespmem:s29+$0xB420]  }
0x461: {  	v12 =	vadd.f32 v18, v12;
	v15 =	vmul.f32 v19, v60;
	v18 =	vld [tilespmem:s16+$0xB420]  }
0x462: {  	v13 =	vadd.f32 v16, v13;
	v16 =	vld [tilespmem:s25+$0x20]  }
0x463: {  	[tilespmem:s16+$0xF410] =	vst v12;
	v11 =	vadd.f32 v15, v11;
	v15 =	vld [tilespmem:s19+$0xFFFFFFB0]  }
0x464: {  	[tilespmem:s10+$0xF410] =	vst v13;
	v13 =	vld [tilespmem:s4+$0xFFFFFF20]  }
0x465: {  	v21 =	vld [tilespmem:s25+$0xFFFFFF20]  }
0x466: {  	v12 =	vld [tilespmem:s4+$0xFFFFFFA0]  }
0x467: {  	v60 =	vld [tilespmem:s25+$0xFFFFFFA0];
	[tilespmem:s29+$0xF410] =	vst v11;
	v58 =	vmul.f32 v4, v14  }
0x468: {  	v11 =	vld [tilespmem:s4+$0xA0]  }
0x469: {  	v14 =	vld [tilespmem:s25+$0xA0];
	v6 =	vadd.f32 v58, v17;
	v16 =	vmul.f32 v3, v16  }
0x46a: {  	v17 =	vld [tilespmem:s21+$0xB0]  }
0x46b: {  	v13 =	vmul.f32 v5, v13;
	v6 =	vadd.f32 v16, v6;
	v58 =	vmul.f32 v7, v21;
	v16 =	vld [tilespmem:s29+$0xB430]  }
0x46c: {  	v21 =	vmul.f32 v53, v63;
	v63 =	vld [tilespmem:s16+$0xB430];
	v12 =	vmul.f32 v10, v12  }
0x46d: {  	v13 =	vadd.f32 v13, v18;
	v18 =	vld [tilespmem:s19+$0xFFFFFF30]  }
0x46e: {  	[tilespmem:s1+$0xF420] =	vst v6;
	v9 =	vadd.f32 v12, v9;
	v12 =	vld [tilespmem:s10+$0xB430]  }
0x46f: {  	v60 =	vmul.f32 v8, v60;
	v11 =	vmul.f32 v2, v11;
	v22 =	vld [tilespmem:s25+$0x30]  }
0x470: {  	v58 =	vadd.f32 v58, v13;
	v13 =	vld [tilespmem:s4+$0x30]  }
0x471: {  	v11 =	vadd.f32 v11, v20;
	v20 =	vld [tilespmem:s1+$0xB430];
	v9 =	vadd.f32 v60, v9;
	v60 =	vmul.f32 v19, v14  }
0x472: {  	v14 =	vld [tilespmem:s19+$0xB0];
	[tilespmem:s16+$0xF420] =	vst v58  }
0x473: {  	[tilespmem:s10+$0xF420] =	vst v9;
	v60 =	vadd.f32 v60, v11;
	v11 =	vld [tilespmem:s4+$0xFFFFFF30]  }
0x474: {  	v0 =	vmul.f32 v51, v0;
	v6 =	vld [tilespmem:s4+$0xFFFFFFB0]  }
0x475: {  	v15 =	vmul.f32 v55, v15;
	v21 =	vadd.f32 v21, v57;
	v57 =	vld [tilespmem:s25+$0xFFFFFFB0];
	[tilespmem:s29+$0xF420] =	vst v60  }
0x476: {  	v0 =	vadd.f32 v0, v59;
	v17 =	vmul.f32 v50, v17;
	v9 =	vld [tilespmem:s4+$0xB0]  }
0x477: {  	v59 =	vadd.f32 v62, v61;
	v15 =	vadd.f32 v15, v21;
	v18 =	vmul.f32 v54, v18;
	v58 =	vld [tilespmem:s25+$0xFFFFFF30]  }
0x478: {  	v17 =	vadd.f32 v17, v56;
	v4 =	vmul.f32 v4, v13;
	v14 =	vmul.f32 v52, v14;
	v60 =	vld [tilespmem:s25+$0xB0]  }
0x479: {  	v3 =	vmul.f32 v3, v22;
	v0 =	vadd.f32 v18, v0;
	v6 =	vmul.f32 v10, v6  }
0x47a: {  	[tilespmem:s24+$0xF430] =	vst v59;
	v4 =	vadd.f32 v4, v20;
	v14 =	vadd.f32 v14, v17;
	v5 =	vmul.f32 v5, v11  }
0x47b: {  	[tilespmem:s20+$0xF430] =	vst v15;
	v8 =	vmul.f32 v8, v57;
	v6 =	vadd.f32 v6, v12;
	v2 =	vmul.f32 v2, v9  }
0x47c: {  	[tilespmem:s18+$0xF430] =	vst v0;
	v61 =	vmul.f32 v7, v58;
	v0 =	vadd.f32 v3, v4;
	v3 =	vadd.f32 v5, v63  }
0x47d: {  	[tilespmem:s12+$0xF430] =	vst v14;
	v63 =	vmul.f32 v19, v60;
	v62 =	vadd.f32 v8, v6;
	v2 =	vadd.f32 v2, v16  }
0x47e: {  	s26 =	sadd.s32 $0x1, s26;
	[tilespmem:s1+$0xF430] =	vst v0;
	v0 =	vadd.f32 v61, v3  }
0x47f: {  	p0 =	sne.s32 s26, $0x19;
	[tilespmem:s10+$0xF430] =	vst v62;
	v2 =	vadd.f32 v63, v2  }
.Ltmp5:
0x480: {  	s1 =	rddreg [dreg:$0x9];
	[tilespmem:s16+$0xF430] =	vst v0;
	(pc) =	sbr.rel @p0 .LBB2_2-.Ltmp5, $4  }
0x481: {  	s1 =	sadd.s32 s1, s11;
	[tilespmem:s29+$0xF430] =	vst v2  }
0x482: {  	s1 =	sshrl.u32 s1, $0x3;
	s0 =	rddreg [dreg:$0x5]  }
0x483: {  	s30 =	simm.s32 $0xF400;
	s0 =	sadd.s32 s0, s1  }
0x484: {  	[hbm4b:s0+s22] =	stream.strided.scatter [tilespmem:s30], [sflag:$0x6], $0x2000, s23, s22, $0x38;
	[tilespmem:$0x11400] =	vst v63  }
0x485: {  	s0 =	simm.s32 $0x5  }
0x486: {  	_ =	swait.ge [sflag:s0], $0x2000  }
0x487: {  	[sflag:s0] =	ssyncset.done $0x0  }
0x488: {  	s1 =	simm.s32 $0x6;
	[sflag:s0] =	ssyncadd.s32 $0xFFFFE000  }
0x489: {  	_ =	swait.ge [sflag:s1], $0x2000  }
0x48a: {  	s4 =	rddreg [dreg:$0xb]  }
0x48b: {  	s30 =	rddreg [dreg:$0xa];
	s4 =	sadd.s32 $0x1, s4  }
0x48c: {  	p0 =	sne.s32 s4, s30  }
.Ltmp6:
0x48d: {  	_ = 	snop;
	(pc) =	sbr.rel @p0 .LBB2_1-.Ltmp6, $3  }
0x48e: {  	_ =	sdelay $0x1  }
0x48f: {  	[sflag:s1] =	ssyncset.done $0x0  }
0x490: {  	[sflag:s1] =	ssyncadd.s32 $0xFFFFE000  }
0x491: {  	_ =	sfence.sel $0x180000  }
0x492: {  	[bflag:$0x0] =	sbarrier.arrive $0xFFFF  }
0x493: {  	_ =	strace $0x90000047  }
0x494: {  	s0 =	stileid.u32;
	[bflag:$0x2] =	sbarrier.arrive $0xFFFF  }
0x495: {  	p0 =	sne.s32 s0, $0x0;
	s0 =	rddreg [dreg:$0x2]  }
0x496: {  	s0 =	sadd.s32 @!p0 $0x100000, s0  }
0x497: {  	[sflag:s0] =	ssyncadd.tile.s32 @!p0 $0x1;
	_ =	shalt  }
.Lfunc_end2:
_tile_overlayer_lowered:
.L_overlay_start_2:
0x498: {  	(tag) =	ssettag $0x2  }
0x499: {  	s0 =	rddreg [dreg:$0x0];
	s2 =	stileid.u32  }
0x49a: {  	s1 =	rddreg [dreg:$0x1];
	p0 =	sne.s32 s2, $0x0  }
0x49b: {  	s3 =	rddreg [dreg:$0x2];
	[bflag:$0x3] =	sbarrier.arrive $0xFFFF;
	s2 =	simm.s32 @!p0 $0x1C07  }
0x49c: {  	[timem:s3], [sflag:s2] =	dma.local @!p0 [hbm:s0], s1  }
0x49d: {  	s0 =	simm.s32 @!p0 $0x7  }
0x49e: {  	_ =	swait.ge @!p0 [sflag:s0], s1  }
0x49f: {  	s1 =	ssub.s32 @!p0 $0x0, s1;
	[sflag:s0] =	ssyncset.done @!p0 $0x0  }
0x4a0: {  	[sflag:s0] =	ssyncadd.s32 @!p0 s1  }
0x4a1: {  	[bflag:$0x3] =	sbarrier.arrive $0xFFFF  }
0x4a2: {  	_ =	shalt  }

</sc_bundles>
